<compile_context>
chip_gen: v7x
topology: tpu7x:2x2x1
jax: 0.10.2.dev20260603
libtpu: 0.0.44.dev20260713+nightly
codegen_flags: <defaults>
</compile_context>

<pallas_src>
import functools

import jax
import jax.numpy as jnp
from jax import lax
from jax.experimental import pallas as pl
from jax.experimental.pallas import tpu as pltpu
from jax.experimental.pallas import tpu_sc as plsc

_NC = 2
_NS = 16
_NW = _NC * _NS


@functools.lru_cache(maxsize=None)
def _mesh():
    return plsc.VectorSubcoreMesh(core_axis_name="c", subcore_axis_name="s",
                                  num_cores=_NC, num_subcores=_NS)


def _leaky(x):
    return jnp.where(x >= 0, x, 0.01 * x)


def _dot(a, b):
    ah = a.astype(jnp.bfloat16)
    al = (a - ah.astype(jnp.float32)).astype(jnp.bfloat16)
    bh = b.astype(jnp.bfloat16)
    bl = (b - bh.astype(jnp.float32)).astype(jnp.bfloat16)

    def d(x, y):
        return jnp.dot(x, y, preferred_element_type=jnp.float32)

    return d(ah, bh) + d(ah, bl) + d(al, bh)


def _dot_exact_lhs(a_bf16, b):
    bh = b.astype(jnp.bfloat16)
    bl = (b - bh.astype(jnp.float32)).astype(jnp.bfloat16)

    def d(x, y):
        return jnp.dot(x, y, preferred_element_type=jnp.float32)

    return d(a_bf16, bh) + d(a_bf16, bl)




def _seg_sum_call(y, src, dst, with_cnt):
    R, F = y.shape
    E = src.shape[0]
    K = 400
    EW = E // _NW
    CH = EW // K
    RT = R // _NS

    zr = jnp.zeros((R, F), jnp.float32)
    outs = [jax.ShapeDtypeStruct((_NC * R, F), jnp.float32)]
    scratch = [
        pltpu.VMEM((K,), jnp.int32),
        pltpu.VMEM((K,), jnp.int32),
        pltpu.VMEM((K, F), jnp.float32),
        pltpu.VMEM_SHARED((R, F), jnp.float32),
        pltpu.SemaphoreType.DMA,
    ]

    if with_cnt:
        zc = jnp.zeros((R, 16), jnp.float32)
        ones = jnp.ones((K, 16), jnp.float32)
        outs.append(jax.ShapeDtypeStruct((_NC * R, 16), jnp.float32))
        scratch += [
            pltpu.VMEM((K, 16), jnp.float32),
            pltpu.VMEM_SHARED((R, 16), jnp.float32),
        ]

        def body(y_h, s_h, d_h, zr_h, zc_h, on_h, out_h, cnt_h,
                 idx_s, idx_d, rows, acc, sem,
                 ones_v, cacc):
            cid = lax.axis_index("c")
            sid = lax.axis_index("s")
            wid = cid * _NS + sid
            sl = pl.ds(sid * RT, RT)
            pltpu.sync_copy(zr_h.at[sl], acc.at[sl])
            pltpu.sync_copy(zc_h.at[sl], cacc.at[sl])
            pltpu.sync_copy(on_h, ones_v)
            plsc.subcore_barrier()
            base = wid * EW

            def step(i, t):
                off = base + i * K
                pltpu.sync_copy(s_h.at[pl.ds(off, K)], idx_s)
                pltpu.sync_copy(d_h.at[pl.ds(off, K)], idx_d)
                pltpu.async_copy(y_h.at[idx_s], rows, sem).wait()
                pltpu.sync_copy(rows, acc.at[idx_d], add=True)
                pltpu.sync_copy(ones_v, cacc.at[idx_d], add=True)
                return t

            lax.fori_loop(0, CH, step, jnp.int32(0))
            plsc.subcore_barrier()
            pltpu.sync_copy(acc.at[sl], out_h.at[pl.ds(cid * R + sid * RT, RT)])
            pltpu.sync_copy(cacc.at[sl], cnt_h.at[pl.ds(cid * R + sid * RT, RT)])

        fn = pl.kernel(body, out_type=outs, mesh=_mesh(), scratch_types=scratch,
                       compiler_params=pltpu.CompilerParams(use_tc_tiling_on_sc=False))
        out, cnt = fn(y, src, dst, zr, zc, ones)
        return out.reshape(_NC, R, F), cnt.reshape(_NC, R, 16)[:, :, :1]

    def body(y_h, s_h, d_h, zr_h, out_h,
             idx_s, idx_d, rows, acc, sem):
        cid = lax.axis_index("c")
        sid = lax.axis_index("s")
        wid = cid * _NS + sid
        sl = pl.ds(sid * RT, RT)
        pltpu.sync_copy(zr_h.at[sl], acc.at[sl])
        plsc.subcore_barrier()
        base = wid * EW

        def step(i, t):
            off = base + i * K
            pltpu.sync_copy(s_h.at[pl.ds(off, K)], idx_s)
            pltpu.sync_copy(d_h.at[pl.ds(off, K)], idx_d)
            pltpu.async_copy(y_h.at[idx_s], rows, sem).wait()
            pltpu.sync_copy(rows, acc.at[idx_d], add=True)
            return t

        lax.fori_loop(0, CH, step, jnp.int32(0))
        plsc.subcore_barrier()
        pltpu.sync_copy(acc.at[sl], out_h.at[pl.ds(cid * R + sid * RT, RT)])

    fn = pl.kernel(body, out_type=outs, mesh=_mesh(), scratch_types=scratch,
                   compiler_params=pltpu.CompilerParams(use_tc_tiling_on_sc=False))
    (out,) = fn(y, src, dst, zr)
    return out.reshape(_NC, R, F)


def _gather2_call(t1, t2, idx):
    R, F = t1.shape
    B = idx.shape[0]
    PW = B // _NW
    RT = R // _NS

    def body(t1_h, t2_h, id_h, o1_h, o2_h, idx_v, rows, tab, sem):
        cid = lax.axis_index("c")
        sid = lax.axis_index("s")
        wid = cid * _NS + sid
        sl = pl.ds(sid * RT, RT)
        pltpu.sync_copy(id_h.at[pl.ds(wid * PW, PW)], idx_v)
        pltpu.sync_copy(t1_h.at[sl], tab.at[sl])
        plsc.subcore_barrier()
        pltpu.async_copy(tab.at[idx_v], rows, sem).wait()
        pltpu.sync_copy(rows, o1_h.at[pl.ds(wid * PW, PW)])
        plsc.subcore_barrier()
        pltpu.sync_copy(t2_h.at[sl], tab.at[sl])
        plsc.subcore_barrier()
        pltpu.async_copy(tab.at[idx_v], rows, sem).wait()
        pltpu.sync_copy(rows, o2_h.at[pl.ds(wid * PW, PW)])

    outs = [jax.ShapeDtypeStruct((B, F), jnp.float32),
            jax.ShapeDtypeStruct((B, F), jnp.float32)]
    scratch = [
        pltpu.VMEM((PW,), jnp.int32),
        pltpu.VMEM((PW, F), jnp.float32),
        pltpu.VMEM_SHARED((R, F), jnp.float32),
        pltpu.SemaphoreType.DMA,
    ]
    fn = pl.kernel(body, out_type=outs, mesh=_mesh(), scratch_types=scratch,
                   compiler_params=pltpu.CompilerParams(use_tc_tiling_on_sc=False))
    return fn(t1, t2, idx)



_NB = 10
_BR = 1024
_FA = 96
_FB = 80


def _tc_pre_call(node_feat, opcode_r, emb_pad, wr0):

    def body(nf_ref, op_ref, emb_ref, wr_ref, xa_ref, xb_ref, v_ref):
        op = op_ref[0, 0, :]
        oh = (op[:, None] == lax.broadcasted_iota(jnp.int32, (_BR, 128), 1))
        er = _dot(oh.astype(jnp.float32), emb_ref[...])
        nf = nf_ref[...]
        x0 = jnp.concatenate([nf, er], axis=1)
        xa_ref[...] = nf[:, :_FA]
        xb_ref[...] = jnp.concatenate(
            [nf[:, _FA:], er, jnp.zeros((_BR, 4), jnp.float32)], axis=1)
        v_ref[...] = _dot(x0, wr_ref[...])

    n = node_feat.shape[0]
    fdim = node_feat.shape[1]
    return pl.pallas_call(
        body,
        grid=(_NB,),
        in_specs=[
            pl.BlockSpec((_BR, fdim), lambda i: (i, 0)),
            pl.BlockSpec((1, 1, _BR), lambda i: (i, 0, 0)),
            pl.BlockSpec((128, 32), lambda i: (0, 0)),
            pl.BlockSpec((fdim + 32, 64), lambda i: (0, 0)),
        ],
        out_specs=[pl.BlockSpec((_BR, _FA), lambda i: (i, 0)),
                   pl.BlockSpec((_BR, _FB), lambda i: (i, 0)),
                   pl.BlockSpec((_BR, 64), lambda i: (i, 0))],
        out_shape=[jax.ShapeDtypeStruct((n, _FA), jnp.float32),
                   jax.ShapeDtypeStruct((n, _FB), jnp.float32),
                   jax.ShapeDtypeStruct((n, 64), jnp.float32)],
    )(node_feat, opcode_r, emb_pad, wr0)


def _tc_layer1_call(sa, sb, cnt_part, v0, wl0, bl0, wr1):

    def body(sa_ref, sb_ref, c_ref, v_ref, wl_ref, b_ref, wr_ref,
             x_ref, vn_ref):
        m = jnp.concatenate([sa_ref[0] + sa_ref[1], sb_ref[0] + sb_ref[1]],
                            axis=1)
        c = jnp.maximum(c_ref[0] + c_ref[1], 1.0)
        m = m / c
        x = _leaky(_dot(m, wl_ref[...]) + b_ref[...] + v_ref[...])
        x_ref[...] = x
        vn_ref[...] = _dot(x, wr_ref[...])

    n = v0.shape[0]
    return pl.pallas_call(
        body,
        grid=(_NB,),
        in_specs=[
            pl.BlockSpec((_NC, _BR, _FA), lambda i: (0, i, 0)),
            pl.BlockSpec((_NC, _BR, _FB), lambda i: (0, i, 0)),
            pl.BlockSpec((_NC, _BR, 1), lambda i: (0, i, 0)),
            pl.BlockSpec((_BR, 64), lambda i: (i, 0)),
            pl.BlockSpec((_FA + _FB, 64), lambda i: (0, 0)),
            pl.BlockSpec((1, 64), lambda i: (0, 0)),
            pl.BlockSpec((64, 64), lambda i: (0, 0)),
        ],
        out_specs=[pl.BlockSpec((_BR, 64), lambda i: (i, 0)),
                   pl.BlockSpec((_BR, 64), lambda i: (i, 0))],
        out_shape=[jax.ShapeDtypeStruct((n, 64), jnp.float32),
                   jax.ShapeDtypeStruct((n, 64), jnp.float32)],
    )(sa, sb, cnt_part, v0, wl0, bl0, wr1)


def _tc_layer_call(s_part, cnt_part, v_prev, wl, bl, wr_next, last):

    def body_mid(s_ref, c_ref, vp_ref, wl_ref, b_ref, wr_ref, x_ref, v_ref):
        m = (s_ref[0] + s_ref[1]) / jnp.maximum(c_ref[0] + c_ref[1], 1.0)
        x = _leaky(_dot(m, wl_ref[...]) + b_ref[...] + vp_ref[...])
        x_ref[...] = x
        v_ref[...] = _dot(x, wr_ref[...])

    def body_last(s_ref, c_ref, vp_ref, wl_ref, b_ref, wr_ref, x_ref):
        m = (s_ref[0] + s_ref[1]) / jnp.maximum(c_ref[0] + c_ref[1], 1.0)
        x_ref[...] = _leaky(_dot(m, wl_ref[...]) + b_ref[...] + vp_ref[...])

    n = v_prev.shape[0]
    in_specs = [
        pl.BlockSpec((_NC, _BR, 64), lambda i: (0, i, 0)),
        pl.BlockSpec((_NC, _BR, 1), lambda i: (0, i, 0)),
        pl.BlockSpec((_BR, 64), lambda i: (i, 0)),
        pl.BlockSpec((64, 64), lambda i: (0, 0)),
        pl.BlockSpec((1, 64), lambda i: (0, 0)),
        pl.BlockSpec((64, 64), lambda i: (0, 0)),
    ]
    if last:
        return pl.pallas_call(
            body_last,
            grid=(_NB,),
            in_specs=in_specs,
            out_specs=pl.BlockSpec((_BR, 64), lambda i: (i, 0)),
            out_shape=jax.ShapeDtypeStruct((n, 64), jnp.float32),
        )(s_part, cnt_part, v_prev, wl, bl, wr_next)
    return pl.pallas_call(
        body_mid,
        grid=(_NB,),
        in_specs=in_specs,
        out_specs=[pl.BlockSpec((_BR, 64), lambda i: (i, 0)),
                   pl.BlockSpec((_BR, 64), lambda i: (i, 0))],
        out_shape=[jax.ShapeDtypeStruct((n, 64), jnp.float32),
                   jax.ShapeDtypeStruct((n, 64), jnp.float32)],
    )(s_part, cnt_part, v_prev, wl, bl, wr_next)


def _tc_mean_call(s_part, cnt_part):
    def body(s_ref, c_ref, o_ref):
        s = s_ref[0] + s_ref[1]
        c = jnp.maximum(c_ref[0] + c_ref[1], 1.0)
        o_ref[...] = s / c

    n = s_part.shape[1]
    return pl.pallas_call(
        body,
        grid=(_NB,),
        in_specs=[pl.BlockSpec((_NC, _BR, 64), lambda i: (0, i, 0)),
                  pl.BlockSpec((_NC, _BR, 1), lambda i: (0, i, 0))],
        out_specs=pl.BlockSpec((_BR, 64), lambda i: (i, 0)),
        out_shape=jax.ShapeDtypeStruct((n, 64), jnp.float32),
    )(s_part, cnt_part)


def _tc_acfg_call(ce_r, nc):
    ne = ce_r.shape[2]

    def body(ce_ref, a_ref, c_ref):
        s = ce_ref[0, 0, :]
        d = ce_ref[1, 0, :]
        ohd = (d[None, :] == lax.broadcasted_iota(jnp.int32, (nc, ne), 0))
        ohs = (s[:, None] == lax.broadcasted_iota(jnp.int32, (ne, nc), 1))
        a = jnp.dot(ohd.astype(jnp.bfloat16), ohs.astype(jnp.bfloat16),
                    preferred_element_type=jnp.float32)
        c_ref[...] = jnp.maximum(jnp.sum(a, axis=1, keepdims=True), 1.0)
        a_ref[...] = a.astype(jnp.bfloat16)

    return pl.pallas_call(
        body,
        in_specs=[pl.BlockSpec((2, 1, ne), lambda: (0, 0, 0))],
        out_specs=[pl.BlockSpec((nc, nc), lambda: (0, 0)),
                   pl.BlockSpec((nc, 1), lambda: (0, 0))],
        out_shape=[jax.ShapeDtypeStruct((nc, nc), jnp.bfloat16),
                   jax.ShapeDtypeStruct((nc, 1), jnp.float32)],
    )(ce_r)


def _tc_cfg_nbr_call(cn0, a_n, cnt, layers):
    nc = cn0.shape[0]

    def body(cn_ref, a_ref, c_ref, w1l, w1r, b1, w2l, w2r, b2, w3l, w3r, b3,
             o_ref):
        a = a_ref[...]
        c = c_ref[...]
        cn = cn_ref[...]
        for wl_ref, wr_ref, b_ref in ((w1l, w1r, b1), (w2l, w2r, b2),
                                      (w3l, w3r, b3)):
            m = _dot_exact_lhs(a, cn) / c
            cn = _leaky(_dot(m, wl_ref[...]) + b_ref[...] +
                        _dot(cn, wr_ref[...]))
        o_ref[...] = cn

    w_in = []
    w_specs = []
    for wl, wr, b in layers:
        w_in += [wl, wr, b]
        w_specs += [pl.BlockSpec((64, 64), lambda: (0, 0)),
                    pl.BlockSpec((64, 64), lambda: (0, 0)),
                    pl.BlockSpec((1, 64), lambda: (0, 0))]
    return pl.pallas_call(
        body,
        in_specs=[pl.BlockSpec((nc, 64), lambda: (0, 0)),
                  pl.BlockSpec((nc, nc), lambda: (0, 0)),
                  pl.BlockSpec((nc, 1), lambda: (0, 0))] + w_specs,
        out_specs=pl.BlockSpec((nc, 64), lambda: (0, 0)),
        out_shape=jax.ShapeDtypeStruct((nc, 64), jnp.float32),
    )(cn0, a_n, cnt, *w_in)


def _tc_config_head_call(ncf, cn, xs, prjw, prjb, a_n, cnt, layers,
                         d1, d2, d3):
    c, nc, fin = ncf.shape

    def body(ncf_ref, cn_ref, xs_ref, pw_ref, pb_ref, a_ref, c_ref,
             w1l, w1r, b1, w2l, w2r, b2, w3l, w3r, b3,
             d1_ref, d2_ref, d3_ref, o_ref):
        p = _leaky(_dot(ncf_ref[0], pw_ref[...]) + pb_ref[...])
        h = jnp.concatenate([cn_ref[...], xs_ref[...], p], axis=1)
        h = h / jnp.maximum(jnp.sqrt(jnp.sum(h * h, axis=1, keepdims=True)),
                            1e-12)
        a = a_ref[...]
        cdeg = c_ref[...]
        for wl_ref, wr_ref, b_ref in ((w1l, w1r, b1), (w2l, w2r, b2),
                                      (w3l, w3r, b3)):
            m = _dot_exact_lhs(a, h) / cdeg
            h = _leaky(_dot(m, wl_ref[...]) + b_ref[...] +
                       _dot(h, wr_ref[...]))
        pooled = jnp.mean(h, axis=0, keepdims=True)
        y = _leaky(_dot(pooled, d1_ref[...]))
        y = _leaky(_dot(y, d2_ref[...]))
        y = _dot(y, d3_ref[...])
        o_ref[...] = jnp.broadcast_to(y[:, :, None], (1, 1, 128))

    w_in = []
    w_specs = []
    for wl, wr, b in layers:
        kdim = wl.shape[0]
        w_in += [wl, wr, b]
        w_specs += [pl.BlockSpec((kdim, 64), lambda i: (0, 0)),
                    pl.BlockSpec((kdim, 64), lambda i: (0, 0)),
                    pl.BlockSpec((1, 64), lambda i: (0, 0))]
    return pl.pallas_call(
        body,
        grid=(c,),
        in_specs=[
            pl.BlockSpec((1, nc, fin), lambda i: (i, 0, 0)),
            pl.BlockSpec((nc, 64), lambda i: (0, 0)),
            pl.BlockSpec((nc, 64), lambda i: (0, 0)),
            pl.BlockSpec((fin, 64), lambda i: (0, 0)),
            pl.BlockSpec((1, 64), lambda i: (0, 0)),
            pl.BlockSpec((nc, nc), lambda i: (0, 0)),
            pl.BlockSpec((nc, 1), lambda i: (0, 0)),
        ] + w_specs + [
            pl.BlockSpec((64, 64), lambda i: (0, 0)),
            pl.BlockSpec((64, 64), lambda i: (0, 0)),
            pl.BlockSpec((64, 1), lambda i: (0, 0)),
        ],
        out_specs=pl.BlockSpec((1, 1, 128), lambda i: (i, 0, 0)),
        out_shape=jax.ShapeDtypeStruct((c, 1, 128), jnp.float32),
    )(ncf, cn, xs, prjw, prjb, a_n, cnt, *w_in, d1, d2, d3)




def kernel(node_feat, node_opcode, edge_index, node_config_feat,
           node_config_ids, config_edge_index, params):
    n = node_feat.shape[0]
    c, nc, fin = node_config_feat.shape
    npad = _NB * _BR

    src = edge_index[0]
    dst = edge_index[1]
    node_feat = jnp.pad(node_feat, ((0, npad - n), (0, 0)))
    opcode_r = jnp.pad(node_opcode.astype(jnp.int32),
                       (0, npad - n)).reshape(_NB, 1, _BR)
    emb_pad = jnp.pad(params["emb"], ((0, 8), (0, 0)))
    ids_pad = jnp.concatenate(
        [node_config_ids.astype(jnp.int32),
         jnp.zeros((24,), jnp.int32)])
    ce_r = config_edge_index.astype(jnp.int32).reshape(2, 1, -1)

    g = params["node_gnn"]
    wl0 = jnp.pad(g[0]["Wl"].T, ((0, _FA + _FB - g[0]["Wl"].shape[1]), (0, 0)))
    xa, xb, v0 = _tc_pre_call(node_feat, opcode_r, emb_pad, g[0]["Wr"].T)

    sb, cnt = _seg_sum_call(xb, src, dst, with_cnt=True)
    sa = _seg_sum_call(xa, src, dst, with_cnt=False)
    x1, v1 = _tc_layer1_call(sa, sb, cnt, v0, wl0,
                             g[0]["bl"].reshape(1, -1), g[1]["Wr"].T)
    s1 = _seg_sum_call(x1, src, dst, with_cnt=False)
    x2, v2 = _tc_layer_call(s1, cnt, v1, g[1]["Wl"].T,
                            g[1]["bl"].reshape(1, -1), g[2]["Wr"].T, last=False)
    s2 = _seg_sum_call(x2, src, dst, with_cnt=False)
    x3 = _tc_layer_call(s2, cnt, v2, g[2]["Wl"].T,
                        g[2]["bl"].reshape(1, -1), g[2]["Wr"].T, last=True)

    s3 = _seg_sum_call(x3, src, dst, with_cnt=False)
    agg4 = _tc_mean_call(s3, cnt)
    xs_pad, cn0_pad = _gather2_call(x3, agg4, ids_pad)
    xs = xs_pad[:nc]
    cn0 = cn0_pad[:nc]

    a_n, ccnt = _tc_acfg_call(ce_r, nc)

    def wset(lyr):
        return (lyr["Wl"].T, lyr["Wr"].T, lyr["bl"].reshape(1, -1))

    cn3 = _tc_cfg_nbr_call(cn0, a_n, ccnt,
                           [wset(l) for l in params["cfg_nbr_gnn"]])
    y = _tc_config_head_call(
        node_config_feat, cn3, xs, params["prj_W"].T,
        params["prj_b"].reshape(1, -1), a_n, ccnt,
        [wset(l) for l in params["config_gnn"]],
        params["d1"].T, params["d2"].T, params["d3"].T)
    return y[:, 0, 0]

# --- scband reference (transcript-rebuilt; emitter-appended) ---
"""Pipeline reference for scband-layout-model-73065983640002 (READ-ONLY COPY).

The authoritative reference and input builder live on the scoring server;
editing this copy changes nothing except your own understanding.
"""

import jax, jax.numpy as jnp
import numpy as np

N_NODES = 10000
N_EDGES = 320000
N_CONFIGS = 64
N_CFG_NODES = 1000
N_CFG_EDGES = 4000


def setup_inputs(seed: int = 0) -> dict:
    key = jax.random.key(seed)

    def k(i):
        return jax.random.fold_in(key, i)

    ctr = [100]

    def nk():
        ctr[0] += 1
        return jax.random.fold_in(key, ctr[0])

    def lin(o, i):
        return (jax.random.normal(nk(), (o, i), jnp.float32) / np.sqrt(i)).astype(jnp.float32)

    def sage(dims):
        return [{"Wl": lin(o, i), "bl": jnp.zeros((o,), jnp.float32), "Wr": lin(o, i)} for (i, o) in dims]

    params = {
        "emb": jax.random.normal(nk(), (120, 32), jnp.float32),
        "node_gnn": sage([(172, 64), (64, 64), (64, 64)]),
        "cfg_nbr_gnn": sage([(64, 64), (64, 64), (64, 64)]),
        "config_gnn": sage([(192, 64), (64, 64), (64, 64)]),
        "prj_W": lin(64, 18),
        "prj_b": jnp.zeros((64,), jnp.float32),
        "d1": lin(64, 64),
        "d2": lin(64, 64),
        "d3": lin(1, 64),
    }

    return {
        "node_feat": jax.random.normal(k(0), (N_NODES, 140), jnp.float32),
        "node_opcode": jax.random.randint(k(1), (N_NODES,), 0, 120),
        "edge_index": jax.random.randint(k(2), (2, N_EDGES), 0, N_NODES),
        "node_config_feat": jax.random.normal(k(3), (N_CONFIGS, N_CFG_NODES, 18), jnp.float32),
        "node_config_ids": jnp.sort(jax.random.randint(k(4), (N_CFG_NODES,), 0, N_NODES)),
        "config_edge_index": jax.random.randint(k(5), (2, N_CFG_EDGES), 0, N_CFG_NODES),
        "params": params,
    }


def _mean_aggregate(x, src, dst, num_nodes):
    s = jax.ops.segment_sum(x[src], dst, num_segments=num_nodes)
    cnt = jax.ops.segment_sum(jnp.ones(dst.shape, x.dtype), dst, num_segments=num_nodes)
    return s / jnp.maximum(cnt, 1.0)[:, None]


def _sage_stack(x, edge_index, layers, num_nodes):
    src = edge_index[0]
    dst = edge_index[1]
    for lyr in layers:
        agg = _mean_aggregate(x, src, dst, num_nodes)
        x = agg @ lyr["Wl"].T + lyr["bl"] + x @ lyr["Wr"].T
        x = jax.nn.leaky_relu(x, negative_slope=0.01)
    return x


def reference(node_feat, node_opcode, edge_index, node_config_feat, node_config_ids, config_edge_index, params):
    N = node_feat.shape[0]
    C, NC, _ = node_config_feat.shape
    x = jnp.concatenate([node_feat, params["emb"][node_opcode]], axis=1)
    x = _sage_stack(x, edge_index, params["node_gnn"], N)
    cn = _mean_aggregate(x, edge_index[0], edge_index[1], N)[node_config_ids]
    cn = _sage_stack(cn, config_edge_index, params["cfg_nbr_gnn"], NC)
    xs = x[node_config_ids]
    ncf = jax.nn.leaky_relu(node_config_feat @ params["prj_W"].T + params["prj_b"], negative_slope=0.01)
    cn_r = jnp.broadcast_to(cn[None], (C, NC, cn.shape[-1]))
    xs_r = jnp.broadcast_to(xs[None], (C, NC, xs.shape[-1]))
    h = jnp.concatenate([cn_r, xs_r, ncf], axis=-1)
    h = h / jnp.maximum(jnp.linalg.norm(h, axis=-1, keepdims=True), 1e-12)

    def per_graph(hi):
        return _sage_stack(hi, config_edge_index, params["config_gnn"], NC)

    h = jax.vmap(per_graph)(h)
    pooled = h.mean(axis=1)
    y = jax.nn.leaky_relu(pooled @ params["d1"].T, negative_slope=0.01)
    y = jax.nn.leaky_relu(y @ params["d2"].T, negative_slope=0.01)
    y = (y @ params["d3"].T).reshape(-1)
    return y

if __name__ == "__main__":
    import jax
    _d = setup_inputs()
    print(jax.jit(kernel)(*tuple(_d.values())))

</pallas_src>

<mosaic_0001>
#map = affine_map<(d0, d1) -> (0, 0)>
#map1 = affine_map<(d0, d1) -> (0)>
module attributes {stable_mosaic.version = 14 : i64} {
  func.func @body(%arg0: i32, %arg1: i32, %arg2: memref<10240x64xf32, #tpu.memory_space<hbm>>, %arg3: memref<320000xi32, #tpu.memory_space<hbm>>, %arg4: memref<320000xi32, #tpu.memory_space<hbm>>, %arg5: memref<10240x64xf32, #tpu.memory_space<hbm>>, %arg6: memref<20480x64xf32, #tpu.memory_space<hbm>>, %arg7: memref<400xi32, #tpu.memory_space<vmem>>, %arg8: memref<400xi32, #tpu.memory_space<vmem>>, %arg9: memref<400x64xf32, #tpu.memory_space<vmem>>, %arg10: memref<10240x64xf32, #tpu.memory_space<vmem_shared>>, %arg11: memref<!tpu.dma_semaphore, #tpu.memory_space<semaphore_mem>>) attributes {dimension_semantics = [#tpu.dimension_semantics<core_parallel>, #tpu.dimension_semantics<subcore_parallel>], iteration_bounds = array<i64: 2, 16>, scalar_prefetch = 0 : i64, scratch_operands = 5 : i64, tpu.core_type = #tpu.core_type<sc_vector_subcore>, window_params = [{transform_indices = #map}, {transform_indices = #map1}, {transform_indices = #map1}, {transform_indices = #map}, {transform_indices = #map}]} {
    %mul3A = arith.constant 16 : i32
    %mul3A_0 = arith.muli %arg0, %mul3A : i32
    %add3A = arith.addi %mul3A_0, %arg1 : i32
    %mul3A_1 = arith.constant 640 : i32
    %mul3A_2 = arith.muli %arg1, %mul3A_1 : i32
    "tpu.region"() ({
      %run_scoped3A = tpu.sem_alloc : memref<!tpu.dma_semaphore, #tpu.memory_space<semaphore_mem>>
      %dma_start3A = arith.constant 0 : i32
      %dma_start3A_16 = tpu.memref_slice %arg10[%mul3A_2, %dma_start3A] : memref<10240x64xf32, #tpu.memory_space<vmem_shared>> -> memref<640x64xf32, #tpu.memory_space<vmem_shared>>
      %dma_start3A_17 = arith.constant 0 : i32
      %dma_start3A_18 = tpu.memref_slice %arg5[%mul3A_2, %dma_start3A_17] : memref<10240x64xf32, #tpu.memory_space<hbm>> -> memref<640x64xf32, #tpu.memory_space<hbm>>
      tpu.enqueue_dma source(%dma_start3A_18 : memref<640x64xf32, #tpu.memory_space<hbm>>) target(%dma_start3A_16 : memref<640x64xf32, #tpu.memory_space<vmem_shared>>) target_semaphore(%run_scoped3A : memref<!tpu.dma_semaphore, #tpu.memory_space<semaphore_mem>>)
      %dma_wait3A = arith.constant 0 : i32
      %dma_wait3A_19 = tpu.memref_slice %arg10[%mul3A_2, %dma_wait3A] : memref<10240x64xf32, #tpu.memory_space<vmem_shared>> -> memref<640x64xf32, #tpu.memory_space<vmem_shared>>
      %dma_wait3A_20 = arith.constant 0 : i32
      %dma_wait3A_21 = tpu.memref_slice %arg5[%mul3A_2, %dma_wait3A_20] : memref<10240x64xf32, #tpu.memory_space<hbm>> -> memref<640x64xf32, #tpu.memory_space<hbm>>
      tpu.wait_dma2 semaphore(%run_scoped3A : memref<!tpu.dma_semaphore, #tpu.memory_space<semaphore_mem>>) src(%dma_wait3A_21 : memref<640x64xf32, #tpu.memory_space<hbm>>) dst(%dma_wait3A_19 : memref<640x64xf32, #tpu.memory_space<vmem_shared>>)
      tpu.yield
    }) : () -> ()
    %barrier3A = arith.constant 0 : index
    tpu.barrier barrier_id(%barrier3A)
    %mul3A_3 = arith.constant 10000 : i32
    %mul3A_4 = arith.muli %add3A, %mul3A_3 : i32
    %scan3A = arith.constant 0 : i32
    %scan3A_5 = arith.constant 0 : i32
    %scan3A_6 = arith.constant 25 : i32
    %scan3A_7 = arith.addi %scan3A_5, %scan3A_6 : i32
    %scan3A_8 = arith.constant 1 : i32
    scf.for %scan3A_16 = %scan3A_5 to %scan3A_7 step %scan3A_8  : i32 {
      %mul3A_17 = arith.constant 400 : i32
      %mul3A_18 = arith.muli %scan3A_16, %mul3A_17 : i32
      %add3A_19 = arith.addi %mul3A_4, %mul3A_18 : i32
      "tpu.region"() ({
        %run_scoped3A = tpu.sem_alloc : memref<!tpu.dma_semaphore, #tpu.memory_space<semaphore_mem>>
        %dma_start3A_24 = tpu.memref_slice %arg3[%add3A_19] : memref<320000xi32, #tpu.memory_space<hbm>> -> memref<400xi32, #tpu.memory_space<hbm>>
        %dma_start3A_25 = tpu.memref_slice %arg3[%add3A_19] : memref<320000xi32, #tpu.memory_space<hbm>> -> memref<400xi32, #tpu.memory_space<hbm>>
        tpu.enqueue_dma source(%dma_start3A_25 : memref<400xi32, #tpu.memory_space<hbm>>) target(%arg7 : memref<400xi32, #tpu.memory_space<vmem>>) target_semaphore(%run_scoped3A : memref<!tpu.dma_semaphore, #tpu.memory_space<semaphore_mem>>)
        %dma_wait3A_26 = tpu.memref_slice %arg3[%add3A_19] : memref<320000xi32, #tpu.memory_space<hbm>> -> memref<400xi32, #tpu.memory_space<hbm>>
        %dma_wait3A_27 = tpu.memref_slice %arg3[%add3A_19] : memref<320000xi32, #tpu.memory_space<hbm>> -> memref<400xi32, #tpu.memory_space<hbm>>
        tpu.wait_dma2 semaphore(%run_scoped3A : memref<!tpu.dma_semaphore, #tpu.memory_space<semaphore_mem>>) src(%dma_wait3A_27 : memref<400xi32, #tpu.memory_space<hbm>>) dst(%arg7 : memref<400xi32, #tpu.memory_space<vmem>>)
        tpu.yield
      }) : () -> ()
      "tpu.region"() ({
        %run_scoped3A = tpu.sem_alloc : memref<!tpu.dma_semaphore, #tpu.memory_space<semaphore_mem>>
        %dma_start3A_24 = tpu.memref_slice %arg4[%add3A_19] : memref<320000xi32, #tpu.memory_space<hbm>> -> memref<400xi32, #tpu.memory_space<hbm>>
        %dma_start3A_25 = tpu.memref_slice %arg4[%add3A_19] : memref<320000xi32, #tpu.memory_space<hbm>> -> memref<400xi32, #tpu.memory_space<hbm>>
        tpu.enqueue_dma source(%dma_start3A_25 : memref<400xi32, #tpu.memory_space<hbm>>) target(%arg8 : memref<400xi32, #tpu.memory_space<vmem>>) target_semaphore(%run_scoped3A : memref<!tpu.dma_semaphore, #tpu.memory_space<semaphore_mem>>)
        %dma_wait3A_26 = tpu.memref_slice %arg4[%add3A_19] : memref<320000xi32, #tpu.memory_space<hbm>> -> memref<400xi32, #tpu.memory_space<hbm>>
        %dma_wait3A_27 = tpu.memref_slice %arg4[%add3A_19] : memref<320000xi32, #tpu.memory_space<hbm>> -> memref<400xi32, #tpu.memory_space<hbm>>
        tpu.wait_dma2 semaphore(%run_scoped3A : memref<!tpu.dma_semaphore, #tpu.memory_space<semaphore_mem>>) src(%dma_wait3A_27 : memref<400xi32, #tpu.memory_space<hbm>>) dst(%arg8 : memref<400xi32, #tpu.memory_space<vmem>>)
        tpu.yield
      }) : () -> ()
      %dma_start3A = arith.constant 0 : i32
      %dma_start3A_20 = arith.constant 0 : i32
      %dma_start3A_21 = tpu.memref_slice %arg2[%dma_start3A, %dma_start3A_20] : memref<10240x64xf32, #tpu.memory_space<hbm>> -> memref<10240x64xf32, #tpu.memory_space<hbm>>
      tpu.enqueue_indirect_dma source(%dma_start3A_21 : memref<10240x64xf32, #tpu.memory_space<hbm>>) target(%arg9 : memref<400x64xf32, #tpu.memory_space<vmem>>) offsets(%arg7 : memref<400xi32, #tpu.memory_space<vmem>>) semaphore(%arg11 : memref<!tpu.dma_semaphore, #tpu.memory_space<semaphore_mem>>)
      %dma_wait3A = arith.constant 0 : i32
      %dma_wait3A_22 = arith.constant 0 : i32
      %dma_wait3A_23 = tpu.memref_slice %arg2[%dma_wait3A, %dma_wait3A_22] : memref<10240x64xf32, #tpu.memory_space<hbm>> -> memref<10240x64xf32, #tpu.memory_space<hbm>>
      tpu.wait_indirect_dma semaphore(%arg11 : memref<!tpu.dma_semaphore, #tpu.memory_space<semaphore_mem>>) src(%dma_wait3A_23 : memref<10240x64xf32, #tpu.memory_space<hbm>>) dst(%arg9 : memref<400x64xf32, #tpu.memory_space<vmem>>)
      "tpu.region"() ({
        %run_scoped3A = tpu.sem_alloc : memref<!tpu.dma_semaphore, #tpu.memory_space<semaphore_mem>>
        %dma_start3A_24 = arith.constant 0 : i32
        %dma_start3A_25 = arith.constant 0 : i32
        %dma_start3A_26 = tpu.memref_slice %arg10[%dma_start3A_24, %dma_start3A_25] : memref<10240x64xf32, #tpu.memory_space<vmem_shared>> -> memref<10240x64xf32, #tpu.memory_space<vmem_shared>>
        tpu.enqueue_indirect_dma source(%arg9 : memref<400x64xf32, #tpu.memory_space<vmem>>) target(%dma_start3A_26 : memref<10240x64xf32, #tpu.memory_space<vmem_shared>>) offsets(%arg8 : memref<400xi32, #tpu.memory_space<vmem>>) semaphore(%run_scoped3A : memref<!tpu.dma_semaphore, #tpu.memory_space<semaphore_mem>>) {add = true}
        %dma_wait3A_27 = arith.constant 0 : i32
        %dma_wait3A_28 = arith.constant 0 : i32
        %dma_wait3A_29 = tpu.memref_slice %arg10[%dma_wait3A_27, %dma_wait3A_28] : memref<10240x64xf32, #tpu.memory_space<vmem_shared>> -> memref<10240x64xf32, #tpu.memory_space<vmem_shared>>
        tpu.wait_indirect_dma semaphore(%run_scoped3A : memref<!tpu.dma_semaphore, #tpu.memory_space<semaphore_mem>>) src(%arg9 : memref<400x64xf32, #tpu.memory_space<vmem>>) dst(%dma_wait3A_29 : memref<10240x64xf32, #tpu.memory_space<vmem_shared>>)
        tpu.yield
      }) : () -> ()
    }
    %scan3A_9 = arith.constant 25 : i32
    %barrier3A_10 = arith.constant 0 : index
    tpu.barrier barrier_id(%barrier3A_10)
    %mul3A_11 = arith.constant 10240 : i32
    %mul3A_12 = arith.muli %arg0, %mul3A_11 : i32
    %mul3A_13 = arith.constant 640 : i32
    %mul3A_14 = arith.muli %arg1, %mul3A_13 : i32
    %add3A_15 = arith.addi %mul3A_12, %mul3A_14 : i32
    "tpu.region"() ({
      %run_scoped3A = tpu.sem_alloc : memref<!tpu.dma_semaphore, #tpu.memory_space<semaphore_mem>>
      %dma_start3A = arith.constant 0 : i32
      %dma_start3A_16 = tpu.memref_slice %arg6[%add3A_15, %dma_start3A] : memref<20480x64xf32, #tpu.memory_space<hbm>> -> memref<640x64xf32, #tpu.memory_space<hbm>>
      %dma_start3A_17 = arith.constant 0 : i32
      %dma_start3A_18 = tpu.memref_slice %arg10[%mul3A_2, %dma_start3A_17] : memref<10240x64xf32, #tpu.memory_space<vmem_shared>> -> memref<640x64xf32, #tpu.memory_space<vmem_shared>>
      tpu.enqueue_dma source(%dma_start3A_18 : memref<640x64xf32, #tpu.memory_space<vmem_shared>>) target(%dma_start3A_16 : memref<640x64xf32, #tpu.memory_space<hbm>>) target_semaphore(%run_scoped3A : memref<!tpu.dma_semaphore, #tpu.memory_space<semaphore_mem>>)
      %dma_wait3A = arith.constant 0 : i32
      %dma_wait3A_19 = tpu.memref_slice %arg6[%add3A_15, %dma_wait3A] : memref<20480x64xf32, #tpu.memory_space<hbm>> -> memref<640x64xf32, #tpu.memory_space<hbm>>
      %dma_wait3A_20 = arith.constant 0 : i32
      %dma_wait3A_21 = tpu.memref_slice %arg10[%mul3A_2, %dma_wait3A_20] : memref<10240x64xf32, #tpu.memory_space<vmem_shared>> -> memref<640x64xf32, #tpu.memory_space<vmem_shared>>
      tpu.wait_dma2 semaphore(%run_scoped3A : memref<!tpu.dma_semaphore, #tpu.memory_space<semaphore_mem>>) src(%dma_wait3A_21 : memref<640x64xf32, #tpu.memory_space<vmem_shared>>) dst(%dma_wait3A_19 : memref<640x64xf32, #tpu.memory_space<hbm>>)
      tpu.yield
    }) : () -> ()
    return
  }
}

#map = affine_map<(d0, d1) -> (0, 0)>
#map1 = affine_map<(d0, d1) -> (0)>
module attributes {stable_mosaic.version = 14 : i64} {
  func.func @body(%arg0: i32, %arg1: i32, %arg2: memref<10240x80xf32, #tpu.memory_space<hbm>>, %arg3: memref<320000xi32, #tpu.memory_space<hbm>>, %arg4: memref<320000xi32, #tpu.memory_space<hbm>>, %arg5: memref<10240x80xf32, #tpu.memory_space<hbm>>, %arg6: memref<10240x16xf32, #tpu.memory_space<hbm>>, %arg7: memref<400x16xf32, #tpu.memory_space<hbm>>, %arg8: memref<20480x80xf32, #tpu.memory_space<hbm>>, %arg9: memref<20480x16xf32, #tpu.memory_space<hbm>>, %arg10: memref<400xi32, #tpu.memory_space<vmem>>, %arg11: memref<400xi32, #tpu.memory_space<vmem>>, %arg12: memref<400x80xf32, #tpu.memory_space<vmem>>, %arg13: memref<10240x80xf32, #tpu.memory_space<vmem_shared>>, %arg14: memref<!tpu.dma_semaphore, #tpu.memory_space<semaphore_mem>>, %arg15: memref<400x16xf32, #tpu.memory_space<vmem>>, %arg16: memref<10240x16xf32, #tpu.memory_space<vmem_shared>>) attributes {dimension_semantics = [#tpu.dimension_semantics<core_parallel>, #tpu.dimension_semantics<subcore_parallel>], iteration_bounds = array<i64: 2, 16>, scalar_prefetch = 0 : i64, scratch_operands = 7 : i64, tpu.core_type = #tpu.core_type<sc_vector_subcore>, window_params = [{transform_indices = #map}, {transform_indices = #map1}, {transform_indices = #map1}, {transform_indices = #map}, {transform_indices = #map}, {transform_indices = #map}, {transform_indices = #map}, {transform_indices = #map}]} {
    %mul3A = arith.constant 16 : i32
    %mul3A_0 = arith.muli %arg0, %mul3A : i32
    %add3A = arith.addi %mul3A_0, %arg1 : i32
    %mul3A_1 = arith.constant 640 : i32
    %mul3A_2 = arith.muli %arg1, %mul3A_1 : i32
    "tpu.region"() ({
      %run_scoped3A = tpu.sem_alloc : memref<!tpu.dma_semaphore, #tpu.memory_space<semaphore_mem>>
      %dma_start3A = arith.constant 0 : i32
      %dma_start3A_21 = tpu.memref_slice %arg13[%mul3A_2, %dma_start3A] : memref<10240x80xf32, #tpu.memory_space<vmem_shared>> -> memref<640x80xf32, #tpu.memory_space<vmem_shared>>
      %dma_start3A_22 = arith.constant 0 : i32
      %dma_start3A_23 = tpu.memref_slice %arg5[%mul3A_2, %dma_start3A_22] : memref<10240x80xf32, #tpu.memory_space<hbm>> -> memref<640x80xf32, #tpu.memory_space<hbm>>
      tpu.enqueue_dma source(%dma_start3A_23 : memref<640x80xf32, #tpu.memory_space<hbm>>) target(%dma_start3A_21 : memref<640x80xf32, #tpu.memory_space<vmem_shared>>) target_semaphore(%run_scoped3A : memref<!tpu.dma_semaphore, #tpu.memory_space<semaphore_mem>>)
      %dma_wait3A = arith.constant 0 : i32
      %dma_wait3A_24 = tpu.memref_slice %arg13[%mul3A_2, %dma_wait3A] : memref<10240x80xf32, #tpu.memory_space<vmem_shared>> -> memref<640x80xf32, #tpu.memory_space<vmem_shared>>
      %dma_wait3A_25 = arith.constant 0 : i32
      %dma_wait3A_26 = tpu.memref_slice %arg5[%mul3A_2, %dma_wait3A_25] : memref<10240x80xf32, #tpu.memory_space<hbm>> -> memref<640x80xf32, #tpu.memory_space<hbm>>
      tpu.wait_dma2 semaphore(%run_scoped3A : memref<!tpu.dma_semaphore, #tpu.memory_space<semaphore_mem>>) src(%dma_wait3A_26 : memref<640x80xf32, #tpu.memory_space<hbm>>) dst(%dma_wait3A_24 : memref<640x80xf32, #tpu.memory_space<vmem_shared>>)
      tpu.yield
    }) : () -> ()
    "tpu.region"() ({
      %run_scoped3A = tpu.sem_alloc : memref<!tpu.dma_semaphore, #tpu.memory_space<semaphore_mem>>
      %dma_start3A = arith.constant 0 : i32
      %dma_start3A_21 = tpu.memref_slice %arg16[%mul3A_2, %dma_start3A] : memref<10240x16xf32, #tpu.memory_space<vmem_shared>> -> memref<640x16xf32, #tpu.memory_space<vmem_shared>>
      %dma_start3A_22 = arith.constant 0 : i32
      %dma_start3A_23 = tpu.memref_slice %arg6[%mul3A_2, %dma_start3A_22] : memref<10240x16xf32, #tpu.memory_space<hbm>> -> memref<640x16xf32, #tpu.memory_space<hbm>>
      tpu.enqueue_dma source(%dma_start3A_23 : memref<640x16xf32, #tpu.memory_space<hbm>>) target(%dma_start3A_21 : memref<640x16xf32, #tpu.memory_space<vmem_shared>>) target_semaphore(%run_scoped3A : memref<!tpu.dma_semaphore, #tpu.memory_space<semaphore_mem>>)
      %dma_wait3A = arith.constant 0 : i32
      %dma_wait3A_24 = tpu.memref_slice %arg16[%mul3A_2, %dma_wait3A] : memref<10240x16xf32, #tpu.memory_space<vmem_shared>> -> memref<640x16xf32, #tpu.memory_space<vmem_shared>>
      %dma_wait3A_25 = arith.constant 0 : i32
      %dma_wait3A_26 = tpu.memref_slice %arg6[%mul3A_2, %dma_wait3A_25] : memref<10240x16xf32, #tpu.memory_space<hbm>> -> memref<640x16xf32, #tpu.memory_space<hbm>>
      tpu.wait_dma2 semaphore(%run_scoped3A : memref<!tpu.dma_semaphore, #tpu.memory_space<semaphore_mem>>) src(%dma_wait3A_26 : memref<640x16xf32, #tpu.memory_space<hbm>>) dst(%dma_wait3A_24 : memref<640x16xf32, #tpu.memory_space<vmem_shared>>)
      tpu.yield
    }) : () -> ()
    "tpu.region"() ({
      %run_scoped3A = tpu.sem_alloc : memref<!tpu.dma_semaphore, #tpu.memory_space<semaphore_mem>>
      tpu.enqueue_dma source(%arg7 : memref<400x16xf32, #tpu.memory_space<hbm>>) target(%arg15 : memref<400x16xf32, #tpu.memory_space<vmem>>) target_semaphore(%run_scoped3A : memref<!tpu.dma_semaphore, #tpu.memory_space<semaphore_mem>>)
      tpu.wait_dma2 semaphore(%run_scoped3A : memref<!tpu.dma_semaphore, #tpu.memory_space<semaphore_mem>>) src(%arg7 : memref<400x16xf32, #tpu.memory_space<hbm>>) dst(%arg15 : memref<400x16xf32, #tpu.memory_space<vmem>>)
      tpu.yield
    }) : () -> ()
    %barrier3A = arith.constant 0 : index
    tpu.barrier barrier_id(%barrier3A)
    %mul3A_3 = arith.constant 10000 : i32
    %mul3A_4 = arith.muli %add3A, %mul3A_3 : i32
    %scan3A = arith.constant 0 : i32
    %scan3A_5 = arith.constant 0 : i32
    %scan3A_6 = arith.constant 25 : i32
    %scan3A_7 = arith.addi %scan3A_5, %scan3A_6 : i32
    %scan3A_8 = arith.constant 1 : i32
    scf.for %scan3A_21 = %scan3A_5 to %scan3A_7 step %scan3A_8  : i32 {
      %mul3A_22 = arith.constant 400 : i32
      %mul3A_23 = arith.muli %scan3A_21, %mul3A_22 : i32
      %add3A_24 = arith.addi %mul3A_4, %mul3A_23 : i32
      "tpu.region"() ({
        %run_scoped3A = tpu.sem_alloc : memref<!tpu.dma_semaphore, #tpu.memory_space<semaphore_mem>>
        %dma_start3A_29 = tpu.memref_slice %arg3[%add3A_24] : memref<320000xi32, #tpu.memory_space<hbm>> -> memref<400xi32, #tpu.memory_space<hbm>>
        %dma_start3A_30 = tpu.memref_slice %arg3[%add3A_24] : memref<320000xi32, #tpu.memory_space<hbm>> -> memref<400xi32, #tpu.memory_space<hbm>>
        tpu.enqueue_dma source(%dma_start3A_30 : memref<400xi32, #tpu.memory_space<hbm>>) target(%arg10 : memref<400xi32, #tpu.memory_space<vmem>>) target_semaphore(%run_scoped3A : memref<!tpu.dma_semaphore, #tpu.memory_space<semaphore_mem>>)
        %dma_wait3A_31 = tpu.memref_slice %arg3[%add3A_24] : memref<320000xi32, #tpu.memory_space<hbm>> -> memref<400xi32, #tpu.memory_space<hbm>>
        %dma_wait3A_32 = tpu.memref_slice %arg3[%add3A_24] : memref<320000xi32, #tpu.memory_space<hbm>> -> memref<400xi32, #tpu.memory_space<hbm>>
        tpu.wait_dma2 semaphore(%run_scoped3A : memref<!tpu.dma_semaphore, #tpu.memory_space<semaphore_mem>>) src(%dma_wait3A_32 : memref<400xi32, #tpu.memory_space<hbm>>) dst(%arg10 : memref<400xi32, #tpu.memory_space<vmem>>)
        tpu.yield
      }) : () -> ()
      "tpu.region"() ({
        %run_scoped3A = tpu.sem_alloc : memref<!tpu.dma_semaphore, #tpu.memory_space<semaphore_mem>>
        %dma_start3A_29 = tpu.memref_slice %arg4[%add3A_24] : memref<320000xi32, #tpu.memory_space<hbm>> -> memref<400xi32, #tpu.memory_space<hbm>>
        %dma_start3A_30 = tpu.memref_slice %arg4[%add3A_24] : memref<320000xi32, #tpu.memory_space<hbm>> -> memref<400xi32, #tpu.memory_space<hbm>>
        tpu.enqueue_dma source(%dma_start3A_30 : memref<400xi32, #tpu.memory_space<hbm>>) target(%arg11 : memref<400xi32, #tpu.memory_space<vmem>>) target_semaphore(%run_scoped3A : memref<!tpu.dma_semaphore, #tpu.memory_space<semaphore_mem>>)
        %dma_wait3A_31 = tpu.memref_slice %arg4[%add3A_24] : memref<320000xi32, #tpu.memory_space<hbm>> -> memref<400xi32, #tpu.memory_space<hbm>>
        %dma_wait3A_32 = tpu.memref_slice %arg4[%add3A_24] : memref<320000xi32, #tpu.memory_space<hbm>> -> memref<400xi32, #tpu.memory_space<hbm>>
        tpu.wait_dma2 semaphore(%run_scoped3A : memref<!tpu.dma_semaphore, #tpu.memory_space<semaphore_mem>>) src(%dma_wait3A_32 : memref<400xi32, #tpu.memory_space<hbm>>) dst(%arg11 : memref<400xi32, #tpu.memory_space<vmem>>)
        tpu.yield
      }) : () -> ()
      %dma_start3A = arith.constant 0 : i32
      %dma_start3A_25 = arith.constant 0 : i32
      %dma_start3A_26 = tpu.memref_slice %arg2[%dma_start3A, %dma_start3A_25] : memref<10240x80xf32, #tpu.memory_space<hbm>> -> memref<10240x80xf32, #tpu.memory_space<hbm>>
      tpu.enqueue_indirect_dma source(%dma_start3A_26 : memref<10240x80xf32, #tpu.memory_space<hbm>>) target(%arg12 : memref<400x80xf32, #tpu.memory_space<vmem>>) offsets(%arg10 : memref<400xi32, #tpu.memory_space<vmem>>) semaphore(%arg14 : memref<!tpu.dma_semaphore, #tpu.memory_space<semaphore_mem>>)
      %dma_wait3A = arith.constant 0 : i32
      %dma_wait3A_27 = arith.constant 0 : i32
      %dma_wait3A_28 = tpu.memref_slice %arg2[%dma_wait3A, %dma_wait3A_27] : memref<10240x80xf32, #tpu.memory_space<hbm>> -> memref<10240x80xf32, #tpu.memory_space<hbm>>
      tpu.wait_indirect_dma semaphore(%arg14 : memref<!tpu.dma_semaphore, #tpu.memory_space<semaphore_mem>>) src(%dma_wait3A_28 : memref<10240x80xf32, #tpu.memory_space<hbm>>) dst(%arg12 : memref<400x80xf32, #tpu.memory_space<vmem>>)
      "tpu.region"() ({
        %run_scoped3A = tpu.sem_alloc : memref<!tpu.dma_semaphore, #tpu.memory_space<semaphore_mem>>
        %dma_start3A_29 = arith.constant 0 : i32
        %dma_start3A_30 = arith.constant 0 : i32
        %dma_start3A_31 = tpu.memref_slice %arg13[%dma_start3A_29, %dma_start3A_30] : memref<10240x80xf32, #tpu.memory_space<vmem_shared>> -> memref<10240x80xf32, #tpu.memory_space<vmem_shared>>
        tpu.enqueue_indirect_dma source(%arg12 : memref<400x80xf32, #tpu.memory_space<vmem>>) target(%dma_start3A_31 : memref<10240x80xf32, #tpu.memory_space<vmem_shared>>) offsets(%arg11 : memref<400xi32, #tpu.memory_space<vmem>>) semaphore(%run_scoped3A : memref<!tpu.dma_semaphore, #tpu.memory_space<semaphore_mem>>) {add = true}
        %dma_wait3A_32 = arith.constant 0 : i32
        %dma_wait3A_33 = arith.constant 0 : i32
        %dma_wait3A_34 = tpu.memref_slice %arg13[%dma_wait3A_32, %dma_wait3A_33] : memref<10240x80xf32, #tpu.memory_space<vmem_shared>> -> memref<10240x80xf32, #tpu.memory_space<vmem_shared>>
        tpu.wait_indirect_dma semaphore(%run_scoped3A : memref<!tpu.dma_semaphore, #tpu.memory_space<semaphore_mem>>) src(%arg12 : memref<400x80xf32, #tpu.memory_space<vmem>>) dst(%dma_wait3A_34 : memref<10240x80xf32, #tpu.memory_space<vmem_shared>>)
        tpu.yield
      }) : () -> ()
      "tpu.region"() ({
        %run_scoped3A = tpu.sem_alloc : memref<!tpu.dma_semaphore, #tpu.memory_space<semaphore_mem>>
        %dma_start3A_29 = arith.constant 0 : i32
        %dma_start3A_30 = arith.constant 0 : i32
        %dma_start3A_31 = tpu.memref_slice %arg16[%dma_start3A_29, %dma_start3A_30] : memref<10240x16xf32, #tpu.memory_space<vmem_shared>> -> memref<10240x16xf32, #tpu.memory_space<vmem_shared>>
        tpu.enqueue_indirect_dma source(%arg15 : memref<400x16xf32, #tpu.memory_space<vmem>>) target(%dma_start3A_31 : memref<10240x16xf32, #tpu.memory_space<vmem_shared>>) offsets(%arg11 : memref<400xi32, #tpu.memory_space<vmem>>) semaphore(%run_scoped3A : memref<!tpu.dma_semaphore, #tpu.memory_space<semaphore_mem>>) {add = true}
        %dma_wait3A_32 = arith.constant 0 : i32
        %dma_wait3A_33 = arith.constant 0 : i32
        %dma_wait3A_34 = tpu.memref_slice %arg16[%dma_wait3A_32, %dma_wait3A_33] : memref<10240x16xf32, #tpu.memory_space<vmem_shared>> -> memref<10240x16xf32, #tpu.memory_space<vmem_shared>>
        tpu.wait_indirect_dma semaphore(%run_scoped3A : memref<!tpu.dma_semaphore, #tpu.memory_space<semaphore_mem>>) src(%arg15 : memref<400x16xf32, #tpu.memory_space<vmem>>) dst(%dma_wait3A_34 : memref<10240x16xf32, #tpu.memory_space<vmem_shared>>)
        tpu.yield
      }) : () -> ()
    }
    %scan3A_9 = arith.constant 25 : i32
    %barrier3A_10 = arith.constant 0 : index
    tpu.barrier barrier_id(%barrier3A_10)
    %mul3A_11 = arith.constant 10240 : i32
    %mul3A_12 = arith.muli %arg0, %mul3A_11 : i32
    %mul3A_13 = arith.constant 640 : i32
    %mul3A_14 = arith.muli %arg1, %mul3A_13 : i32
    %add3A_15 = arith.addi %mul3A_12, %mul3A_14 : i32
    "tpu.region"() ({
      %run_scoped3A = tpu.sem_alloc : memref<!tpu.dma_semaphore, #tpu.memory_space<semaphore_mem>>
      %dma_start3A = arith.constant 0 : i32
      %dma_start3A_21 = tpu.memref_slice %arg8[%add3A_15, %dma_start3A] : memref<20480x80xf32, #tpu.memory_space<hbm>> -> memref<640x80xf32, #tpu.memory_space<hbm>>
      %dma_start3A_22 = arith.constant 0 : i32
      %dma_start3A_23 = tpu.memref_slice %arg13[%mul3A_2, %dma_start3A_22] : memref<10240x80xf32, #tpu.memory_space<vmem_shared>> -> memref<640x80xf32, #tpu.memory_space<vmem_shared>>
      tpu.enqueue_dma source(%dma_start3A_23 : memref<640x80xf32, #tpu.memory_space<vmem_shared>>) target(%dma_start3A_21 : memref<640x80xf32, #tpu.memory_space<hbm>>) target_semaphore(%run_scoped3A : memref<!tpu.dma_semaphore, #tpu.memory_space<semaphore_mem>>)
      %dma_wait3A = arith.constant 0 : i32
      %dma_wait3A_24 = tpu.memref_slice %arg8[%add3A_15, %dma_wait3A] : memref<20480x80xf32, #tpu.memory_space<hbm>> -> memref<640x80xf32, #tpu.memory_space<hbm>>
      %dma_wait3A_25 = arith.constant 0 : i32
      %dma_wait3A_26 = tpu.memref_slice %arg13[%mul3A_2, %dma_wait3A_25] : memref<10240x80xf32, #tpu.memory_space<vmem_shared>> -> memref<640x80xf32, #tpu.memory_space<vmem_shared>>
      tpu.wait_dma2 semaphore(%run_scoped3A : memref<!tpu.dma_semaphore, #tpu.memory_space<semaphore_mem>>) src(%dma_wait3A_26 : memref<640x80xf32, #tpu.memory_space<vmem_shared>>) dst(%dma_wait3A_24 : memref<640x80xf32, #tpu.memory_space<hbm>>)
      tpu.yield
    }) : () -> ()
    %mul3A_16 = arith.constant 10240 : i32
    %mul3A_17 = arith.muli %arg0, %mul3A_16 : i32
    %mul3A_18 = arith.constant 640 : i32
    %mul3A_19 = arith.muli %arg1, %mul3A_18 : i32
    %add3A_20 = arith.addi %mul3A_17, %mul3A_19 : i32
    "tpu.region"() ({
      %run_scoped3A = tpu.sem_alloc : memref<!tpu.dma_semaphore, #tpu.memory_space<semaphore_mem>>
      %dma_start3A = arith.constant 0 : i32
      %dma_start3A_21 = tpu.memref_slice %arg9[%add3A_20, %dma_start3A] : memref<20480x16xf32, #tpu.memory_space<hbm>> -> memref<640x16xf32, #tpu.memory_space<hbm>>
      %dma_start3A_22 = arith.constant 0 : i32
      %dma_start3A_23 = tpu.memref_slice %arg16[%mul3A_2, %dma_start3A_22] : memref<10240x16xf32, #tpu.memory_space<vmem_shared>> -> memref<640x16xf32, #tpu.memory_space<vmem_shared>>
      tpu.enqueue_dma source(%dma_start3A_23 : memref<640x16xf32, #tpu.memory_space<vmem_shared>>) target(%dma_start3A_21 : memref<640x16xf32, #tpu.memory_space<hbm>>) target_semaphore(%run_scoped3A : memref<!tpu.dma_semaphore, #tpu.memory_space<semaphore_mem>>)
      %dma_wait3A = arith.constant 0 : i32
      %dma_wait3A_24 = tpu.memref_slice %arg9[%add3A_20, %dma_wait3A] : memref<20480x16xf32, #tpu.memory_space<hbm>> -> memref<640x16xf32, #tpu.memory_space<hbm>>
      %dma_wait3A_25 = arith.constant 0 : i32
      %dma_wait3A_26 = tpu.memref_slice %arg16[%mul3A_2, %dma_wait3A_25] : memref<10240x16xf32, #tpu.memory_space<vmem_shared>> -> memref<640x16xf32, #tpu.memory_space<vmem_shared>>
      tpu.wait_dma2 semaphore(%run_scoped3A : memref<!tpu.dma_semaphore, #tpu.memory_space<semaphore_mem>>) src(%dma_wait3A_26 : memref<640x16xf32, #tpu.memory_space<vmem_shared>>) dst(%dma_wait3A_24 : memref<640x16xf32, #tpu.memory_space<hbm>>)
      tpu.yield
    }) : () -> ()
    return
  }
}

#map = affine_map<(d0, d1) -> (0, 0)>
#map1 = affine_map<(d0, d1) -> (0)>
module attributes {stable_mosaic.version = 14 : i64} {
  func.func @body(%arg0: i32, %arg1: i32, %arg2: memref<10240x96xf32, #tpu.memory_space<hbm>>, %arg3: memref<320000xi32, #tpu.memory_space<hbm>>, %arg4: memref<320000xi32, #tpu.memory_space<hbm>>, %arg5: memref<10240x96xf32, #tpu.memory_space<hbm>>, %arg6: memref<20480x96xf32, #tpu.memory_space<hbm>>, %arg7: memref<400xi32, #tpu.memory_space<vmem>>, %arg8: memref<400xi32, #tpu.memory_space<vmem>>, %arg9: memref<400x96xf32, #tpu.memory_space<vmem>>, %arg10: memref<10240x96xf32, #tpu.memory_space<vmem_shared>>, %arg11: memref<!tpu.dma_semaphore, #tpu.memory_space<semaphore_mem>>) attributes {dimension_semantics = [#tpu.dimension_semantics<core_parallel>, #tpu.dimension_semantics<subcore_parallel>], iteration_bounds = array<i64: 2, 16>, scalar_prefetch = 0 : i64, scratch_operands = 5 : i64, tpu.core_type = #tpu.core_type<sc_vector_subcore>, window_params = [{transform_indices = #map}, {transform_indices = #map1}, {transform_indices = #map1}, {transform_indices = #map}, {transform_indices = #map}]} {
    %mul3A = arith.constant 16 : i32
    %mul3A_0 = arith.muli %arg0, %mul3A : i32
    %add3A = arith.addi %mul3A_0, %arg1 : i32
    %mul3A_1 = arith.constant 640 : i32
    %mul3A_2 = arith.muli %arg1, %mul3A_1 : i32
    "tpu.region"() ({
      %run_scoped3A = tpu.sem_alloc : memref<!tpu.dma_semaphore, #tpu.memory_space<semaphore_mem>>
      %dma_start3A = arith.constant 0 : i32
      %dma_start3A_16 = tpu.memref_slice %arg10[%mul3A_2, %dma_start3A] : memref<10240x96xf32, #tpu.memory_space<vmem_shared>> -> memref<640x96xf32, #tpu.memory_space<vmem_shared>>
      %dma_start3A_17 = arith.constant 0 : i32
      %dma_start3A_18 = tpu.memref_slice %arg5[%mul3A_2, %dma_start3A_17] : memref<10240x96xf32, #tpu.memory_space<hbm>> -> memref<640x96xf32, #tpu.memory_space<hbm>>
      tpu.enqueue_dma source(%dma_start3A_18 : memref<640x96xf32, #tpu.memory_space<hbm>>) target(%dma_start3A_16 : memref<640x96xf32, #tpu.memory_space<vmem_shared>>) target_semaphore(%run_scoped3A : memref<!tpu.dma_semaphore, #tpu.memory_space<semaphore_mem>>)
      %dma_wait3A = arith.constant 0 : i32
      %dma_wait3A_19 = tpu.memref_slice %arg10[%mul3A_2, %dma_wait3A] : memref<10240x96xf32, #tpu.memory_space<vmem_shared>> -> memref<640x96xf32, #tpu.memory_space<vmem_shared>>
      %dma_wait3A_20 = arith.constant 0 : i32
      %dma_wait3A_21 = tpu.memref_slice %arg5[%mul3A_2, %dma_wait3A_20] : memref<10240x96xf32, #tpu.memory_space<hbm>> -> memref<640x96xf32, #tpu.memory_space<hbm>>
      tpu.wait_dma2 semaphore(%run_scoped3A : memref<!tpu.dma_semaphore, #tpu.memory_space<semaphore_mem>>) src(%dma_wait3A_21 : memref<640x96xf32, #tpu.memory_space<hbm>>) dst(%dma_wait3A_19 : memref<640x96xf32, #tpu.memory_space<vmem_shared>>)
      tpu.yield
    }) : () -> ()
    %barrier3A = arith.constant 0 : index
    tpu.barrier barrier_id(%barrier3A)
    %mul3A_3 = arith.constant 10000 : i32
    %mul3A_4 = arith.muli %add3A, %mul3A_3 : i32
    %scan3A = arith.constant 0 : i32
    %scan3A_5 = arith.constant 0 : i32
    %scan3A_6 = arith.constant 25 : i32
    %scan3A_7 = arith.addi %scan3A_5, %scan3A_6 : i32
    %scan3A_8 = arith.constant 1 : i32
    scf.for %scan3A_16 = %scan3A_5 to %scan3A_7 step %scan3A_8  : i32 {
      %mul3A_17 = arith.constant 400 : i32
      %mul3A_18 = arith.muli %scan3A_16, %mul3A_17 : i32
      %add3A_19 = arith.addi %mul3A_4, %mul3A_18 : i32
      "tpu.region"() ({
        %run_scoped3A = tpu.sem_alloc : memref<!tpu.dma_semaphore, #tpu.memory_space<semaphore_mem>>
        %dma_start3A_24 = tpu.memref_slice %arg3[%add3A_19] : memref<320000xi32, #tpu.memory_space<hbm>> -> memref<400xi32, #tpu.memory_space<hbm>>
        %dma_start3A_25 = tpu.memref_slice %arg3[%add3A_19] : memref<320000xi32, #tpu.memory_space<hbm>> -> memref<400xi32, #tpu.memory_space<hbm>>
        tpu.enqueue_dma source(%dma_start3A_25 : memref<400xi32, #tpu.memory_space<hbm>>) target(%arg7 : memref<400xi32, #tpu.memory_space<vmem>>) target_semaphore(%run_scoped3A : memref<!tpu.dma_semaphore, #tpu.memory_space<semaphore_mem>>)
        %dma_wait3A_26 = tpu.memref_slice %arg3[%add3A_19] : memref<320000xi32, #tpu.memory_space<hbm>> -> memref<400xi32, #tpu.memory_space<hbm>>
        %dma_wait3A_27 = tpu.memref_slice %arg3[%add3A_19] : memref<320000xi32, #tpu.memory_space<hbm>> -> memref<400xi32, #tpu.memory_space<hbm>>
        tpu.wait_dma2 semaphore(%run_scoped3A : memref<!tpu.dma_semaphore, #tpu.memory_space<semaphore_mem>>) src(%dma_wait3A_27 : memref<400xi32, #tpu.memory_space<hbm>>) dst(%arg7 : memref<400xi32, #tpu.memory_space<vmem>>)
        tpu.yield
      }) : () -> ()
      "tpu.region"() ({
        %run_scoped3A = tpu.sem_alloc : memref<!tpu.dma_semaphore, #tpu.memory_space<semaphore_mem>>
        %dma_start3A_24 = tpu.memref_slice %arg4[%add3A_19] : memref<320000xi32, #tpu.memory_space<hbm>> -> memref<400xi32, #tpu.memory_space<hbm>>
        %dma_start3A_25 = tpu.memref_slice %arg4[%add3A_19] : memref<320000xi32, #tpu.memory_space<hbm>> -> memref<400xi32, #tpu.memory_space<hbm>>
        tpu.enqueue_dma source(%dma_start3A_25 : memref<400xi32, #tpu.memory_space<hbm>>) target(%arg8 : memref<400xi32, #tpu.memory_space<vmem>>) target_semaphore(%run_scoped3A : memref<!tpu.dma_semaphore, #tpu.memory_space<semaphore_mem>>)
        %dma_wait3A_26 = tpu.memref_slice %arg4[%add3A_19] : memref<320000xi32, #tpu.memory_space<hbm>> -> memref<400xi32, #tpu.memory_space<hbm>>
        %dma_wait3A_27 = tpu.memref_slice %arg4[%add3A_19] : memref<320000xi32, #tpu.memory_space<hbm>> -> memref<400xi32, #tpu.memory_space<hbm>>
        tpu.wait_dma2 semaphore(%run_scoped3A : memref<!tpu.dma_semaphore, #tpu.memory_space<semaphore_mem>>) src(%dma_wait3A_27 : memref<400xi32, #tpu.memory_space<hbm>>) dst(%arg8 : memref<400xi32, #tpu.memory_space<vmem>>)
        tpu.yield
      }) : () -> ()
      %dma_start3A = arith.constant 0 : i32
      %dma_start3A_20 = arith.constant 0 : i32
      %dma_start3A_21 = tpu.memref_slice %arg2[%dma_start3A, %dma_start3A_20] : memref<10240x96xf32, #tpu.memory_space<hbm>> -> memref<10240x96xf32, #tpu.memory_space<hbm>>
      tpu.enqueue_indirect_dma source(%dma_start3A_21 : memref<10240x96xf32, #tpu.memory_space<hbm>>) target(%arg9 : memref<400x96xf32, #tpu.memory_space<vmem>>) offsets(%arg7 : memref<400xi32, #tpu.memory_space<vmem>>) semaphore(%arg11 : memref<!tpu.dma_semaphore, #tpu.memory_space<semaphore_mem>>)
      %dma_wait3A = arith.constant 0 : i32
      %dma_wait3A_22 = arith.constant 0 : i32
      %dma_wait3A_23 = tpu.memref_slice %arg2[%dma_wait3A, %dma_wait3A_22] : memref<10240x96xf32, #tpu.memory_space<hbm>> -> memref<10240x96xf32, #tpu.memory_space<hbm>>
      tpu.wait_indirect_dma semaphore(%arg11 : memref<!tpu.dma_semaphore, #tpu.memory_space<semaphore_mem>>) src(%dma_wait3A_23 : memref<10240x96xf32, #tpu.memory_space<hbm>>) dst(%arg9 : memref<400x96xf32, #tpu.memory_space<vmem>>)
      "tpu.region"() ({
        %run_scoped3A = tpu.sem_alloc : memref<!tpu.dma_semaphore, #tpu.memory_space<semaphore_mem>>
        %dma_start3A_24 = arith.constant 0 : i32
        %dma_start3A_25 = arith.constant 0 : i32
        %dma_start3A_26 = tpu.memref_slice %arg10[%dma_start3A_24, %dma_start3A_25] : memref<10240x96xf32, #tpu.memory_space<vmem_shared>> -> memref<10240x96xf32, #tpu.memory_space<vmem_shared>>
        tpu.enqueue_indirect_dma source(%arg9 : memref<400x96xf32, #tpu.memory_space<vmem>>) target(%dma_start3A_26 : memref<10240x96xf32, #tpu.memory_space<vmem_shared>>) offsets(%arg8 : memref<400xi32, #tpu.memory_space<vmem>>) semaphore(%run_scoped3A : memref<!tpu.dma_semaphore, #tpu.memory_space<semaphore_mem>>) {add = true}
        %dma_wait3A_27 = arith.constant 0 : i32
        %dma_wait3A_28 = arith.constant 0 : i32
        %dma_wait3A_29 = tpu.memref_slice %arg10[%dma_wait3A_27, %dma_wait3A_28] : memref<10240x96xf32, #tpu.memory_space<vmem_shared>> -> memref<10240x96xf32, #tpu.memory_space<vmem_shared>>
        tpu.wait_indirect_dma semaphore(%run_scoped3A : memref<!tpu.dma_semaphore, #tpu.memory_space<semaphore_mem>>) src(%arg9 : memref<400x96xf32, #tpu.memory_space<vmem>>) dst(%dma_wait3A_29 : memref<10240x96xf32, #tpu.memory_space<vmem_shared>>)
        tpu.yield
      }) : () -> ()
    }
    %scan3A_9 = arith.constant 25 : i32
    %barrier3A_10 = arith.constant 0 : index
    tpu.barrier barrier_id(%barrier3A_10)
    %mul3A_11 = arith.constant 10240 : i32
    %mul3A_12 = arith.muli %arg0, %mul3A_11 : i32
    %mul3A_13 = arith.constant 640 : i32
    %mul3A_14 = arith.muli %arg1, %mul3A_13 : i32
    %add3A_15 = arith.addi %mul3A_12, %mul3A_14 : i32
    "tpu.region"() ({
      %run_scoped3A = tpu.sem_alloc : memref<!tpu.dma_semaphore, #tpu.memory_space<semaphore_mem>>
      %dma_start3A = arith.constant 0 : i32
      %dma_start3A_16 = tpu.memref_slice %arg6[%add3A_15, %dma_start3A] : memref<20480x96xf32, #tpu.memory_space<hbm>> -> memref<640x96xf32, #tpu.memory_space<hbm>>
      %dma_start3A_17 = arith.constant 0 : i32
      %dma_start3A_18 = tpu.memref_slice %arg10[%mul3A_2, %dma_start3A_17] : memref<10240x96xf32, #tpu.memory_space<vmem_shared>> -> memref<640x96xf32, #tpu.memory_space<vmem_shared>>
      tpu.enqueue_dma source(%dma_start3A_18 : memref<640x96xf32, #tpu.memory_space<vmem_shared>>) target(%dma_start3A_16 : memref<640x96xf32, #tpu.memory_space<hbm>>) target_semaphore(%run_scoped3A : memref<!tpu.dma_semaphore, #tpu.memory_space<semaphore_mem>>)
      %dma_wait3A = arith.constant 0 : i32
      %dma_wait3A_19 = tpu.memref_slice %arg6[%add3A_15, %dma_wait3A] : memref<20480x96xf32, #tpu.memory_space<hbm>> -> memref<640x96xf32, #tpu.memory_space<hbm>>
      %dma_wait3A_20 = arith.constant 0 : i32
      %dma_wait3A_21 = tpu.memref_slice %arg10[%mul3A_2, %dma_wait3A_20] : memref<10240x96xf32, #tpu.memory_space<vmem_shared>> -> memref<640x96xf32, #tpu.memory_space<vmem_shared>>
      tpu.wait_dma2 semaphore(%run_scoped3A : memref<!tpu.dma_semaphore, #tpu.memory_space<semaphore_mem>>) src(%dma_wait3A_21 : memref<640x96xf32, #tpu.memory_space<vmem_shared>>) dst(%dma_wait3A_19 : memref<640x96xf32, #tpu.memory_space<hbm>>)
      tpu.yield
    }) : () -> ()
    return
  }
}

#map = affine_map<(d0, d1) -> (0, 0)>
#map1 = affine_map<(d0, d1) -> (0)>
module attributes {stable_mosaic.version = 14 : i64} {
  func.func @body(%arg0: i32, %arg1: i32, %arg2: memref<10240x64xf32, #tpu.memory_space<hbm>>, %arg3: memref<320000xi32, #tpu.memory_space<hbm>>, %arg4: memref<320000xi32, #tpu.memory_space<hbm>>, %arg5: memref<10240x64xf32, #tpu.memory_space<hbm>>, %arg6: memref<20480x64xf32, #tpu.memory_space<hbm>>, %arg7: memref<400xi32, #tpu.memory_space<vmem>>, %arg8: memref<400xi32, #tpu.memory_space<vmem>>, %arg9: memref<400x64xf32, #tpu.memory_space<vmem>>, %arg10: memref<10240x64xf32, #tpu.memory_space<vmem_shared>>, %arg11: memref<!tpu.dma_semaphore, #tpu.memory_space<semaphore_mem>>) attributes {dimension_semantics = [#tpu.dimension_semantics<core_parallel>, #tpu.dimension_semantics<subcore_parallel>], iteration_bounds = array<i64: 2, 16>, scalar_prefetch = 0 : i64, scratch_operands = 5 : i64, tpu.core_type = #tpu.core_type<sc_vector_subcore>, window_params = [{transform_indices = #map}, {transform_indices = #map1}, {transform_indices = #map1}, {transform_indices = #map}, {transform_indices = #map}]} {
    %mul3A = arith.constant 16 : i32
    %mul3A_0 = arith.muli %arg0, %mul3A : i32
    %add3A = arith.addi %mul3A_0, %arg1 : i32
    %mul3A_1 = arith.constant 640 : i32
    %mul3A_2 = arith.muli %arg1, %mul3A_1 : i32
    "tpu.region"() ({
      %run_scoped3A = tpu.sem_alloc : memref<!tpu.dma_semaphore, #tpu.memory_space<semaphore_mem>>
      %dma_start3A = arith.constant 0 : i32
      %dma_start3A_16 = tpu.memref_slice %arg10[%mul3A_2, %dma_start3A] : memref<10240x64xf32, #tpu.memory_space<vmem_shared>> -> memref<640x64xf32, #tpu.memory_space<vmem_shared>>
      %dma_start3A_17 = arith.constant 0 : i32
      %dma_start3A_18 = tpu.memref_slice %arg5[%mul3A_2, %dma_start3A_17] : memref<10240x64xf32, #tpu.memory_space<hbm>> -> memref<640x64xf32, #tpu.memory_space<hbm>>
      tpu.enqueue_dma source(%dma_start3A_18 : memref<640x64xf32, #tpu.memory_space<hbm>>) target(%dma_start3A_16 : memref<640x64xf32, #tpu.memory_space<vmem_shared>>) target_semaphore(%run_scoped3A : memref<!tpu.dma_semaphore, #tpu.memory_space<semaphore_mem>>)
      %dma_wait3A = arith.constant 0 : i32
      %dma_wait3A_19 = tpu.memref_slice %arg10[%mul3A_2, %dma_wait3A] : memref<10240x64xf32, #tpu.memory_space<vmem_shared>> -> memref<640x64xf32, #tpu.memory_space<vmem_shared>>
      %dma_wait3A_20 = arith.constant 0 : i32
      %dma_wait3A_21 = tpu.memref_slice %arg5[%mul3A_2, %dma_wait3A_20] : memref<10240x64xf32, #tpu.memory_space<hbm>> -> memref<640x64xf32, #tpu.memory_space<hbm>>
      tpu.wait_dma2 semaphore(%run_scoped3A : memref<!tpu.dma_semaphore, #tpu.memory_space<semaphore_mem>>) src(%dma_wait3A_21 : memref<640x64xf32, #tpu.memory_space<hbm>>) dst(%dma_wait3A_19 : memref<640x64xf32, #tpu.memory_space<vmem_shared>>)
      tpu.yield
    }) : () -> ()
    %barrier3A = arith.constant 0 : index
    tpu.barrier barrier_id(%barrier3A)
    %mul3A_3 = arith.constant 10000 : i32
    %mul3A_4 = arith.muli %add3A, %mul3A_3 : i32
    %scan3A = arith.constant 0 : i32
    %scan3A_5 = arith.constant 0 : i32
    %scan3A_6 = arith.constant 25 : i32
    %scan3A_7 = arith.addi %scan3A_5, %scan3A_6 : i32
    %scan3A_8 = arith.constant 1 : i32
    scf.for %scan3A_16 = %scan3A_5 to %scan3A_7 step %scan3A_8  : i32 {
      %mul3A_17 = arith.constant 400 : i32
      %mul3A_18 = arith.muli %scan3A_16, %mul3A_17 : i32
      %add3A_19 = arith.addi %mul3A_4, %mul3A_18 : i32
      "tpu.region"() ({
        %run_scoped3A = tpu.sem_alloc : memref<!tpu.dma_semaphore, #tpu.memory_space<semaphore_mem>>
        %dma_start3A_24 = tpu.memref_slice %arg3[%add3A_19] : memref<320000xi32, #tpu.memory_space<hbm>> -> memref<400xi32, #tpu.memory_space<hbm>>
        %dma_start3A_25 = tpu.memref_slice %arg3[%add3A_19] : memref<320000xi32, #tpu.memory_space<hbm>> -> memref<400xi32, #tpu.memory_space<hbm>>
        tpu.enqueue_dma source(%dma_start3A_25 : memref<400xi32, #tpu.memory_space<hbm>>) target(%arg7 : memref<400xi32, #tpu.memory_space<vmem>>) target_semaphore(%run_scoped3A : memref<!tpu.dma_semaphore, #tpu.memory_space<semaphore_mem>>)
        %dma_wait3A_26 = tpu.memref_slice %arg3[%add3A_19] : memref<320000xi32, #tpu.memory_space<hbm>> -> memref<400xi32, #tpu.memory_space<hbm>>
        %dma_wait3A_27 = tpu.memref_slice %arg3[%add3A_19] : memref<320000xi32, #tpu.memory_space<hbm>> -> memref<400xi32, #tpu.memory_space<hbm>>
        tpu.wait_dma2 semaphore(%run_scoped3A : memref<!tpu.dma_semaphore, #tpu.memory_space<semaphore_mem>>) src(%dma_wait3A_27 : memref<400xi32, #tpu.memory_space<hbm>>) dst(%arg7 : memref<400xi32, #tpu.memory_space<vmem>>)
        tpu.yield
      }) : () -> ()
      "tpu.region"() ({
        %run_scoped3A = tpu.sem_alloc : memref<!tpu.dma_semaphore, #tpu.memory_space<semaphore_mem>>
        %dma_start3A_24 = tpu.memref_slice %arg4[%add3A_19] : memref<320000xi32, #tpu.memory_space<hbm>> -> memref<400xi32, #tpu.memory_space<hbm>>
        %dma_start3A_25 = tpu.memref_slice %arg4[%add3A_19] : memref<320000xi32, #tpu.memory_space<hbm>> -> memref<400xi32, #tpu.memory_space<hbm>>
        tpu.enqueue_dma source(%dma_start3A_25 : memref<400xi32, #tpu.memory_space<hbm>>) target(%arg8 : memref<400xi32, #tpu.memory_space<vmem>>) target_semaphore(%run_scoped3A : memref<!tpu.dma_semaphore, #tpu.memory_space<semaphore_mem>>)
        %dma_wait3A_26 = tpu.memref_slice %arg4[%add3A_19] : memref<320000xi32, #tpu.memory_space<hbm>> -> memref<400xi32, #tpu.memory_space<hbm>>
        %dma_wait3A_27 = tpu.memref_slice %arg4[%add3A_19] : memref<320000xi32, #tpu.memory_space<hbm>> -> memref<400xi32, #tpu.memory_space<hbm>>
        tpu.wait_dma2 semaphore(%run_scoped3A : memref<!tpu.dma_semaphore, #tpu.memory_space<semaphore_mem>>) src(%dma_wait3A_27 : memref<400xi32, #tpu.memory_space<hbm>>) dst(%arg8 : memref<400xi32, #tpu.memory_space<vmem>>)
        tpu.yield
      }) : () -> ()
      %dma_start3A = arith.constant 0 : i32
      %dma_start3A_20 = arith.constant 0 : i32
      %dma_start3A_21 = tpu.memref_slice %arg2[%dma_start3A, %dma_start3A_20] : memref<10240x64xf32, #tpu.memory_space<hbm>> -> memref<10240x64xf32, #tpu.memory_space<hbm>>
      tpu.enqueue_indirect_dma source(%dma_start3A_21 : memref<10240x64xf32, #tpu.memory_space<hbm>>) target(%arg9 : memref<400x64xf32, #tpu.memory_space<vmem>>) offsets(%arg7 : memref<400xi32, #tpu.memory_space<vmem>>) semaphore(%arg11 : memref<!tpu.dma_semaphore, #tpu.memory_space<semaphore_mem>>)
      %dma_wait3A = arith.constant 0 : i32
      %dma_wait3A_22 = arith.constant 0 : i32
      %dma_wait3A_23 = tpu.memref_slice %arg2[%dma_wait3A, %dma_wait3A_22] : memref<10240x64xf32, #tpu.memory_space<hbm>> -> memref<10240x64xf32, #tpu.memory_space<hbm>>
      tpu.wait_indirect_dma semaphore(%arg11 : memref<!tpu.dma_semaphore, #tpu.memory_space<semaphore_mem>>) src(%dma_wait3A_23 : memref<10240x64xf32, #tpu.memory_space<hbm>>) dst(%arg9 : memref<400x64xf32, #tpu.memory_space<vmem>>)
      "tpu.region"() ({
        %run_scoped3A = tpu.sem_alloc : memref<!tpu.dma_semaphore, #tpu.memory_space<semaphore_mem>>
        %dma_start3A_24 = arith.constant 0 : i32
        %dma_start3A_25 = arith.constant 0 : i32
        %dma_start3A_26 = tpu.memref_slice %arg10[%dma_start3A_24, %dma_start3A_25] : memref<10240x64xf32, #tpu.memory_space<vmem_shared>> -> memref<10240x64xf32, #tpu.memory_space<vmem_shared>>
        tpu.enqueue_indirect_dma source(%arg9 : memref<400x64xf32, #tpu.memory_space<vmem>>) target(%dma_start3A_26 : memref<10240x64xf32, #tpu.memory_space<vmem_shared>>) offsets(%arg8 : memref<400xi32, #tpu.memory_space<vmem>>) semaphore(%run_scoped3A : memref<!tpu.dma_semaphore, #tpu.memory_space<semaphore_mem>>) {add = true}
        %dma_wait3A_27 = arith.constant 0 : i32
        %dma_wait3A_28 = arith.constant 0 : i32
        %dma_wait3A_29 = tpu.memref_slice %arg10[%dma_wait3A_27, %dma_wait3A_28] : memref<10240x64xf32, #tpu.memory_space<vmem_shared>> -> memref<10240x64xf32, #tpu.memory_space<vmem_shared>>
        tpu.wait_indirect_dma semaphore(%run_scoped3A : memref<!tpu.dma_semaphore, #tpu.memory_space<semaphore_mem>>) src(%arg9 : memref<400x64xf32, #tpu.memory_space<vmem>>) dst(%dma_wait3A_29 : memref<10240x64xf32, #tpu.memory_space<vmem_shared>>)
        tpu.yield
      }) : () -> ()
    }
    %scan3A_9 = arith.constant 25 : i32
    %barrier3A_10 = arith.constant 0 : index
    tpu.barrier barrier_id(%barrier3A_10)
    %mul3A_11 = arith.constant 10240 : i32
    %mul3A_12 = arith.muli %arg0, %mul3A_11 : i32
    %mul3A_13 = arith.constant 640 : i32
    %mul3A_14 = arith.muli %arg1, %mul3A_13 : i32
    %add3A_15 = arith.addi %mul3A_12, %mul3A_14 : i32
    "tpu.region"() ({
      %run_scoped3A = tpu.sem_alloc : memref<!tpu.dma_semaphore, #tpu.memory_space<semaphore_mem>>
      %dma_start3A = arith.constant 0 : i32
      %dma_start3A_16 = tpu.memref_slice %arg6[%add3A_15, %dma_start3A] : memref<20480x64xf32, #tpu.memory_space<hbm>> -> memref<640x64xf32, #tpu.memory_space<hbm>>
      %dma_start3A_17 = arith.constant 0 : i32
      %dma_start3A_18 = tpu.memref_slice %arg10[%mul3A_2, %dma_start3A_17] : memref<10240x64xf32, #tpu.memory_space<vmem_shared>> -> memref<640x64xf32, #tpu.memory_space<vmem_shared>>
      tpu.enqueue_dma source(%dma_start3A_18 : memref<640x64xf32, #tpu.memory_space<vmem_shared>>) target(%dma_start3A_16 : memref<640x64xf32, #tpu.memory_space<hbm>>) target_semaphore(%run_scoped3A : memref<!tpu.dma_semaphore, #tpu.memory_space<semaphore_mem>>)
      %dma_wait3A = arith.constant 0 : i32
      %dma_wait3A_19 = tpu.memref_slice %arg6[%add3A_15, %dma_wait3A] : memref<20480x64xf32, #tpu.memory_space<hbm>> -> memref<640x64xf32, #tpu.memory_space<hbm>>
      %dma_wait3A_20 = arith.constant 0 : i32
      %dma_wait3A_21 = tpu.memref_slice %arg10[%mul3A_2, %dma_wait3A_20] : memref<10240x64xf32, #tpu.memory_space<vmem_shared>> -> memref<640x64xf32, #tpu.memory_space<vmem_shared>>
      tpu.wait_dma2 semaphore(%run_scoped3A : memref<!tpu.dma_semaphore, #tpu.memory_space<semaphore_mem>>) src(%dma_wait3A_21 : memref<640x64xf32, #tpu.memory_space<vmem_shared>>) dst(%dma_wait3A_19 : memref<640x64xf32, #tpu.memory_space<hbm>>)
      tpu.yield
    }) : () -> ()
    return
  }
}

#map = affine_map<(d0, d1) -> (0, 0)>
#map1 = affine_map<(d0, d1) -> (0)>
module attributes {stable_mosaic.version = 14 : i64} {
  func.func @body(%arg0: i32, %arg1: i32, %arg2: memref<10240x64xf32, #tpu.memory_space<hbm>>, %arg3: memref<320000xi32, #tpu.memory_space<hbm>>, %arg4: memref<320000xi32, #tpu.memory_space<hbm>>, %arg5: memref<10240x64xf32, #tpu.memory_space<hbm>>, %arg6: memref<20480x64xf32, #tpu.memory_space<hbm>>, %arg7: memref<400xi32, #tpu.memory_space<vmem>>, %arg8: memref<400xi32, #tpu.memory_space<vmem>>, %arg9: memref<400x64xf32, #tpu.memory_space<vmem>>, %arg10: memref<10240x64xf32, #tpu.memory_space<vmem_shared>>, %arg11: memref<!tpu.dma_semaphore, #tpu.memory_space<semaphore_mem>>) attributes {dimension_semantics = [#tpu.dimension_semantics<core_parallel>, #tpu.dimension_semantics<subcore_parallel>], iteration_bounds = array<i64: 2, 16>, scalar_prefetch = 0 : i64, scratch_operands = 5 : i64, tpu.core_type = #tpu.core_type<sc_vector_subcore>, window_params = [{transform_indices = #map}, {transform_indices = #map1}, {transform_indices = #map1}, {transform_indices = #map}, {transform_indices = #map}]} {
    %mul3A = arith.constant 16 : i32
    %mul3A_0 = arith.muli %arg0, %mul3A : i32
    %add3A = arith.addi %mul3A_0, %arg1 : i32
    %mul3A_1 = arith.constant 640 : i32
    %mul3A_2 = arith.muli %arg1, %mul3A_1 : i32
    "tpu.region"() ({
      %run_scoped3A = tpu.sem_alloc : memref<!tpu.dma_semaphore, #tpu.memory_space<semaphore_mem>>
      %dma_start3A = arith.constant 0 : i32
      %dma_start3A_16 = tpu.memref_slice %arg10[%mul3A_2, %dma_start3A] : memref<10240x64xf32, #tpu.memory_space<vmem_shared>> -> memref<640x64xf32, #tpu.memory_space<vmem_shared>>
      %dma_start3A_17 = arith.constant 0 : i32
      %dma_start3A_18 = tpu.memref_slice %arg5[%mul3A_2, %dma_start3A_17] : memref<10240x64xf32, #tpu.memory_space<hbm>> -> memref<640x64xf32, #tpu.memory_space<hbm>>
      tpu.enqueue_dma source(%dma_start3A_18 : memref<640x64xf32, #tpu.memory_space<hbm>>) target(%dma_start3A_16 : memref<640x64xf32, #tpu.memory_space<vmem_shared>>) target_semaphore(%run_scoped3A : memref<!tpu.dma_semaphore, #tpu.memory_space<semaphore_mem>>)
      %dma_wait3A = arith.constant 0 : i32
      %dma_wait3A_19 = tpu.memref_slice %arg10[%mul3A_2, %dma_wait3A] : memref<10240x64xf32, #tpu.memory_space<vmem_shared>> -> memref<640x64xf32, #tpu.memory_space<vmem_shared>>
      %dma_wait3A_20 = arith.constant 0 : i32
      %dma_wait3A_21 = tpu.memref_slice %arg5[%mul3A_2, %dma_wait3A_20] : memref<10240x64xf32, #tpu.memory_space<hbm>> -> memref<640x64xf32, #tpu.memory_space<hbm>>
      tpu.wait_dma2 semaphore(%run_scoped3A : memref<!tpu.dma_semaphore, #tpu.memory_space<semaphore_mem>>) src(%dma_wait3A_21 : memref<640x64xf32, #tpu.memory_space<hbm>>) dst(%dma_wait3A_19 : memref<640x64xf32, #tpu.memory_space<vmem_shared>>)
      tpu.yield
    }) : () -> ()
    %barrier3A = arith.constant 0 : index
    tpu.barrier barrier_id(%barrier3A)
    %mul3A_3 = arith.constant 10000 : i32
    %mul3A_4 = arith.muli %add3A, %mul3A_3 : i32
    %scan3A = arith.constant 0 : i32
    %scan3A_5 = arith.constant 0 : i32
    %scan3A_6 = arith.constant 25 : i32
    %scan3A_7 = arith.addi %scan3A_5, %scan3A_6 : i32
    %scan3A_8 = arith.constant 1 : i32
    scf.for %scan3A_16 = %scan3A_5 to %scan3A_7 step %scan3A_8  : i32 {
      %mul3A_17 = arith.constant 400 : i32
      %mul3A_18 = arith.muli %scan3A_16, %mul3A_17 : i32
      %add3A_19 = arith.addi %mul3A_4, %mul3A_18 : i32
      "tpu.region"() ({
        %run_scoped3A = tpu.sem_alloc : memref<!tpu.dma_semaphore, #tpu.memory_space<semaphore_mem>>
        %dma_start3A_24 = tpu.memref_slice %arg3[%add3A_19] : memref<320000xi32, #tpu.memory_space<hbm>> -> memref<400xi32, #tpu.memory_space<hbm>>
        %dma_start3A_25 = tpu.memref_slice %arg3[%add3A_19] : memref<320000xi32, #tpu.memory_space<hbm>> -> memref<400xi32, #tpu.memory_space<hbm>>
        tpu.enqueue_dma source(%dma_start3A_25 : memref<400xi32, #tpu.memory_space<hbm>>) target(%arg7 : memref<400xi32, #tpu.memory_space<vmem>>) target_semaphore(%run_scoped3A : memref<!tpu.dma_semaphore, #tpu.memory_space<semaphore_mem>>)
        %dma_wait3A_26 = tpu.memref_slice %arg3[%add3A_19] : memref<320000xi32, #tpu.memory_space<hbm>> -> memref<400xi32, #tpu.memory_space<hbm>>
        %dma_wait3A_27 = tpu.memref_slice %arg3[%add3A_19] : memref<320000xi32, #tpu.memory_space<hbm>> -> memref<400xi32, #tpu.memory_space<hbm>>
        tpu.wait_dma2 semaphore(%run_scoped3A : memref<!tpu.dma_semaphore, #tpu.memory_space<semaphore_mem>>) src(%dma_wait3A_27 : memref<400xi32, #tpu.memory_space<hbm>>) dst(%arg7 : memref<400xi32, #tpu.memory_space<vmem>>)
        tpu.yield
      }) : () -> ()
      "tpu.region"() ({
        %run_scoped3A = tpu.sem_alloc : memref<!tpu.dma_semaphore, #tpu.memory_space<semaphore_mem>>
        %dma_start3A_24 = tpu.memref_slice %arg4[%add3A_19] : memref<320000xi32, #tpu.memory_space<hbm>> -> memref<400xi32, #tpu.memory_space<hbm>>
        %dma_start3A_25 = tpu.memref_slice %arg4[%add3A_19] : memref<320000xi32, #tpu.memory_space<hbm>> -> memref<400xi32, #tpu.memory_space<hbm>>
        tpu.enqueue_dma source(%dma_start3A_25 : memref<400xi32, #tpu.memory_space<hbm>>) target(%arg8 : memref<400xi32, #tpu.memory_space<vmem>>) target_semaphore(%run_scoped3A : memref<!tpu.dma_semaphore, #tpu.memory_space<semaphore_mem>>)
        %dma_wait3A_26 = tpu.memref_slice %arg4[%add3A_19] : memref<320000xi32, #tpu.memory_space<hbm>> -> memref<400xi32, #tpu.memory_space<hbm>>
        %dma_wait3A_27 = tpu.memref_slice %arg4[%add3A_19] : memref<320000xi32, #tpu.memory_space<hbm>> -> memref<400xi32, #tpu.memory_space<hbm>>
        tpu.wait_dma2 semaphore(%run_scoped3A : memref<!tpu.dma_semaphore, #tpu.memory_space<semaphore_mem>>) src(%dma_wait3A_27 : memref<400xi32, #tpu.memory_space<hbm>>) dst(%arg8 : memref<400xi32, #tpu.memory_space<vmem>>)
        tpu.yield
      }) : () -> ()
      %dma_start3A = arith.constant 0 : i32
      %dma_start3A_20 = arith.constant 0 : i32
      %dma_start3A_21 = tpu.memref_slice %arg2[%dma_start3A, %dma_start3A_20] : memref<10240x64xf32, #tpu.memory_space<hbm>> -> memref<10240x64xf32, #tpu.memory_space<hbm>>
      tpu.enqueue_indirect_dma source(%dma_start3A_21 : memref<10240x64xf32, #tpu.memory_space<hbm>>) target(%arg9 : memref<400x64xf32, #tpu.memory_space<vmem>>) offsets(%arg7 : memref<400xi32, #tpu.memory_space<vmem>>) semaphore(%arg11 : memref<!tpu.dma_semaphore, #tpu.memory_space<semaphore_mem>>)
      %dma_wait3A = arith.constant 0 : i32
      %dma_wait3A_22 = arith.constant 0 : i32
      %dma_wait3A_23 = tpu.memref_slice %arg2[%dma_wait3A, %dma_wait3A_22] : memref<10240x64xf32, #tpu.memory_space<hbm>> -> memref<10240x64xf32, #tpu.memory_space<hbm>>
      tpu.wait_indirect_dma semaphore(%arg11 : memref<!tpu.dma_semaphore, #tpu.memory_space<semaphore_mem>>) src(%dma_wait3A_23 : memref<10240x64xf32, #tpu.memory_space<hbm>>) dst(%arg9 : memref<400x64xf32, #tpu.memory_space<vmem>>)
      "tpu.region"() ({
        %run_scoped3A = tpu.sem_alloc : memref<!tpu.dma_semaphore, #tpu.memory_space<semaphore_mem>>
        %dma_start3A_24 = arith.constant 0 : i32
        %dma_start3A_25 = arith.constant 0 : i32
        %dma_start3A_26 = tpu.memref_slice %arg10[%dma_start3A_24, %dma_start3A_25] : memref<10240x64xf32, #tpu.memory_space<vmem_shared>> -> memref<10240x64xf32, #tpu.memory_space<vmem_shared>>
        tpu.enqueue_indirect_dma source(%arg9 : memref<400x64xf32, #tpu.memory_space<vmem>>) target(%dma_start3A_26 : memref<10240x64xf32, #tpu.memory_space<vmem_shared>>) offsets(%arg8 : memref<400xi32, #tpu.memory_space<vmem>>) semaphore(%run_scoped3A : memref<!tpu.dma_semaphore, #tpu.memory_space<semaphore_mem>>) {add = true}
        %dma_wait3A_27 = arith.constant 0 : i32
        %dma_wait3A_28 = arith.constant 0 : i32
        %dma_wait3A_29 = tpu.memref_slice %arg10[%dma_wait3A_27, %dma_wait3A_28] : memref<10240x64xf32, #tpu.memory_space<vmem_shared>> -> memref<10240x64xf32, #tpu.memory_space<vmem_shared>>
        tpu.wait_indirect_dma semaphore(%run_scoped3A : memref<!tpu.dma_semaphore, #tpu.memory_space<semaphore_mem>>) src(%arg9 : memref<400x64xf32, #tpu.memory_space<vmem>>) dst(%dma_wait3A_29 : memref<10240x64xf32, #tpu.memory_space<vmem_shared>>)
        tpu.yield
      }) : () -> ()
    }
    %scan3A_9 = arith.constant 25 : i32
    %barrier3A_10 = arith.constant 0 : index
    tpu.barrier barrier_id(%barrier3A_10)
    %mul3A_11 = arith.constant 10240 : i32
    %mul3A_12 = arith.muli %arg0, %mul3A_11 : i32
    %mul3A_13 = arith.constant 640 : i32
    %mul3A_14 = arith.muli %arg1, %mul3A_13 : i32
    %add3A_15 = arith.addi %mul3A_12, %mul3A_14 : i32
    "tpu.region"() ({
      %run_scoped3A = tpu.sem_alloc : memref<!tpu.dma_semaphore, #tpu.memory_space<semaphore_mem>>
      %dma_start3A = arith.constant 0 : i32
      %dma_start3A_16 = tpu.memref_slice %arg6[%add3A_15, %dma_start3A] : memref<20480x64xf32, #tpu.memory_space<hbm>> -> memref<640x64xf32, #tpu.memory_space<hbm>>
      %dma_start3A_17 = arith.constant 0 : i32
      %dma_start3A_18 = tpu.memref_slice %arg10[%mul3A_2, %dma_start3A_17] : memref<10240x64xf32, #tpu.memory_space<vmem_shared>> -> memref<640x64xf32, #tpu.memory_space<vmem_shared>>
      tpu.enqueue_dma source(%dma_start3A_18 : memref<640x64xf32, #tpu.memory_space<vmem_shared>>) target(%dma_start3A_16 : memref<640x64xf32, #tpu.memory_space<hbm>>) target_semaphore(%run_scoped3A : memref<!tpu.dma_semaphore, #tpu.memory_space<semaphore_mem>>)
      %dma_wait3A = arith.constant 0 : i32
      %dma_wait3A_19 = tpu.memref_slice %arg6[%add3A_15, %dma_wait3A] : memref<20480x64xf32, #tpu.memory_space<hbm>> -> memref<640x64xf32, #tpu.memory_space<hbm>>
      %dma_wait3A_20 = arith.constant 0 : i32
      %dma_wait3A_21 = tpu.memref_slice %arg10[%mul3A_2, %dma_wait3A_20] : memref<10240x64xf32, #tpu.memory_space<vmem_shared>> -> memref<640x64xf32, #tpu.memory_space<vmem_shared>>
      tpu.wait_dma2 semaphore(%run_scoped3A : memref<!tpu.dma_semaphore, #tpu.memory_space<semaphore_mem>>) src(%dma_wait3A_21 : memref<640x64xf32, #tpu.memory_space<vmem_shared>>) dst(%dma_wait3A_19 : memref<640x64xf32, #tpu.memory_space<hbm>>)
      tpu.yield
    }) : () -> ()
    return
  }
}

#map = affine_map<(d0, d1) -> (0, 0)>
#map1 = affine_map<(d0, d1) -> (0)>
module attributes {stable_mosaic.version = 14 : i64} {
  func.func @body(%arg0: i32, %arg1: i32, %arg2: memref<10240x64xf32, #tpu.memory_space<hbm>>, %arg3: memref<10240x64xf32, #tpu.memory_space<hbm>>, %arg4: memref<1024xi32, #tpu.memory_space<hbm>>, %arg5: memref<1024x64xf32, #tpu.memory_space<hbm>>, %arg6: memref<1024x64xf32, #tpu.memory_space<hbm>>, %arg7: memref<32xi32, #tpu.memory_space<vmem>>, %arg8: memref<32x64xf32, #tpu.memory_space<vmem>>, %arg9: memref<10240x64xf32, #tpu.memory_space<vmem_shared>>, %arg10: memref<!tpu.dma_semaphore, #tpu.memory_space<semaphore_mem>>) attributes {dimension_semantics = [#tpu.dimension_semantics<core_parallel>, #tpu.dimension_semantics<subcore_parallel>], iteration_bounds = array<i64: 2, 16>, scalar_prefetch = 0 : i64, scratch_operands = 4 : i64, tpu.core_type = #tpu.core_type<sc_vector_subcore>, window_params = [{transform_indices = #map}, {transform_indices = #map}, {transform_indices = #map1}, {transform_indices = #map}, {transform_indices = #map}]} {
    %mul3A = arith.constant 16 : i32
    %mul3A_0 = arith.muli %arg0, %mul3A : i32
    %add3A = arith.addi %mul3A_0, %arg1 : i32
    %mul3A_1 = arith.constant 640 : i32
    %mul3A_2 = arith.muli %arg1, %mul3A_1 : i32
    %mul3A_3 = arith.constant 32 : i32
    %mul3A_4 = arith.muli %add3A, %mul3A_3 : i32
    "tpu.region"() ({
      %run_scoped3A = tpu.sem_alloc : memref<!tpu.dma_semaphore, #tpu.memory_space<semaphore_mem>>
      %dma_start3A_21 = tpu.memref_slice %arg4[%mul3A_4] : memref<1024xi32, #tpu.memory_space<hbm>> -> memref<32xi32, #tpu.memory_space<hbm>>
      %dma_start3A_22 = tpu.memref_slice %arg4[%mul3A_4] : memref<1024xi32, #tpu.memory_space<hbm>> -> memref<32xi32, #tpu.memory_space<hbm>>
      tpu.enqueue_dma source(%dma_start3A_22 : memref<32xi32, #tpu.memory_space<hbm>>) target(%arg7 : memref<32xi32, #tpu.memory_space<vmem>>) target_semaphore(%run_scoped3A : memref<!tpu.dma_semaphore, #tpu.memory_space<semaphore_mem>>)
      %dma_wait3A_23 = tpu.memref_slice %arg4[%mul3A_4] : memref<1024xi32, #tpu.memory_space<hbm>> -> memref<32xi32, #tpu.memory_space<hbm>>
      %dma_wait3A_24 = tpu.memref_slice %arg4[%mul3A_4] : memref<1024xi32, #tpu.memory_space<hbm>> -> memref<32xi32, #tpu.memory_space<hbm>>
      tpu.wait_dma2 semaphore(%run_scoped3A : memref<!tpu.dma_semaphore, #tpu.memory_space<semaphore_mem>>) src(%dma_wait3A_24 : memref<32xi32, #tpu.memory_space<hbm>>) dst(%arg7 : memref<32xi32, #tpu.memory_space<vmem>>)
      tpu.yield
    }) : () -> ()
    "tpu.region"() ({
      %run_scoped3A = tpu.sem_alloc : memref<!tpu.dma_semaphore, #tpu.memory_space<semaphore_mem>>
      %dma_start3A_21 = arith.constant 0 : i32
      %dma_start3A_22 = tpu.memref_slice %arg9[%mul3A_2, %dma_start3A_21] : memref<10240x64xf32, #tpu.memory_space<vmem_shared>> -> memref<640x64xf32, #tpu.memory_space<vmem_shared>>
      %dma_start3A_23 = arith.constant 0 : i32
      %dma_start3A_24 = tpu.memref_slice %arg2[%mul3A_2, %dma_start3A_23] : memref<10240x64xf32, #tpu.memory_space<hbm>> -> memref<640x64xf32, #tpu.memory_space<hbm>>
      tpu.enqueue_dma source(%dma_start3A_24 : memref<640x64xf32, #tpu.memory_space<hbm>>) target(%dma_start3A_22 : memref<640x64xf32, #tpu.memory_space<vmem_shared>>) target_semaphore(%run_scoped3A : memref<!tpu.dma_semaphore, #tpu.memory_space<semaphore_mem>>)
      %dma_wait3A_25 = arith.constant 0 : i32
      %dma_wait3A_26 = tpu.memref_slice %arg9[%mul3A_2, %dma_wait3A_25] : memref<10240x64xf32, #tpu.memory_space<vmem_shared>> -> memref<640x64xf32, #tpu.memory_space<vmem_shared>>
      %dma_wait3A_27 = arith.constant 0 : i32
      %dma_wait3A_28 = tpu.memref_slice %arg2[%mul3A_2, %dma_wait3A_27] : memref<10240x64xf32, #tpu.memory_space<hbm>> -> memref<640x64xf32, #tpu.memory_space<hbm>>
      tpu.wait_dma2 semaphore(%run_scoped3A : memref<!tpu.dma_semaphore, #tpu.memory_space<semaphore_mem>>) src(%dma_wait3A_28 : memref<640x64xf32, #tpu.memory_space<hbm>>) dst(%dma_wait3A_26 : memref<640x64xf32, #tpu.memory_space<vmem_shared>>)
      tpu.yield
    }) : () -> ()
    %barrier3A = arith.constant 0 : index
    tpu.barrier barrier_id(%barrier3A)
    %dma_start3A = arith.constant 0 : i32
    %dma_start3A_5 = arith.constant 0 : i32
    %dma_start3A_6 = tpu.memref_slice %arg9[%dma_start3A, %dma_start3A_5] : memref<10240x64xf32, #tpu.memory_space<vmem_shared>> -> memref<10240x64xf32, #tpu.memory_space<vmem_shared>>
    tpu.enqueue_indirect_dma source(%dma_start3A_6 : memref<10240x64xf32, #tpu.memory_space<vmem_shared>>) target(%arg8 : memref<32x64xf32, #tpu.memory_space<vmem>>) offsets(%arg7 : memref<32xi32, #tpu.memory_space<vmem>>) semaphore(%arg10 : memref<!tpu.dma_semaphore, #tpu.memory_space<semaphore_mem>>)
    %dma_wait3A = arith.constant 0 : i32
    %dma_wait3A_7 = arith.constant 0 : i32
    %dma_wait3A_8 = tpu.memref_slice %arg9[%dma_wait3A, %dma_wait3A_7] : memref<10240x64xf32, #tpu.memory_space<vmem_shared>> -> memref<10240x64xf32, #tpu.memory_space<vmem_shared>>
    tpu.wait_indirect_dma semaphore(%arg10 : memref<!tpu.dma_semaphore, #tpu.memory_space<semaphore_mem>>) src(%dma_wait3A_8 : memref<10240x64xf32, #tpu.memory_space<vmem_shared>>) dst(%arg8 : memref<32x64xf32, #tpu.memory_space<vmem>>)
    %mul3A_9 = arith.constant 32 : i32
    %mul3A_10 = arith.muli %add3A, %mul3A_9 : i32
    "tpu.region"() ({
      %run_scoped3A = tpu.sem_alloc : memref<!tpu.dma_semaphore, #tpu.memory_space<semaphore_mem>>
      %dma_start3A_21 = arith.constant 0 : i32
      %dma_start3A_22 = tpu.memref_slice %arg5[%mul3A_10, %dma_start3A_21] : memref<1024x64xf32, #tpu.memory_space<hbm>> -> memref<32x64xf32, #tpu.memory_space<hbm>>
      %dma_start3A_23 = arith.constant 0 : i32
      %dma_start3A_24 = tpu.memref_slice %arg5[%mul3A_10, %dma_start3A_23] : memref<1024x64xf32, #tpu.memory_space<hbm>> -> memref<32x64xf32, #tpu.memory_space<hbm>>
      tpu.enqueue_dma source(%arg8 : memref<32x64xf32, #tpu.memory_space<vmem>>) target(%dma_start3A_24 : memref<32x64xf32, #tpu.memory_space<hbm>>) target_semaphore(%run_scoped3A : memref<!tpu.dma_semaphore, #tpu.memory_space<semaphore_mem>>)
      %dma_wait3A_25 = arith.constant 0 : i32
      %dma_wait3A_26 = tpu.memref_slice %arg5[%mul3A_10, %dma_wait3A_25] : memref<1024x64xf32, #tpu.memory_space<hbm>> -> memref<32x64xf32, #tpu.memory_space<hbm>>
      %dma_wait3A_27 = arith.constant 0 : i32
      %dma_wait3A_28 = tpu.memref_slice %arg5[%mul3A_10, %dma_wait3A_27] : memref<1024x64xf32, #tpu.memory_space<hbm>> -> memref<32x64xf32, #tpu.memory_space<hbm>>
      tpu.wait_dma2 semaphore(%run_scoped3A : memref<!tpu.dma_semaphore, #tpu.memory_space<semaphore_mem>>) src(%arg8 : memref<32x64xf32, #tpu.memory_space<vmem>>) dst(%dma_wait3A_28 : memref<32x64xf32, #tpu.memory_space<hbm>>)
      tpu.yield
    }) : () -> ()
    %barrier3A_11 = arith.constant 0 : index
    tpu.barrier barrier_id(%barrier3A_11)
    "tpu.region"() ({
      %run_scoped3A = tpu.sem_alloc : memref<!tpu.dma_semaphore, #tpu.memory_space<semaphore_mem>>
      %dma_start3A_21 = arith.constant 0 : i32
      %dma_start3A_22 = tpu.memref_slice %arg9[%mul3A_2, %dma_start3A_21] : memref<10240x64xf32, #tpu.memory_space<vmem_shared>> -> memref<640x64xf32, #tpu.memory_space<vmem_shared>>
      %dma_start3A_23 = arith.constant 0 : i32
      %dma_start3A_24 = tpu.memref_slice %arg3[%mul3A_2, %dma_start3A_23] : memref<10240x64xf32, #tpu.memory_space<hbm>> -> memref<640x64xf32, #tpu.memory_space<hbm>>
      tpu.enqueue_dma source(%dma_start3A_24 : memref<640x64xf32, #tpu.memory_space<hbm>>) target(%dma_start3A_22 : memref<640x64xf32, #tpu.memory_space<vmem_shared>>) target_semaphore(%run_scoped3A : memref<!tpu.dma_semaphore, #tpu.memory_space<semaphore_mem>>)
      %dma_wait3A_25 = arith.constant 0 : i32
      %dma_wait3A_26 = tpu.memref_slice %arg9[%mul3A_2, %dma_wait3A_25] : memref<10240x64xf32, #tpu.memory_space<vmem_shared>> -> memref<640x64xf32, #tpu.memory_space<vmem_shared>>
      %dma_wait3A_27 = arith.constant 0 : i32
      %dma_wait3A_28 = tpu.memref_slice %arg3[%mul3A_2, %dma_wait3A_27] : memref<10240x64xf32, #tpu.memory_space<hbm>> -> memref<640x64xf32, #tpu.memory_space<hbm>>
      tpu.wait_dma2 semaphore(%run_scoped3A : memref<!tpu.dma_semaphore, #tpu.memory_space<semaphore_mem>>) src(%dma_wait3A_28 : memref<640x64xf32, #tpu.memory_space<hbm>>) dst(%dma_wait3A_26 : memref<640x64xf32, #tpu.memory_space<vmem_shared>>)
      tpu.yield
    }) : () -> ()
    %barrier3A_12 = arith.constant 0 : index
    tpu.barrier barrier_id(%barrier3A_12)
    %dma_start3A_13 = arith.constant 0 : i32
    %dma_start3A_14 = arith.constant 0 : i32
    %dma_start3A_15 = tpu.memref_slice %arg9[%dma_start3A_13, %dma_start3A_14] : memref<10240x64xf32, #tpu.memory_space<vmem_shared>> -> memref<10240x64xf32, #tpu.memory_space<vmem_shared>>
    tpu.enqueue_indirect_dma source(%dma_start3A_15 : memref<10240x64xf32, #tpu.memory_space<vmem_shared>>) target(%arg8 : memref<32x64xf32, #tpu.memory_space<vmem>>) offsets(%arg7 : memref<32xi32, #tpu.memory_space<vmem>>) semaphore(%arg10 : memref<!tpu.dma_semaphore, #tpu.memory_space<semaphore_mem>>)
    %dma_wait3A_16 = arith.constant 0 : i32
    %dma_wait3A_17 = arith.constant 0 : i32
    %dma_wait3A_18 = tpu.memref_slice %arg9[%dma_wait3A_16, %dma_wait3A_17] : memref<10240x64xf32, #tpu.memory_space<vmem_shared>> -> memref<10240x64xf32, #tpu.memory_space<vmem_shared>>
    tpu.wait_indirect_dma semaphore(%arg10 : memref<!tpu.dma_semaphore, #tpu.memory_space<semaphore_mem>>) src(%dma_wait3A_18 : memref<10240x64xf32, #tpu.memory_space<vmem_shared>>) dst(%arg8 : memref<32x64xf32, #tpu.memory_space<vmem>>)
    %mul3A_19 = arith.constant 32 : i32
    %mul3A_20 = arith.muli %add3A, %mul3A_19 : i32
    "tpu.region"() ({
      %run_scoped3A = tpu.sem_alloc : memref<!tpu.dma_semaphore, #tpu.memory_space<semaphore_mem>>
      %dma_start3A_21 = arith.constant 0 : i32
      %dma_start3A_22 = tpu.memref_slice %arg6[%mul3A_20, %dma_start3A_21] : memref<1024x64xf32, #tpu.memory_space<hbm>> -> memref<32x64xf32, #tpu.memory_space<hbm>>
      %dma_start3A_23 = arith.constant 0 : i32
      %dma_start3A_24 = tpu.memref_slice %arg6[%mul3A_20, %dma_start3A_23] : memref<1024x64xf32, #tpu.memory_space<hbm>> -> memref<32x64xf32, #tpu.memory_space<hbm>>
      tpu.enqueue_dma source(%arg8 : memref<32x64xf32, #tpu.memory_space<vmem>>) target(%dma_start3A_24 : memref<32x64xf32, #tpu.memory_space<hbm>>) target_semaphore(%run_scoped3A : memref<!tpu.dma_semaphore, #tpu.memory_space<semaphore_mem>>)
      %dma_wait3A_25 = arith.constant 0 : i32
      %dma_wait3A_26 = tpu.memref_slice %arg6[%mul3A_20, %dma_wait3A_25] : memref<1024x64xf32, #tpu.memory_space<hbm>> -> memref<32x64xf32, #tpu.memory_space<hbm>>
      %dma_wait3A_27 = arith.constant 0 : i32
      %dma_wait3A_28 = tpu.memref_slice %arg6[%mul3A_20, %dma_wait3A_27] : memref<1024x64xf32, #tpu.memory_space<hbm>> -> memref<32x64xf32, #tpu.memory_space<hbm>>
      tpu.wait_dma2 semaphore(%run_scoped3A : memref<!tpu.dma_semaphore, #tpu.memory_space<semaphore_mem>>) src(%arg8 : memref<32x64xf32, #tpu.memory_space<vmem>>) dst(%dma_wait3A_28 : memref<32x64xf32, #tpu.memory_space<hbm>>)
      tpu.yield
    }) : () -> ()
    return
  }
}

module attributes {stable_mosaic.version = 14 : i64} {
  func.func @body(%arg0: i32, %arg1: memref<1024x140xf32, #tpu.memory_space<vmem>>, %arg2: memref<1x1x1024xi32, #tpu.memory_space<vmem>>, %arg3: memref<128x32xf32, #tpu.memory_space<vmem>>, %arg4: memref<172x64xf32, #tpu.memory_space<vmem>>, %arg5: memref<1024x96xf32, #tpu.memory_space<vmem>>, %arg6: memref<1024x80xf32, #tpu.memory_space<vmem>>, %arg7: memref<1024x64xf32, #tpu.memory_space<vmem>>) attributes {dimension_semantics = [#tpu.dimension_semantics<arbitrary>], iteration_bounds = array<i64: 10>, scalar_prefetch = 0 : i64, scratch_operands = 0 : i64, tpu.core_type = #tpu.core_type<tc>, window_params = [{transform_indices = @transform_0, window_bounds = array<i64: 1024, 140>}, {transform_indices = @transform_1, window_bounds = array<i64: 1, 1, 1024>}, {pipeline_mode = #tpu.pipeline_mode<synchronous>, transform_indices = @transform_2, window_bounds = array<i64: 128, 32>}, {pipeline_mode = #tpu.pipeline_mode<synchronous>, transform_indices = @transform_3, window_bounds = array<i64: 172, 64>}, {transform_indices = @transform_4, window_bounds = array<i64: 1024, 96>}, {transform_indices = @transform_5, window_bounds = array<i64: 1024, 80>}, {transform_indices = @transform_6, window_bounds = array<i64: 1024, 64>}]} {
    %get3A = arith.constant 0 : index
    %get3A_0 = arith.constant 0 : index
    %get3A_1 = arith.constant 0 : index
    %get3A_2 = vector.load %arg2[%get3A, %get3A_0, %get3A_1] : memref<1x1x1024xi32, #tpu.memory_space<vmem>>, vector<1x1x1024xi32>
    %get3A_3 = vector.shape_cast %get3A_2 : vector<1x1x1024xi32> to vector<1024xi32>
    %broadcast_in_dim3A = vector.shape_cast %get3A_3 : vector<1024xi32> to vector<1024x1xi32>
    %iota3A = tpu.iota {dimensions = array<i32: 1>} : vector<1024x128xi32>
    %eq3A = vector.broadcast %broadcast_in_dim3A : vector<1024x1xi32> to vector<1024x128xi32>
    %eq3A_4 = arith.cmpi eq, %eq3A, %iota3A : vector<1024x128xi32>
    %convert_element_type3A = arith.extui %eq3A_4 : vector<1024x128xi1> to vector<1024x128xi32>
    %convert_element_type3A_5 = arith.sitofp %convert_element_type3A : vector<1024x128xi32> to vector<1024x128xf32>
    %get3A_6 = arith.constant 0 : index
    %get3A_7 = arith.constant 0 : index
    %get3A_8 = vector.load %arg3[%get3A_6, %get3A_7] : memref<128x32xf32, #tpu.memory_space<vmem>>, vector<128x32xf32>
    %convert_element_type3A_9 = arith.truncf %convert_element_type3A_5 : vector<1024x128xf32> to vector<1024x128xbf16>
    %convert_element_type3A_10 = arith.extf %convert_element_type3A_9 : vector<1024x128xbf16> to vector<1024x128xf32>
    %sub3A = arith.subf %convert_element_type3A_5, %convert_element_type3A_10 : vector<1024x128xf32>
    %convert_element_type3A_11 = arith.truncf %sub3A : vector<1024x128xf32> to vector<1024x128xbf16>
    %convert_element_type3A_12 = arith.truncf %get3A_8 : vector<128x32xf32> to vector<128x32xbf16>
    %convert_element_type3A_13 = arith.extf %convert_element_type3A_12 : vector<128x32xbf16> to vector<128x32xf32>
    %sub3A_14 = arith.subf %get3A_8, %convert_element_type3A_13 : vector<128x32xf32>
    %convert_element_type3A_15 = arith.truncf %sub3A_14 : vector<128x32xf32> to vector<128x32xbf16>
    %dot_general3A = arith.constant dense<0.000000e+00> : vector<1024x32xf32>
    %dot_general3A_16 = tpu.matmul %convert_element_type3A_9, %convert_element_type3A_12, %dot_general3A {dimension_numbers = #tpu.dot_dimension_numbers<[1], [0], [0], [1], [0, 0, 1, 1], [], []>, transpose_lhs_hint = false} : vector<1024x128xbf16>, vector<128x32xbf16>, vector<1024x32xf32> -> vector<1024x32xf32>
    %dot_general3A_17 = arith.constant dense<0.000000e+00> : vector<1024x32xf32>
    %dot_general3A_18 = tpu.matmul %convert_element_type3A_9, %convert_element_type3A_15, %dot_general3A_17 {dimension_numbers = #tpu.dot_dimension_numbers<[1], [0], [0], [1], [0, 0, 1, 1], [], []>, transpose_lhs_hint = false} : vector<1024x128xbf16>, vector<128x32xbf16>, vector<1024x32xf32> -> vector<1024x32xf32>
    %add3A = arith.addf %dot_general3A_16, %dot_general3A_18 : vector<1024x32xf32>
    %dot_general3A_19 = arith.constant dense<0.000000e+00> : vector<1024x32xf32>
    %dot_general3A_20 = tpu.matmul %convert_element_type3A_11, %convert_element_type3A_12, %dot_general3A_19 {dimension_numbers = #tpu.dot_dimension_numbers<[1], [0], [0], [1], [0, 0, 1, 1], [], []>, transpose_lhs_hint = false} : vector<1024x128xbf16>, vector<128x32xbf16>, vector<1024x32xf32> -> vector<1024x32xf32>
    %add3A_21 = arith.addf %add3A, %dot_general3A_20 : vector<1024x32xf32>
    %get3A_22 = arith.constant 0 : index
    %get3A_23 = arith.constant 0 : index
    %get3A_24 = vector.load %arg1[%get3A_22, %get3A_23] : memref<1024x140xf32, #tpu.memory_space<vmem>>, vector<1024x140xf32>
    %concatenate3A = tpu.concatenate %get3A_24, %add3A_21 in 1 : vector<1024x140xf32>, vector<1024x32xf32> -> vector<1024x172xf32>
    %slice3A = vector.extract_strided_slice %get3A_24 {offsets = [0, 0], sizes = [1024, 96], strides = [1, 1]} : vector<1024x140xf32> to vector<1024x96xf32>
    %swap3A = arith.constant 0 : index
    %swap3A_25 = arith.constant 0 : index
    %swap3A_26 = vector.load %arg5[%swap3A, %swap3A_25] : memref<1024x96xf32, #tpu.memory_space<vmem>>, vector<1024x96xf32>
    tpu.vector_store %arg5[%swap3A, %swap3A_25], %slice3A {strides = array<i32>} : memref<1024x96xf32, #tpu.memory_space<vmem>>, vector<1024x96xf32>,
    %slice3A_27 = vector.extract_strided_slice %get3A_24 {offsets = [0, 96], sizes = [1024, 44], strides = [1, 1]} : vector<1024x140xf32> to vector<1024x44xf32>
    %broadcast_in_dim3A_28 = arith.constant 0.000000e+00 : f32
    %broadcast_in_dim3A_29 = vector.broadcast %broadcast_in_dim3A_28 : f32 to vector<1024x4xf32>
    %concatenate3A_30 = tpu.concatenate %slice3A_27, %add3A_21, %broadcast_in_dim3A_29 in 1 : vector<1024x44xf32>, vector<1024x32xf32>, vector<1024x4xf32> -> vector<1024x80xf32>
    %swap3A_31 = arith.constant 0 : index
    %swap3A_32 = arith.constant 0 : index
    %swap3A_33 = vector.load %arg6[%swap3A_31, %swap3A_32] : memref<1024x80xf32, #tpu.memory_space<vmem>>, vector<1024x80xf32>
    tpu.vector_store %arg6[%swap3A_31, %swap3A_32], %concatenate3A_30 {strides = array<i32>} : memref<1024x80xf32, #tpu.memory_space<vmem>>, vector<1024x80xf32>,
    %get3A_34 = arith.constant 0 : index
    %get3A_35 = arith.constant 0 : index
    %get3A_36 = vector.load %arg4[%get3A_34, %get3A_35] : memref<172x64xf32, #tpu.memory_space<vmem>>, vector<172x64xf32>
    %convert_element_type3A_37 = arith.truncf %concatenate3A : vector<1024x172xf32> to vector<1024x172xbf16>
    %convert_element_type3A_38 = arith.extf %convert_element_type3A_37 : vector<1024x172xbf16> to vector<1024x172xf32>
    %sub3A_39 = arith.subf %concatenate3A, %convert_element_type3A_38 : vector<1024x172xf32>
    %convert_element_type3A_40 = arith.truncf %sub3A_39 : vector<1024x172xf32> to vector<1024x172xbf16>
    %convert_element_type3A_41 = arith.truncf %get3A_36 : vector<172x64xf32> to vector<172x64xbf16>
    %convert_element_type3A_42 = arith.extf %convert_element_type3A_41 : vector<172x64xbf16> to vector<172x64xf32>
    %sub3A_43 = arith.subf %get3A_36, %convert_element_type3A_42 : vector<172x64xf32>
    %convert_element_type3A_44 = arith.truncf %sub3A_43 : vector<172x64xf32> to vector<172x64xbf16>
    %dot_general3A_45 = arith.constant dense<0.000000e+00> : vector<1024x64xf32>
    %dot_general3A_46 = tpu.matmul %convert_element_type3A_37, %convert_element_type3A_41, %dot_general3A_45 {dimension_numbers = #tpu.dot_dimension_numbers<[1], [0], [0], [1], [0, 0, 1, 1], [], []>, transpose_lhs_hint = false} : vector<1024x172xbf16>, vector<172x64xbf16>, vector<1024x64xf32> -> vector<1024x64xf32>
    %dot_general3A_47 = arith.constant dense<0.000000e+00> : vector<1024x64xf32>
    %dot_general3A_48 = tpu.matmul %convert_element_type3A_37, %convert_element_type3A_44, %dot_general3A_47 {dimension_numbers = #tpu.dot_dimension_numbers<[1], [0], [0], [1], [0, 0, 1, 1], [], []>, transpose_lhs_hint = false} : vector<1024x172xbf16>, vector<172x64xbf16>, vector<1024x64xf32> -> vector<1024x64xf32>
    %add3A_49 = arith.addf %dot_general3A_46, %dot_general3A_48 : vector<1024x64xf32>
    %dot_general3A_50 = arith.constant dense<0.000000e+00> : vector<1024x64xf32>
    %dot_general3A_51 = tpu.matmul %convert_element_type3A_40, %convert_element_type3A_41, %dot_general3A_50 {dimension_numbers = #tpu.dot_dimension_numbers<[1], [0], [0], [1], [0, 0, 1, 1], [], []>, transpose_lhs_hint = false} : vector<1024x172xbf16>, vector<172x64xbf16>, vector<1024x64xf32> -> vector<1024x64xf32>
    %add3A_52 = arith.addf %add3A_49, %dot_general3A_51 : vector<1024x64xf32>
    %swap3A_53 = arith.constant 0 : index
    %swap3A_54 = arith.constant 0 : index
    %swap3A_55 = vector.load %arg7[%swap3A_53, %swap3A_54] : memref<1024x64xf32, #tpu.memory_space<vmem>>, vector<1024x64xf32>
    tpu.vector_store %arg7[%swap3A_53, %swap3A_54], %add3A_52 {strides = array<i32>} : memref<1024x64xf32, #tpu.memory_space<vmem>>, vector<1024x64xf32>,
    return
  }
  func.func @transform_0(%arg0: i32) -> (i32, i32) {
    %c0_i32 = arith.constant 0 : i32
    %c0_i32_0 = arith.constant 0 : i32
    return %arg0, %c0_i32 : i32, i32
  }
  func.func @transform_1(%arg0: i32) -> (i32, i32, i32) {
    %c0_i32 = arith.constant 0 : i32
    %c0_i32_0 = arith.constant 0 : i32
    %c0_i32_1 = arith.constant 0 : i32
    return %arg0, %c0_i32, %c0_i32_0 : i32, i32, i32
  }
  func.func @transform_2(%arg0: i32) -> (i32, i32) {
    %c0_i32 = arith.constant 0 : i32
    %c0_i32_0 = arith.constant 0 : i32
    %c0_i32_1 = arith.constant 0 : i32
    return %c0_i32, %c0_i32_0 : i32, i32
  }
  func.func @transform_3(%arg0: i32) -> (i32, i32) {
    %c0_i32 = arith.constant 0 : i32
    %c0_i32_0 = arith.constant 0 : i32
    %c0_i32_1 = arith.constant 0 : i32
    return %c0_i32, %c0_i32_0 : i32, i32
  }
  func.func @transform_4(%arg0: i32) -> (i32, i32) {
    %c0_i32 = arith.constant 0 : i32
    %c0_i32_0 = arith.constant 0 : i32
    return %arg0, %c0_i32 : i32, i32
  }
  func.func @transform_5(%arg0: i32) -> (i32, i32) {
    %c0_i32 = arith.constant 0 : i32
    %c0_i32_0 = arith.constant 0 : i32
    return %arg0, %c0_i32 : i32, i32
  }
  func.func @transform_6(%arg0: i32) -> (i32, i32) {
    %c0_i32 = arith.constant 0 : i32
    %c0_i32_0 = arith.constant 0 : i32
    return %arg0, %c0_i32 : i32, i32
  }
}

module attributes {stable_mosaic.version = 14 : i64} {
  func.func @body(%arg0: i32, %arg1: memref<2x1024x96xf32, #tpu.memory_space<vmem>>, %arg2: memref<2x1024x80xf32, #tpu.memory_space<vmem>>, %arg3: memref<2x1024x1xf32, #tpu.memory_space<vmem>>, %arg4: memref<1024x64xf32, #tpu.memory_space<vmem>>, %arg5: memref<176x64xf32, #tpu.memory_space<vmem>>, %arg6: memref<1x64xf32, #tpu.memory_space<vmem>>, %arg7: memref<64x64xf32, #tpu.memory_space<vmem>>, %arg8: memref<1024x64xf32, #tpu.memory_space<vmem>>, %arg9: memref<1024x64xf32, #tpu.memory_space<vmem>>) attributes {dimension_semantics = [#tpu.dimension_semantics<arbitrary>], iteration_bounds = array<i64: 10>, scalar_prefetch = 0 : i64, scratch_operands = 0 : i64, tpu.core_type = #tpu.core_type<tc>, window_params = [{transform_indices = @transform_0, window_bounds = array<i64: 2, 1024, 96>}, {transform_indices = @transform_1, window_bounds = array<i64: 2, 1024, 80>}, {transform_indices = @transform_2, window_bounds = array<i64: 2, 1024, 1>}, {transform_indices = @transform_3, window_bounds = array<i64: 1024, 64>}, {pipeline_mode = #tpu.pipeline_mode<synchronous>, transform_indices = @transform_4, window_bounds = array<i64: 176, 64>}, {pipeline_mode = #tpu.pipeline_mode<synchronous>, transform_indices = @transform_5, window_bounds = array<i64: 1, 64>}, {pipeline_mode = #tpu.pipeline_mode<synchronous>, transform_indices = @transform_6, window_bounds = array<i64: 64, 64>}, {transform_indices = @transform_7, window_bounds = array<i64: 1024, 64>}, {transform_indices = @transform_8, window_bounds = array<i64: 1024, 64>}]} {
    %get3A = arith.constant 0 : index
    %get3A_0 = arith.constant 0 : index
    %get3A_1 = arith.constant 0 : index
    %get3A_2 = vector.load %arg1[%get3A, %get3A_0, %get3A_1] : memref<2x1024x96xf32, #tpu.memory_space<vmem>>, vector<1x1024x96xf32>
    %get3A_3 = vector.shape_cast %get3A_2 : vector<1x1024x96xf32> to vector<1024x96xf32>
    %get3A_4 = arith.constant 1 : index
    %get3A_5 = arith.constant 0 : index
    %get3A_6 = arith.constant 0 : index
    %get3A_7 = vector.load %arg1[%get3A_4, %get3A_5, %get3A_6] : memref<2x1024x96xf32, #tpu.memory_space<vmem>>, vector<1x1024x96xf32>
    %get3A_8 = vector.shape_cast %get3A_7 : vector<1x1024x96xf32> to vector<1024x96xf32>
    %add3A = arith.addf %get3A_3, %get3A_8 : vector<1024x96xf32>
    %get3A_9 = arith.constant 0 : index
    %get3A_10 = arith.constant 0 : index
    %get3A_11 = arith.constant 0 : index
    %get3A_12 = vector.load %arg2[%get3A_9, %get3A_10, %get3A_11] : memref<2x1024x80xf32, #tpu.memory_space<vmem>>, vector<1x1024x80xf32>
    %get3A_13 = vector.shape_cast %get3A_12 : vector<1x1024x80xf32> to vector<1024x80xf32>
    %get3A_14 = arith.constant 1 : index
    %get3A_15 = arith.constant 0 : index
    %get3A_16 = arith.constant 0 : index
    %get3A_17 = vector.load %arg2[%get3A_14, %get3A_15, %get3A_16] : memref<2x1024x80xf32, #tpu.memory_space<vmem>>, vector<1x1024x80xf32>
    %get3A_18 = vector.shape_cast %get3A_17 : vector<1x1024x80xf32> to vector<1024x80xf32>
    %add3A_19 = arith.addf %get3A_13, %get3A_18 : vector<1024x80xf32>
    %concatenate3A = tpu.concatenate %add3A, %add3A_19 in 1 : vector<1024x96xf32>, vector<1024x80xf32> -> vector<1024x176xf32>
    %get3A_20 = arith.constant 0 : index
    %get3A_21 = arith.constant 0 : index
    %get3A_22 = arith.constant 0 : index
    %get3A_23 = vector.load %arg3[%get3A_20, %get3A_21, %get3A_22] : memref<2x1024x1xf32, #tpu.memory_space<vmem>>, vector<1x1024x1xf32>
    %get3A_24 = vector.shape_cast %get3A_23 : vector<1x1024x1xf32> to vector<1024x1xf32>
    %get3A_25 = arith.constant 1 : index
    %get3A_26 = arith.constant 0 : index
    %get3A_27 = arith.constant 0 : index
    %get3A_28 = vector.load %arg3[%get3A_25, %get3A_26, %get3A_27] : memref<2x1024x1xf32, #tpu.memory_space<vmem>>, vector<1x1024x1xf32>
    %get3A_29 = vector.shape_cast %get3A_28 : vector<1x1024x1xf32> to vector<1024x1xf32>
    %add3A_30 = arith.addf %get3A_24, %get3A_29 : vector<1024x1xf32>
    %max3A = arith.constant 1.000000e+00 : f32
    %max3A_31 = vector.broadcast %max3A : f32 to vector<1024x1xf32>
    %max3A_32 = arith.maximumf %add3A_30, %max3A_31 : vector<1024x1xf32>
    %div3A = vector.broadcast %max3A_32 : vector<1024x1xf32> to vector<1024x176xf32>
    %div3A_33 = arith.divf %concatenate3A, %div3A : vector<1024x176xf32>
    %get3A_34 = arith.constant 0 : index
    %get3A_35 = arith.constant 0 : index
    %get3A_36 = vector.load %arg5[%get3A_34, %get3A_35] : memref<176x64xf32, #tpu.memory_space<vmem>>, vector<176x64xf32>
    %convert_element_type3A = arith.truncf %div3A_33 : vector<1024x176xf32> to vector<1024x176xbf16>
    %convert_element_type3A_37 = arith.extf %convert_element_type3A : vector<1024x176xbf16> to vector<1024x176xf32>
    %sub3A = arith.subf %div3A_33, %convert_element_type3A_37 : vector<1024x176xf32>
    %convert_element_type3A_38 = arith.truncf %sub3A : vector<1024x176xf32> to vector<1024x176xbf16>
    %convert_element_type3A_39 = arith.truncf %get3A_36 : vector<176x64xf32> to vector<176x64xbf16>
    %convert_element_type3A_40 = arith.extf %convert_element_type3A_39 : vector<176x64xbf16> to vector<176x64xf32>
    %sub3A_41 = arith.subf %get3A_36, %convert_element_type3A_40 : vector<176x64xf32>
    %convert_element_type3A_42 = arith.truncf %sub3A_41 : vector<176x64xf32> to vector<176x64xbf16>
    %dot_general3A = arith.constant dense<0.000000e+00> : vector<1024x64xf32>
    %dot_general3A_43 = tpu.matmul %convert_element_type3A, %convert_element_type3A_39, %dot_general3A {dimension_numbers = #tpu.dot_dimension_numbers<[1], [0], [0], [1], [0, 0, 1, 1], [], []>, transpose_lhs_hint = false} : vector<1024x176xbf16>, vector<176x64xbf16>, vector<1024x64xf32> -> vector<1024x64xf32>
    %dot_general3A_44 = arith.constant dense<0.000000e+00> : vector<1024x64xf32>
    %dot_general3A_45 = tpu.matmul %convert_element_type3A, %convert_element_type3A_42, %dot_general3A_44 {dimension_numbers = #tpu.dot_dimension_numbers<[1], [0], [0], [1], [0, 0, 1, 1], [], []>, transpose_lhs_hint = false} : vector<1024x176xbf16>, vector<176x64xbf16>, vector<1024x64xf32> -> vector<1024x64xf32>
    %add3A_46 = arith.addf %dot_general3A_43, %dot_general3A_45 : vector<1024x64xf32>
    %dot_general3A_47 = arith.constant dense<0.000000e+00> : vector<1024x64xf32>
    %dot_general3A_48 = tpu.matmul %convert_element_type3A_38, %convert_element_type3A_39, %dot_general3A_47 {dimension_numbers = #tpu.dot_dimension_numbers<[1], [0], [0], [1], [0, 0, 1, 1], [], []>, transpose_lhs_hint = false} : vector<1024x176xbf16>, vector<176x64xbf16>, vector<1024x64xf32> -> vector<1024x64xf32>
    %add3A_49 = arith.addf %add3A_46, %dot_general3A_48 : vector<1024x64xf32>
    %get3A_50 = arith.constant 0 : index
    %get3A_51 = arith.constant 0 : index
    %get3A_52 = vector.load %arg6[%get3A_50, %get3A_51] : memref<1x64xf32, #tpu.memory_space<vmem>>, vector<1x64xf32>
    %add3A_53 = vector.broadcast %get3A_52 : vector<1x64xf32> to vector<1024x64xf32>
    %add3A_54 = arith.addf %add3A_49, %add3A_53 : vector<1024x64xf32>
    %get3A_55 = arith.constant 0 : index
    %get3A_56 = arith.constant 0 : index
    %get3A_57 = vector.load %arg4[%get3A_55, %get3A_56] : memref<1024x64xf32, #tpu.memory_space<vmem>>, vector<1024x64xf32>
    %add3A_58 = arith.addf %add3A_54, %get3A_57 : vector<1024x64xf32>
    %ge3A = arith.constant 0.000000e+00 : f32
    %ge3A_59 = vector.broadcast %ge3A : f32 to vector<1024x64xf32>
    %ge3A_60 = arith.cmpf oge, %add3A_58, %ge3A_59 : vector<1024x64xf32>
    %mul3A = arith.constant 0.00999999977 : f32
    %mul3A_61 = vector.broadcast %mul3A : f32 to vector<1024x64xf32>
    %mul3A_62 = arith.mulf %mul3A_61, %add3A_58 : vector<1024x64xf32>
    %select_n3A = arith.select %ge3A_60, %add3A_58, %mul3A_62 : vector<1024x64xi1>, vector<1024x64xf32>
    %swap3A = arith.constant 0 : index
    %swap3A_63 = arith.constant 0 : index
    %swap3A_64 = vector.load %arg8[%swap3A, %swap3A_63] : memref<1024x64xf32, #tpu.memory_space<vmem>>, vector<1024x64xf32>
    tpu.vector_store %arg8[%swap3A, %swap3A_63], %select_n3A {strides = array<i32>} : memref<1024x64xf32, #tpu.memory_space<vmem>>, vector<1024x64xf32>,
    %get3A_65 = arith.constant 0 : index
    %get3A_66 = arith.constant 0 : index
    %get3A_67 = vector.load %arg7[%get3A_65, %get3A_66] : memref<64x64xf32, #tpu.memory_space<vmem>>, vector<64x64xf32>
    %convert_element_type3A_68 = arith.truncf %select_n3A : vector<1024x64xf32> to vector<1024x64xbf16>
    %convert_element_type3A_69 = arith.extf %convert_element_type3A_68 : vector<1024x64xbf16> to vector<1024x64xf32>
    %sub3A_70 = arith.subf %select_n3A, %convert_element_type3A_69 : vector<1024x64xf32>
    %convert_element_type3A_71 = arith.truncf %sub3A_70 : vector<1024x64xf32> to vector<1024x64xbf16>
    %convert_element_type3A_72 = arith.truncf %get3A_67 : vector<64x64xf32> to vector<64x64xbf16>
    %convert_element_type3A_73 = arith.extf %convert_element_type3A_72 : vector<64x64xbf16> to vector<64x64xf32>
    %sub3A_74 = arith.subf %get3A_67, %convert_element_type3A_73 : vector<64x64xf32>
    %convert_element_type3A_75 = arith.truncf %sub3A_74 : vector<64x64xf32> to vector<64x64xbf16>
    %dot_general3A_76 = arith.constant dense<0.000000e+00> : vector<1024x64xf32>
    %dot_general3A_77 = tpu.matmul %convert_element_type3A_68, %convert_element_type3A_72, %dot_general3A_76 {dimension_numbers = #tpu.dot_dimension_numbers<[1], [0], [0], [1], [0, 0, 1, 1], [], []>, transpose_lhs_hint = false} : vector<1024x64xbf16>, vector<64x64xbf16>, vector<1024x64xf32> -> vector<1024x64xf32>
    %dot_general3A_78 = arith.constant dense<0.000000e+00> : vector<1024x64xf32>
    %dot_general3A_79 = tpu.matmul %convert_element_type3A_68, %convert_element_type3A_75, %dot_general3A_78 {dimension_numbers = #tpu.dot_dimension_numbers<[1], [0], [0], [1], [0, 0, 1, 1], [], []>, transpose_lhs_hint = false} : vector<1024x64xbf16>, vector<64x64xbf16>, vector<1024x64xf32> -> vector<1024x64xf32>
    %add3A_80 = arith.addf %dot_general3A_77, %dot_general3A_79 : vector<1024x64xf32>
    %dot_general3A_81 = arith.constant dense<0.000000e+00> : vector<1024x64xf32>
    %dot_general3A_82 = tpu.matmul %convert_element_type3A_71, %convert_element_type3A_72, %dot_general3A_81 {dimension_numbers = #tpu.dot_dimension_numbers<[1], [0], [0], [1], [0, 0, 1, 1], [], []>, transpose_lhs_hint = false} : vector<1024x64xbf16>, vector<64x64xbf16>, vector<1024x64xf32> -> vector<1024x64xf32>
    %add3A_83 = arith.addf %add3A_80, %dot_general3A_82 : vector<1024x64xf32>
    %swap3A_84 = arith.constant 0 : index
    %swap3A_85 = arith.constant 0 : index
    %swap3A_86 = vector.load %arg9[%swap3A_84, %swap3A_85] : memref<1024x64xf32, #tpu.memory_space<vmem>>, vector<1024x64xf32>
    tpu.vector_store %arg9[%swap3A_84, %swap3A_85], %add3A_83 {strides = array<i32>} : memref<1024x64xf32, #tpu.memory_space<vmem>>, vector<1024x64xf32>,
    return
  }
  func.func @transform_0(%arg0: i32) -> (i32, i32, i32) {
    %c0_i32 = arith.constant 0 : i32
    %c0_i32_0 = arith.constant 0 : i32
    %c0_i32_1 = arith.constant 0 : i32
    return %c0_i32, %arg0, %c0_i32_0 : i32, i32, i32
  }
  func.func @transform_1(%arg0: i32) -> (i32, i32, i32) {
    %c0_i32 = arith.constant 0 : i32
    %c0_i32_0 = arith.constant 0 : i32
    %c0_i32_1 = arith.constant 0 : i32
    return %c0_i32, %arg0, %c0_i32_0 : i32, i32, i32
  }
  func.func @transform_2(%arg0: i32) -> (i32, i32, i32) {
    %c0_i32 = arith.constant 0 : i32
    %c0_i32_0 = arith.constant 0 : i32
    %c0_i32_1 = arith.constant 0 : i32
    return %c0_i32, %arg0, %c0_i32_0 : i32, i32, i32
  }
  func.func @transform_3(%arg0: i32) -> (i32, i32) {
    %c0_i32 = arith.constant 0 : i32
    %c0_i32_0 = arith.constant 0 : i32
    return %arg0, %c0_i32 : i32, i32
  }
  func.func @transform_4(%arg0: i32) -> (i32, i32) {
    %c0_i32 = arith.constant 0 : i32
    %c0_i32_0 = arith.constant 0 : i32
    %c0_i32_1 = arith.constant 0 : i32
    return %c0_i32, %c0_i32_0 : i32, i32
  }
  func.func @transform_5(%arg0: i32) -> (i32, i32) {
    %c0_i32 = arith.constant 0 : i32
    %c0_i32_0 = arith.constant 0 : i32
    %c0_i32_1 = arith.constant 0 : i32
    return %c0_i32, %c0_i32_0 : i32, i32
  }
  func.func @transform_6(%arg0: i32) -> (i32, i32) {
    %c0_i32 = arith.constant 0 : i32
    %c0_i32_0 = arith.constant 0 : i32
    %c0_i32_1 = arith.constant 0 : i32
    return %c0_i32, %c0_i32_0 : i32, i32
  }
  func.func @transform_7(%arg0: i32) -> (i32, i32) {
    %c0_i32 = arith.constant 0 : i32
    %c0_i32_0 = arith.constant 0 : i32
    return %arg0, %c0_i32 : i32, i32
  }
  func.func @transform_8(%arg0: i32) -> (i32, i32) {
    %c0_i32 = arith.constant 0 : i32
    %c0_i32_0 = arith.constant 0 : i32
    return %arg0, %c0_i32 : i32, i32
  }
}

module attributes {stable_mosaic.version = 14 : i64} {
  func.func @body_mid(%arg0: i32, %arg1: memref<2x1024x64xf32, #tpu.memory_space<vmem>>, %arg2: memref<2x1024x1xf32, #tpu.memory_space<vmem>>, %arg3: memref<1024x64xf32, #tpu.memory_space<vmem>>, %arg4: memref<64x64xf32, #tpu.memory_space<vmem>>, %arg5: memref<1x64xf32, #tpu.memory_space<vmem>>, %arg6: memref<64x64xf32, #tpu.memory_space<vmem>>, %arg7: memref<1024x64xf32, #tpu.memory_space<vmem>>, %arg8: memref<1024x64xf32, #tpu.memory_space<vmem>>) attributes {dimension_semantics = [#tpu.dimension_semantics<arbitrary>], iteration_bounds = array<i64: 10>, scalar_prefetch = 0 : i64, scratch_operands = 0 : i64, tpu.core_type = #tpu.core_type<tc>, window_params = [{transform_indices = @transform_0, window_bounds = array<i64: 2, 1024, 64>}, {transform_indices = @transform_1, window_bounds = array<i64: 2, 1024, 1>}, {transform_indices = @transform_2, window_bounds = array<i64: 1024, 64>}, {pipeline_mode = #tpu.pipeline_mode<synchronous>, transform_indices = @transform_3, window_bounds = array<i64: 64, 64>}, {pipeline_mode = #tpu.pipeline_mode<synchronous>, transform_indices = @transform_4, window_bounds = array<i64: 1, 64>}, {pipeline_mode = #tpu.pipeline_mode<synchronous>, transform_indices = @transform_5, window_bounds = array<i64: 64, 64>}, {transform_indices = @transform_6, window_bounds = array<i64: 1024, 64>}, {transform_indices = @transform_7, window_bounds = array<i64: 1024, 64>}]} {
    %get3A = arith.constant 0 : index
    %get3A_0 = arith.constant 0 : index
    %get3A_1 = arith.constant 0 : index
    %get3A_2 = vector.load %arg1[%get3A, %get3A_0, %get3A_1] : memref<2x1024x64xf32, #tpu.memory_space<vmem>>, vector<1x1024x64xf32>
    %get3A_3 = vector.shape_cast %get3A_2 : vector<1x1024x64xf32> to vector<1024x64xf32>
    %get3A_4 = arith.constant 1 : index
    %get3A_5 = arith.constant 0 : index
    %get3A_6 = arith.constant 0 : index
    %get3A_7 = vector.load %arg1[%get3A_4, %get3A_5, %get3A_6] : memref<2x1024x64xf32, #tpu.memory_space<vmem>>, vector<1x1024x64xf32>
    %get3A_8 = vector.shape_cast %get3A_7 : vector<1x1024x64xf32> to vector<1024x64xf32>
    %add3A = arith.addf %get3A_3, %get3A_8 : vector<1024x64xf32>
    %get3A_9 = arith.constant 0 : index
    %get3A_10 = arith.constant 0 : index
    %get3A_11 = arith.constant 0 : index
    %get3A_12 = vector.load %arg2[%get3A_9, %get3A_10, %get3A_11] : memref<2x1024x1xf32, #tpu.memory_space<vmem>>, vector<1x1024x1xf32>
    %get3A_13 = vector.shape_cast %get3A_12 : vector<1x1024x1xf32> to vector<1024x1xf32>
    %get3A_14 = arith.constant 1 : index
    %get3A_15 = arith.constant 0 : index
    %get3A_16 = arith.constant 0 : index
    %get3A_17 = vector.load %arg2[%get3A_14, %get3A_15, %get3A_16] : memref<2x1024x1xf32, #tpu.memory_space<vmem>>, vector<1x1024x1xf32>
    %get3A_18 = vector.shape_cast %get3A_17 : vector<1x1024x1xf32> to vector<1024x1xf32>
    %add3A_19 = arith.addf %get3A_13, %get3A_18 : vector<1024x1xf32>
    %max3A = arith.constant 1.000000e+00 : f32
    %max3A_20 = vector.broadcast %max3A : f32 to vector<1024x1xf32>
    %max3A_21 = arith.maximumf %add3A_19, %max3A_20 : vector<1024x1xf32>
    %div3A = vector.broadcast %max3A_21 : vector<1024x1xf32> to vector<1024x64xf32>
    %div3A_22 = arith.divf %add3A, %div3A : vector<1024x64xf32>
    %get3A_23 = arith.constant 0 : index
    %get3A_24 = arith.constant 0 : index
    %get3A_25 = vector.load %arg4[%get3A_23, %get3A_24] : memref<64x64xf32, #tpu.memory_space<vmem>>, vector<64x64xf32>
    %convert_element_type3A = arith.truncf %div3A_22 : vector<1024x64xf32> to vector<1024x64xbf16>
    %convert_element_type3A_26 = arith.extf %convert_element_type3A : vector<1024x64xbf16> to vector<1024x64xf32>
    %sub3A = arith.subf %div3A_22, %convert_element_type3A_26 : vector<1024x64xf32>
    %convert_element_type3A_27 = arith.truncf %sub3A : vector<1024x64xf32> to vector<1024x64xbf16>
    %convert_element_type3A_28 = arith.truncf %get3A_25 : vector<64x64xf32> to vector<64x64xbf16>
    %convert_element_type3A_29 = arith.extf %convert_element_type3A_28 : vector<64x64xbf16> to vector<64x64xf32>
    %sub3A_30 = arith.subf %get3A_25, %convert_element_type3A_29 : vector<64x64xf32>
    %convert_element_type3A_31 = arith.truncf %sub3A_30 : vector<64x64xf32> to vector<64x64xbf16>
    %dot_general3A = arith.constant dense<0.000000e+00> : vector<1024x64xf32>
    %dot_general3A_32 = tpu.matmul %convert_element_type3A, %convert_element_type3A_28, %dot_general3A {dimension_numbers = #tpu.dot_dimension_numbers<[1], [0], [0], [1], [0, 0, 1, 1], [], []>, transpose_lhs_hint = false} : vector<1024x64xbf16>, vector<64x64xbf16>, vector<1024x64xf32> -> vector<1024x64xf32>
    %dot_general3A_33 = arith.constant dense<0.000000e+00> : vector<1024x64xf32>
    %dot_general3A_34 = tpu.matmul %convert_element_type3A, %convert_element_type3A_31, %dot_general3A_33 {dimension_numbers = #tpu.dot_dimension_numbers<[1], [0], [0], [1], [0, 0, 1, 1], [], []>, transpose_lhs_hint = false} : vector<1024x64xbf16>, vector<64x64xbf16>, vector<1024x64xf32> -> vector<1024x64xf32>
    %add3A_35 = arith.addf %dot_general3A_32, %dot_general3A_34 : vector<1024x64xf32>
    %dot_general3A_36 = arith.constant dense<0.000000e+00> : vector<1024x64xf32>
    %dot_general3A_37 = tpu.matmul %convert_element_type3A_27, %convert_element_type3A_28, %dot_general3A_36 {dimension_numbers = #tpu.dot_dimension_numbers<[1], [0], [0], [1], [0, 0, 1, 1], [], []>, transpose_lhs_hint = false} : vector<1024x64xbf16>, vector<64x64xbf16>, vector<1024x64xf32> -> vector<1024x64xf32>
    %add3A_38 = arith.addf %add3A_35, %dot_general3A_37 : vector<1024x64xf32>
    %get3A_39 = arith.constant 0 : index
    %get3A_40 = arith.constant 0 : index
    %get3A_41 = vector.load %arg5[%get3A_39, %get3A_40] : memref<1x64xf32, #tpu.memory_space<vmem>>, vector<1x64xf32>
    %add3A_42 = vector.broadcast %get3A_41 : vector<1x64xf32> to vector<1024x64xf32>
    %add3A_43 = arith.addf %add3A_38, %add3A_42 : vector<1024x64xf32>
    %get3A_44 = arith.constant 0 : index
    %get3A_45 = arith.constant 0 : index
    %get3A_46 = vector.load %arg3[%get3A_44, %get3A_45] : memref<1024x64xf32, #tpu.memory_space<vmem>>, vector<1024x64xf32>
    %add3A_47 = arith.addf %add3A_43, %get3A_46 : vector<1024x64xf32>
    %ge3A = arith.constant 0.000000e+00 : f32
    %ge3A_48 = vector.broadcast %ge3A : f32 to vector<1024x64xf32>
    %ge3A_49 = arith.cmpf oge, %add3A_47, %ge3A_48 : vector<1024x64xf32>
    %mul3A = arith.constant 0.00999999977 : f32
    %mul3A_50 = vector.broadcast %mul3A : f32 to vector<1024x64xf32>
    %mul3A_51 = arith.mulf %mul3A_50, %add3A_47 : vector<1024x64xf32>
    %select_n3A = arith.select %ge3A_49, %add3A_47, %mul3A_51 : vector<1024x64xi1>, vector<1024x64xf32>
    %swap3A = arith.constant 0 : index
    %swap3A_52 = arith.constant 0 : index
    %swap3A_53 = vector.load %arg7[%swap3A, %swap3A_52] : memref<1024x64xf32, #tpu.memory_space<vmem>>, vector<1024x64xf32>
    tpu.vector_store %arg7[%swap3A, %swap3A_52], %select_n3A {strides = array<i32>} : memref<1024x64xf32, #tpu.memory_space<vmem>>, vector<1024x64xf32>,
    %get3A_54 = arith.constant 0 : index
    %get3A_55 = arith.constant 0 : index
    %get3A_56 = vector.load %arg6[%get3A_54, %get3A_55] : memref<64x64xf32, #tpu.memory_space<vmem>>, vector<64x64xf32>
    %convert_element_type3A_57 = arith.truncf %select_n3A : vector<1024x64xf32> to vector<1024x64xbf16>
    %convert_element_type3A_58 = arith.extf %convert_element_type3A_57 : vector<1024x64xbf16> to vector<1024x64xf32>
    %sub3A_59 = arith.subf %select_n3A, %convert_element_type3A_58 : vector<1024x64xf32>
    %convert_element_type3A_60 = arith.truncf %sub3A_59 : vector<1024x64xf32> to vector<1024x64xbf16>
    %convert_element_type3A_61 = arith.truncf %get3A_56 : vector<64x64xf32> to vector<64x64xbf16>
    %convert_element_type3A_62 = arith.extf %convert_element_type3A_61 : vector<64x64xbf16> to vector<64x64xf32>
    %sub3A_63 = arith.subf %get3A_56, %convert_element_type3A_62 : vector<64x64xf32>
    %convert_element_type3A_64 = arith.truncf %sub3A_63 : vector<64x64xf32> to vector<64x64xbf16>
    %dot_general3A_65 = arith.constant dense<0.000000e+00> : vector<1024x64xf32>
    %dot_general3A_66 = tpu.matmul %convert_element_type3A_57, %convert_element_type3A_61, %dot_general3A_65 {dimension_numbers = #tpu.dot_dimension_numbers<[1], [0], [0], [1], [0, 0, 1, 1], [], []>, transpose_lhs_hint = false} : vector<1024x64xbf16>, vector<64x64xbf16>, vector<1024x64xf32> -> vector<1024x64xf32>
    %dot_general3A_67 = arith.constant dense<0.000000e+00> : vector<1024x64xf32>
    %dot_general3A_68 = tpu.matmul %convert_element_type3A_57, %convert_element_type3A_64, %dot_general3A_67 {dimension_numbers = #tpu.dot_dimension_numbers<[1], [0], [0], [1], [0, 0, 1, 1], [], []>, transpose_lhs_hint = false} : vector<1024x64xbf16>, vector<64x64xbf16>, vector<1024x64xf32> -> vector<1024x64xf32>
    %add3A_69 = arith.addf %dot_general3A_66, %dot_general3A_68 : vector<1024x64xf32>
    %dot_general3A_70 = arith.constant dense<0.000000e+00> : vector<1024x64xf32>
    %dot_general3A_71 = tpu.matmul %convert_element_type3A_60, %convert_element_type3A_61, %dot_general3A_70 {dimension_numbers = #tpu.dot_dimension_numbers<[1], [0], [0], [1], [0, 0, 1, 1], [], []>, transpose_lhs_hint = false} : vector<1024x64xbf16>, vector<64x64xbf16>, vector<1024x64xf32> -> vector<1024x64xf32>
    %add3A_72 = arith.addf %add3A_69, %dot_general3A_71 : vector<1024x64xf32>
    %swap3A_73 = arith.constant 0 : index
    %swap3A_74 = arith.constant 0 : index
    %swap3A_75 = vector.load %arg8[%swap3A_73, %swap3A_74] : memref<1024x64xf32, #tpu.memory_space<vmem>>, vector<1024x64xf32>
    tpu.vector_store %arg8[%swap3A_73, %swap3A_74], %add3A_72 {strides = array<i32>} : memref<1024x64xf32, #tpu.memory_space<vmem>>, vector<1024x64xf32>,
    return
  }
  func.func @transform_0(%arg0: i32) -> (i32, i32, i32) {
    %c0_i32 = arith.constant 0 : i32
    %c0_i32_0 = arith.constant 0 : i32
    %c0_i32_1 = arith.constant 0 : i32
    return %c0_i32, %arg0, %c0_i32_0 : i32, i32, i32
  }
  func.func @transform_1(%arg0: i32) -> (i32, i32, i32) {
    %c0_i32 = arith.constant 0 : i32
    %c0_i32_0 = arith.constant 0 : i32
    %c0_i32_1 = arith.constant 0 : i32
    return %c0_i32, %arg0, %c0_i32_0 : i32, i32, i32
  }
  func.func @transform_2(%arg0: i32) -> (i32, i32) {
    %c0_i32 = arith.constant 0 : i32
    %c0_i32_0 = arith.constant 0 : i32
    return %arg0, %c0_i32 : i32, i32
  }
  func.func @transform_3(%arg0: i32) -> (i32, i32) {
    %c0_i32 = arith.constant 0 : i32
    %c0_i32_0 = arith.constant 0 : i32
    %c0_i32_1 = arith.constant 0 : i32
    return %c0_i32, %c0_i32_0 : i32, i32
  }
  func.func @transform_4(%arg0: i32) -> (i32, i32) {
    %c0_i32 = arith.constant 0 : i32
    %c0_i32_0 = arith.constant 0 : i32
    %c0_i32_1 = arith.constant 0 : i32
    return %c0_i32, %c0_i32_0 : i32, i32
  }
  func.func @transform_5(%arg0: i32) -> (i32, i32) {
    %c0_i32 = arith.constant 0 : i32
    %c0_i32_0 = arith.constant 0 : i32
    %c0_i32_1 = arith.constant 0 : i32
    return %c0_i32, %c0_i32_0 : i32, i32
  }
  func.func @transform_6(%arg0: i32) -> (i32, i32) {
    %c0_i32 = arith.constant 0 : i32
    %c0_i32_0 = arith.constant 0 : i32
    return %arg0, %c0_i32 : i32, i32
  }
  func.func @transform_7(%arg0: i32) -> (i32, i32) {
    %c0_i32 = arith.constant 0 : i32
    %c0_i32_0 = arith.constant 0 : i32
    return %arg0, %c0_i32 : i32, i32
  }
}

module attributes {stable_mosaic.version = 14 : i64} {
  func.func @body_last(%arg0: i32, %arg1: memref<2x1024x64xf32, #tpu.memory_space<vmem>>, %arg2: memref<2x1024x1xf32, #tpu.memory_space<vmem>>, %arg3: memref<1024x64xf32, #tpu.memory_space<vmem>>, %arg4: memref<64x64xf32, #tpu.memory_space<vmem>>, %arg5: memref<1x64xf32, #tpu.memory_space<vmem>>, %arg6: memref<64x64xf32, #tpu.memory_space<vmem>>, %arg7: memref<1024x64xf32, #tpu.memory_space<vmem>>) attributes {dimension_semantics = [#tpu.dimension_semantics<arbitrary>], iteration_bounds = array<i64: 10>, scalar_prefetch = 0 : i64, scratch_operands = 0 : i64, tpu.core_type = #tpu.core_type<tc>, window_params = [{transform_indices = @transform_0, window_bounds = array<i64: 2, 1024, 64>}, {transform_indices = @transform_1, window_bounds = array<i64: 2, 1024, 1>}, {transform_indices = @transform_2, window_bounds = array<i64: 1024, 64>}, {pipeline_mode = #tpu.pipeline_mode<synchronous>, transform_indices = @transform_3, window_bounds = array<i64: 64, 64>}, {pipeline_mode = #tpu.pipeline_mode<synchronous>, transform_indices = @transform_4, window_bounds = array<i64: 1, 64>}, {pipeline_mode = #tpu.pipeline_mode<synchronous>, transform_indices = @transform_5, window_bounds = array<i64: 64, 64>}, {transform_indices = @transform_6, window_bounds = array<i64: 1024, 64>}]} {
    %get3A = arith.constant 0 : index
    %get3A_0 = arith.constant 0 : index
    %get3A_1 = arith.constant 0 : index
    %get3A_2 = vector.load %arg1[%get3A, %get3A_0, %get3A_1] : memref<2x1024x64xf32, #tpu.memory_space<vmem>>, vector<1x1024x64xf32>
    %get3A_3 = vector.shape_cast %get3A_2 : vector<1x1024x64xf32> to vector<1024x64xf32>
    %get3A_4 = arith.constant 1 : index
    %get3A_5 = arith.constant 0 : index
    %get3A_6 = arith.constant 0 : index
    %get3A_7 = vector.load %arg1[%get3A_4, %get3A_5, %get3A_6] : memref<2x1024x64xf32, #tpu.memory_space<vmem>>, vector<1x1024x64xf32>
    %get3A_8 = vector.shape_cast %get3A_7 : vector<1x1024x64xf32> to vector<1024x64xf32>
    %add3A = arith.addf %get3A_3, %get3A_8 : vector<1024x64xf32>
    %get3A_9 = arith.constant 0 : index
    %get3A_10 = arith.constant 0 : index
    %get3A_11 = arith.constant 0 : index
    %get3A_12 = vector.load %arg2[%get3A_9, %get3A_10, %get3A_11] : memref<2x1024x1xf32, #tpu.memory_space<vmem>>, vector<1x1024x1xf32>
    %get3A_13 = vector.shape_cast %get3A_12 : vector<1x1024x1xf32> to vector<1024x1xf32>
    %get3A_14 = arith.constant 1 : index
    %get3A_15 = arith.constant 0 : index
    %get3A_16 = arith.constant 0 : index
    %get3A_17 = vector.load %arg2[%get3A_14, %get3A_15, %get3A_16] : memref<2x1024x1xf32, #tpu.memory_space<vmem>>, vector<1x1024x1xf32>
    %get3A_18 = vector.shape_cast %get3A_17 : vector<1x1024x1xf32> to vector<1024x1xf32>
    %add3A_19 = arith.addf %get3A_13, %get3A_18 : vector<1024x1xf32>
    %max3A = arith.constant 1.000000e+00 : f32
    %max3A_20 = vector.broadcast %max3A : f32 to vector<1024x1xf32>
    %max3A_21 = arith.maximumf %add3A_19, %max3A_20 : vector<1024x1xf32>
    %div3A = vector.broadcast %max3A_21 : vector<1024x1xf32> to vector<1024x64xf32>
    %div3A_22 = arith.divf %add3A, %div3A : vector<1024x64xf32>
    %get3A_23 = arith.constant 0 : index
    %get3A_24 = arith.constant 0 : index
    %get3A_25 = vector.load %arg4[%get3A_23, %get3A_24] : memref<64x64xf32, #tpu.memory_space<vmem>>, vector<64x64xf32>
    %convert_element_type3A = arith.truncf %div3A_22 : vector<1024x64xf32> to vector<1024x64xbf16>
    %convert_element_type3A_26 = arith.extf %convert_element_type3A : vector<1024x64xbf16> to vector<1024x64xf32>
    %sub3A = arith.subf %div3A_22, %convert_element_type3A_26 : vector<1024x64xf32>
    %convert_element_type3A_27 = arith.truncf %sub3A : vector<1024x64xf32> to vector<1024x64xbf16>
    %convert_element_type3A_28 = arith.truncf %get3A_25 : vector<64x64xf32> to vector<64x64xbf16>
    %convert_element_type3A_29 = arith.extf %convert_element_type3A_28 : vector<64x64xbf16> to vector<64x64xf32>
    %sub3A_30 = arith.subf %get3A_25, %convert_element_type3A_29 : vector<64x64xf32>
    %convert_element_type3A_31 = arith.truncf %sub3A_30 : vector<64x64xf32> to vector<64x64xbf16>
    %dot_general3A = arith.constant dense<0.000000e+00> : vector<1024x64xf32>
    %dot_general3A_32 = tpu.matmul %convert_element_type3A, %convert_element_type3A_28, %dot_general3A {dimension_numbers = #tpu.dot_dimension_numbers<[1], [0], [0], [1], [0, 0, 1, 1], [], []>, transpose_lhs_hint = false} : vector<1024x64xbf16>, vector<64x64xbf16>, vector<1024x64xf32> -> vector<1024x64xf32>
    %dot_general3A_33 = arith.constant dense<0.000000e+00> : vector<1024x64xf32>
    %dot_general3A_34 = tpu.matmul %convert_element_type3A, %convert_element_type3A_31, %dot_general3A_33 {dimension_numbers = #tpu.dot_dimension_numbers<[1], [0], [0], [1], [0, 0, 1, 1], [], []>, transpose_lhs_hint = false} : vector<1024x64xbf16>, vector<64x64xbf16>, vector<1024x64xf32> -> vector<1024x64xf32>
    %add3A_35 = arith.addf %dot_general3A_32, %dot_general3A_34 : vector<1024x64xf32>
    %dot_general3A_36 = arith.constant dense<0.000000e+00> : vector<1024x64xf32>
    %dot_general3A_37 = tpu.matmul %convert_element_type3A_27, %convert_element_type3A_28, %dot_general3A_36 {dimension_numbers = #tpu.dot_dimension_numbers<[1], [0], [0], [1], [0, 0, 1, 1], [], []>, transpose_lhs_hint = false} : vector<1024x64xbf16>, vector<64x64xbf16>, vector<1024x64xf32> -> vector<1024x64xf32>
    %add3A_38 = arith.addf %add3A_35, %dot_general3A_37 : vector<1024x64xf32>
    %get3A_39 = arith.constant 0 : index
    %get3A_40 = arith.constant 0 : index
    %get3A_41 = vector.load %arg5[%get3A_39, %get3A_40] : memref<1x64xf32, #tpu.memory_space<vmem>>, vector<1x64xf32>
    %add3A_42 = vector.broadcast %get3A_41 : vector<1x64xf32> to vector<1024x64xf32>
    %add3A_43 = arith.addf %add3A_38, %add3A_42 : vector<1024x64xf32>
    %get3A_44 = arith.constant 0 : index
    %get3A_45 = arith.constant 0 : index
    %get3A_46 = vector.load %arg3[%get3A_44, %get3A_45] : memref<1024x64xf32, #tpu.memory_space<vmem>>, vector<1024x64xf32>
    %add3A_47 = arith.addf %add3A_43, %get3A_46 : vector<1024x64xf32>
    %ge3A = arith.constant 0.000000e+00 : f32
    %ge3A_48 = vector.broadcast %ge3A : f32 to vector<1024x64xf32>
    %ge3A_49 = arith.cmpf oge, %add3A_47, %ge3A_48 : vector<1024x64xf32>
    %mul3A = arith.constant 0.00999999977 : f32
    %mul3A_50 = vector.broadcast %mul3A : f32 to vector<1024x64xf32>
    %mul3A_51 = arith.mulf %mul3A_50, %add3A_47 : vector<1024x64xf32>
    %select_n3A = arith.select %ge3A_49, %add3A_47, %mul3A_51 : vector<1024x64xi1>, vector<1024x64xf32>
    %swap3A = arith.constant 0 : index
    %swap3A_52 = arith.constant 0 : index
    %swap3A_53 = vector.load %arg7[%swap3A, %swap3A_52] : memref<1024x64xf32, #tpu.memory_space<vmem>>, vector<1024x64xf32>
    tpu.vector_store %arg7[%swap3A, %swap3A_52], %select_n3A {strides = array<i32>} : memref<1024x64xf32, #tpu.memory_space<vmem>>, vector<1024x64xf32>,
    return
  }
  func.func @transform_0(%arg0: i32) -> (i32, i32, i32) {
    %c0_i32 = arith.constant 0 : i32
    %c0_i32_0 = arith.constant 0 : i32
    %c0_i32_1 = arith.constant 0 : i32
    return %c0_i32, %arg0, %c0_i32_0 : i32, i32, i32
  }
  func.func @transform_1(%arg0: i32) -> (i32, i32, i32) {
    %c0_i32 = arith.constant 0 : i32
    %c0_i32_0 = arith.constant 0 : i32
    %c0_i32_1 = arith.constant 0 : i32
    return %c0_i32, %arg0, %c0_i32_0 : i32, i32, i32
  }
  func.func @transform_2(%arg0: i32) -> (i32, i32) {
    %c0_i32 = arith.constant 0 : i32
    %c0_i32_0 = arith.constant 0 : i32
    return %arg0, %c0_i32 : i32, i32
  }
  func.func @transform_3(%arg0: i32) -> (i32, i32) {
    %c0_i32 = arith.constant 0 : i32
    %c0_i32_0 = arith.constant 0 : i32
    %c0_i32_1 = arith.constant 0 : i32
    return %c0_i32, %c0_i32_0 : i32, i32
  }
  func.func @transform_4(%arg0: i32) -> (i32, i32) {
    %c0_i32 = arith.constant 0 : i32
    %c0_i32_0 = arith.constant 0 : i32
    %c0_i32_1 = arith.constant 0 : i32
    return %c0_i32, %c0_i32_0 : i32, i32
  }
  func.func @transform_5(%arg0: i32) -> (i32, i32) {
    %c0_i32 = arith.constant 0 : i32
    %c0_i32_0 = arith.constant 0 : i32
    %c0_i32_1 = arith.constant 0 : i32
    return %c0_i32, %c0_i32_0 : i32, i32
  }
  func.func @transform_6(%arg0: i32) -> (i32, i32) {
    %c0_i32 = arith.constant 0 : i32
    %c0_i32_0 = arith.constant 0 : i32
    return %arg0, %c0_i32 : i32, i32
  }
}

module attributes {stable_mosaic.version = 14 : i64} {
  func.func @body(%arg0: i32, %arg1: memref<2x1024x64xf32, #tpu.memory_space<vmem>>, %arg2: memref<2x1024x1xf32, #tpu.memory_space<vmem>>, %arg3: memref<1024x64xf32, #tpu.memory_space<vmem>>) attributes {dimension_semantics = [#tpu.dimension_semantics<arbitrary>], iteration_bounds = array<i64: 10>, scalar_prefetch = 0 : i64, scratch_operands = 0 : i64, tpu.core_type = #tpu.core_type<tc>, window_params = [{transform_indices = @transform_0, window_bounds = array<i64: 2, 1024, 64>}, {transform_indices = @transform_1, window_bounds = array<i64: 2, 1024, 1>}, {transform_indices = @transform_2, window_bounds = array<i64: 1024, 64>}]} {
    %get3A = arith.constant 0 : index
    %get3A_0 = arith.constant 0 : index
    %get3A_1 = arith.constant 0 : index
    %get3A_2 = vector.load %arg1[%get3A, %get3A_0, %get3A_1] : memref<2x1024x64xf32, #tpu.memory_space<vmem>>, vector<1x1024x64xf32>
    %get3A_3 = vector.shape_cast %get3A_2 : vector<1x1024x64xf32> to vector<1024x64xf32>
    %get3A_4 = arith.constant 1 : index
    %get3A_5 = arith.constant 0 : index
    %get3A_6 = arith.constant 0 : index
    %get3A_7 = vector.load %arg1[%get3A_4, %get3A_5, %get3A_6] : memref<2x1024x64xf32, #tpu.memory_space<vmem>>, vector<1x1024x64xf32>
    %get3A_8 = vector.shape_cast %get3A_7 : vector<1x1024x64xf32> to vector<1024x64xf32>
    %add3A = arith.addf %get3A_3, %get3A_8 : vector<1024x64xf32>
    %get3A_9 = arith.constant 0 : index
    %get3A_10 = arith.constant 0 : index
    %get3A_11 = arith.constant 0 : index
    %get3A_12 = vector.load %arg2[%get3A_9, %get3A_10, %get3A_11] : memref<2x1024x1xf32, #tpu.memory_space<vmem>>, vector<1x1024x1xf32>
    %get3A_13 = vector.shape_cast %get3A_12 : vector<1x1024x1xf32> to vector<1024x1xf32>
    %get3A_14 = arith.constant 1 : index
    %get3A_15 = arith.constant 0 : index
    %get3A_16 = arith.constant 0 : index
    %get3A_17 = vector.load %arg2[%get3A_14, %get3A_15, %get3A_16] : memref<2x1024x1xf32, #tpu.memory_space<vmem>>, vector<1x1024x1xf32>
    %get3A_18 = vector.shape_cast %get3A_17 : vector<1x1024x1xf32> to vector<1024x1xf32>
    %add3A_19 = arith.addf %get3A_13, %get3A_18 : vector<1024x1xf32>
    %max3A = arith.constant 1.000000e+00 : f32
    %max3A_20 = vector.broadcast %max3A : f32 to vector<1024x1xf32>
    %max3A_21 = arith.maximumf %add3A_19, %max3A_20 : vector<1024x1xf32>
    %div3A = vector.broadcast %max3A_21 : vector<1024x1xf32> to vector<1024x64xf32>
    %div3A_22 = arith.divf %add3A, %div3A : vector<1024x64xf32>
    %swap3A = arith.constant 0 : index
    %swap3A_23 = arith.constant 0 : index
    %swap3A_24 = vector.load %arg3[%swap3A, %swap3A_23] : memref<1024x64xf32, #tpu.memory_space<vmem>>, vector<1024x64xf32>
    tpu.vector_store %arg3[%swap3A, %swap3A_23], %div3A_22 {strides = array<i32>} : memref<1024x64xf32, #tpu.memory_space<vmem>>, vector<1024x64xf32>,
    return
  }
  func.func @transform_0(%arg0: i32) -> (i32, i32, i32) {
    %c0_i32 = arith.constant 0 : i32
    %c0_i32_0 = arith.constant 0 : i32
    %c0_i32_1 = arith.constant 0 : i32
    return %c0_i32, %arg0, %c0_i32_0 : i32, i32, i32
  }
  func.func @transform_1(%arg0: i32) -> (i32, i32, i32) {
    %c0_i32 = arith.constant 0 : i32
    %c0_i32_0 = arith.constant 0 : i32
    %c0_i32_1 = arith.constant 0 : i32
    return %c0_i32, %arg0, %c0_i32_0 : i32, i32, i32
  }
  func.func @transform_2(%arg0: i32) -> (i32, i32) {
    %c0_i32 = arith.constant 0 : i32
    %c0_i32_0 = arith.constant 0 : i32
    return %arg0, %c0_i32 : i32, i32
  }
}

module attributes {stable_mosaic.version = 14 : i64} {
  func.func @body(%arg0: memref<2x1x4000xi32, #tpu.memory_space<vmem>>, %arg1: memref<1000x1000xbf16, #tpu.memory_space<vmem>>, %arg2: memref<1000x1xf32, #tpu.memory_space<vmem>>) attributes {dimension_semantics = [], scalar_prefetch = 0 : i64, scratch_operands = 0 : i64, tpu.core_type = #tpu.core_type<tc>} {
    %get3A = arith.constant 0 : index
    %get3A_0 = arith.constant 0 : index
    %get3A_1 = arith.constant 0 : index
    %get3A_2 = vector.load %arg0[%get3A, %get3A_0, %get3A_1] : memref<2x1x4000xi32, #tpu.memory_space<vmem>>, vector<1x1x4000xi32>
    %get3A_3 = vector.shape_cast %get3A_2 : vector<1x1x4000xi32> to vector<4000xi32>
    %get3A_4 = arith.constant 1 : index
    %get3A_5 = arith.constant 0 : index
    %get3A_6 = arith.constant 0 : index
    %get3A_7 = vector.load %arg0[%get3A_4, %get3A_5, %get3A_6] : memref<2x1x4000xi32, #tpu.memory_space<vmem>>, vector<1x1x4000xi32>
    %get3A_8 = vector.shape_cast %get3A_7 : vector<1x1x4000xi32> to vector<4000xi32>
    %broadcast_in_dim3A = vector.shape_cast %get3A_8 : vector<4000xi32> to vector<1x4000xi32>
    %iota3A = tpu.iota {dimensions = array<i32: 0>} : vector<1000x4000xi32>
    %eq3A = vector.broadcast %broadcast_in_dim3A : vector<1x4000xi32> to vector<1000x4000xi32>
    %eq3A_9 = arith.cmpi eq, %eq3A, %iota3A : vector<1000x4000xi32>
    %broadcast_in_dim3A_10 = vector.shape_cast %get3A_3 : vector<4000xi32> to vector<4000x1xi32>
    %iota3A_11 = tpu.iota {dimensions = array<i32: 1>} : vector<4000x1000xi32>
    %eq3A_12 = vector.broadcast %broadcast_in_dim3A_10 : vector<4000x1xi32> to vector<4000x1000xi32>
    %eq3A_13 = arith.cmpi eq, %eq3A_12, %iota3A_11 : vector<4000x1000xi32>
    %convert_element_type3A = arith.extui %eq3A_9 : vector<1000x4000xi1> to vector<1000x4000xi32>
    %convert_element_type3A_14 = arith.sitofp %convert_element_type3A : vector<1000x4000xi32> to vector<1000x4000xf32>
    %convert_element_type3A_15 = arith.truncf %convert_element_type3A_14 : vector<1000x4000xf32> to vector<1000x4000xbf16>
    %convert_element_type3A_16 = arith.extui %eq3A_13 : vector<4000x1000xi1> to vector<4000x1000xi32>
    %convert_element_type3A_17 = arith.sitofp %convert_element_type3A_16 : vector<4000x1000xi32> to vector<4000x1000xf32>
    %convert_element_type3A_18 = arith.truncf %convert_element_type3A_17 : vector<4000x1000xf32> to vector<4000x1000xbf16>
    %dot_general3A = arith.constant dense<0.000000e+00> : vector<1000x1000xf32>
    %dot_general3A_19 = tpu.matmul %convert_element_type3A_15, %convert_element_type3A_18, %dot_general3A {dimension_numbers = #tpu.dot_dimension_numbers<[1], [0], [0], [1], [0, 0, 1, 1], [], []>, transpose_lhs_hint = false} : vector<1000x4000xbf16>, vector<4000x1000xbf16>, vector<1000x1000xf32> -> vector<1000x1000xf32>
    %reduce_sum3A = arith.constant dense<0.000000e+00> : vector<1000xf32>
    %reduce_sum3A_20 = vector.multi_reduction <add>, %dot_general3A_19, %reduce_sum3A [1] : vector<1000x1000xf32> to vector<1000xf32>
    %broadcast_in_dim3A_21 = vector.shape_cast %reduce_sum3A_20 : vector<1000xf32> to vector<1000x1xf32>
    %max3A = arith.constant 1.000000e+00 : f32
    %max3A_22 = vector.broadcast %max3A : f32 to vector<1000x1xf32>
    %max3A_23 = arith.maximumf %broadcast_in_dim3A_21, %max3A_22 : vector<1000x1xf32>
    %swap3A = arith.constant 0 : index
    %swap3A_24 = arith.constant 0 : index
    %swap3A_25 = vector.load %arg2[%swap3A, %swap3A_24] : memref<1000x1xf32, #tpu.memory_space<vmem>>, vector<1000x1xf32>
    tpu.vector_store %arg2[%swap3A, %swap3A_24], %max3A_23 {strides = array<i32>} : memref<1000x1xf32, #tpu.memory_space<vmem>>, vector<1000x1xf32>,
    %convert_element_type3A_26 = arith.truncf %dot_general3A_19 : vector<1000x1000xf32> to vector<1000x1000xbf16>
    %swap3A_27 = arith.constant 0 : index
    %swap3A_28 = arith.constant 0 : index
    %swap3A_29 = vector.load %arg1[%swap3A_27, %swap3A_28] : memref<1000x1000xbf16, #tpu.memory_space<vmem>>, vector<1000x1000xbf16>
    tpu.vector_store %arg1[%swap3A_27, %swap3A_28], %convert_element_type3A_26 {strides = array<i32>} : memref<1000x1000xbf16, #tpu.memory_space<vmem>>, vector<1000x1000xbf16>,
    return
  }
}

module attributes {stable_mosaic.version = 14 : i64} {
  func.func @body(%arg0: memref<1000x64xf32, #tpu.memory_space<vmem>>, %arg1: memref<1000x1000xbf16, #tpu.memory_space<vmem>>, %arg2: memref<1000x1xf32, #tpu.memory_space<vmem>>, %arg3: memref<64x64xf32, #tpu.memory_space<vmem>>, %arg4: memref<64x64xf32, #tpu.memory_space<vmem>>, %arg5: memref<1x64xf32, #tpu.memory_space<vmem>>, %arg6: memref<64x64xf32, #tpu.memory_space<vmem>>, %arg7: memref<64x64xf32, #tpu.memory_space<vmem>>, %arg8: memref<1x64xf32, #tpu.memory_space<vmem>>, %arg9: memref<64x64xf32, #tpu.memory_space<vmem>>, %arg10: memref<64x64xf32, #tpu.memory_space<vmem>>, %arg11: memref<1x64xf32, #tpu.memory_space<vmem>>, %arg12: memref<1000x64xf32, #tpu.memory_space<vmem>>) attributes {dimension_semantics = [], scalar_prefetch = 0 : i64, scratch_operands = 0 : i64, tpu.core_type = #tpu.core_type<tc>} {
    %get3A = arith.constant 0 : index
    %get3A_0 = arith.constant 0 : index
    %get3A_1 = vector.load %arg1[%get3A, %get3A_0] : memref<1000x1000xbf16, #tpu.memory_space<vmem>>, vector<1000x1000xbf16>
    %get3A_2 = arith.constant 0 : index
    %get3A_3 = arith.constant 0 : index
    %get3A_4 = vector.load %arg2[%get3A_2, %get3A_3] : memref<1000x1xf32, #tpu.memory_space<vmem>>, vector<1000x1xf32>
    %get3A_5 = arith.constant 0 : index
    %get3A_6 = arith.constant 0 : index
    %get3A_7 = vector.load %arg0[%get3A_5, %get3A_6] : memref<1000x64xf32, #tpu.memory_space<vmem>>, vector<1000x64xf32>
    %convert_element_type3A = arith.truncf %get3A_7 : vector<1000x64xf32> to vector<1000x64xbf16>
    %convert_element_type3A_8 = arith.extf %convert_element_type3A : vector<1000x64xbf16> to vector<1000x64xf32>
    %sub3A = arith.subf %get3A_7, %convert_element_type3A_8 : vector<1000x64xf32>
    %convert_element_type3A_9 = arith.truncf %sub3A : vector<1000x64xf32> to vector<1000x64xbf16>
    %dot_general3A = arith.constant dense<0.000000e+00> : vector<1000x64xf32>
    %dot_general3A_10 = tpu.matmul %get3A_1, %convert_element_type3A, %dot_general3A {dimension_numbers = #tpu.dot_dimension_numbers<[1], [0], [0], [1], [0, 0, 1, 1], [], []>, transpose_lhs_hint = false} : vector<1000x1000xbf16>, vector<1000x64xbf16>, vector<1000x64xf32> -> vector<1000x64xf32>
    %dot_general3A_11 = arith.constant dense<0.000000e+00> : vector<1000x64xf32>
    %dot_general3A_12 = tpu.matmul %get3A_1, %convert_element_type3A_9, %dot_general3A_11 {dimension_numbers = #tpu.dot_dimension_numbers<[1], [0], [0], [1], [0, 0, 1, 1], [], []>, transpose_lhs_hint = false} : vector<1000x1000xbf16>, vector<1000x64xbf16>, vector<1000x64xf32> -> vector<1000x64xf32>
    %add3A = arith.addf %dot_general3A_10, %dot_general3A_12 : vector<1000x64xf32>
    %div3A = vector.broadcast %get3A_4 : vector<1000x1xf32> to vector<1000x64xf32>
    %div3A_13 = arith.divf %add3A, %div3A : vector<1000x64xf32>
    %get3A_14 = arith.constant 0 : index
    %get3A_15 = arith.constant 0 : index
    %get3A_16 = vector.load %arg3[%get3A_14, %get3A_15] : memref<64x64xf32, #tpu.memory_space<vmem>>, vector<64x64xf32>
    %convert_element_type3A_17 = arith.truncf %div3A_13 : vector<1000x64xf32> to vector<1000x64xbf16>
    %convert_element_type3A_18 = arith.extf %convert_element_type3A_17 : vector<1000x64xbf16> to vector<1000x64xf32>
    %sub3A_19 = arith.subf %div3A_13, %convert_element_type3A_18 : vector<1000x64xf32>
    %convert_element_type3A_20 = arith.truncf %sub3A_19 : vector<1000x64xf32> to vector<1000x64xbf16>
    %convert_element_type3A_21 = arith.truncf %get3A_16 : vector<64x64xf32> to vector<64x64xbf16>
    %convert_element_type3A_22 = arith.extf %convert_element_type3A_21 : vector<64x64xbf16> to vector<64x64xf32>
    %sub3A_23 = arith.subf %get3A_16, %convert_element_type3A_22 : vector<64x64xf32>
    %convert_element_type3A_24 = arith.truncf %sub3A_23 : vector<64x64xf32> to vector<64x64xbf16>
    %dot_general3A_25 = arith.constant dense<0.000000e+00> : vector<1000x64xf32>
    %dot_general3A_26 = tpu.matmul %convert_element_type3A_17, %convert_element_type3A_21, %dot_general3A_25 {dimension_numbers = #tpu.dot_dimension_numbers<[1], [0], [0], [1], [0, 0, 1, 1], [], []>, transpose_lhs_hint = false} : vector<1000x64xbf16>, vector<64x64xbf16>, vector<1000x64xf32> -> vector<1000x64xf32>
    %dot_general3A_27 = arith.constant dense<0.000000e+00> : vector<1000x64xf32>
    %dot_general3A_28 = tpu.matmul %convert_element_type3A_17, %convert_element_type3A_24, %dot_general3A_27 {dimension_numbers = #tpu.dot_dimension_numbers<[1], [0], [0], [1], [0, 0, 1, 1], [], []>, transpose_lhs_hint = false} : vector<1000x64xbf16>, vector<64x64xbf16>, vector<1000x64xf32> -> vector<1000x64xf32>
    %add3A_29 = arith.addf %dot_general3A_26, %dot_general3A_28 : vector<1000x64xf32>
    %dot_general3A_30 = arith.constant dense<0.000000e+00> : vector<1000x64xf32>
    %dot_general3A_31 = tpu.matmul %convert_element_type3A_20, %convert_element_type3A_21, %dot_general3A_30 {dimension_numbers = #tpu.dot_dimension_numbers<[1], [0], [0], [1], [0, 0, 1, 1], [], []>, transpose_lhs_hint = false} : vector<1000x64xbf16>, vector<64x64xbf16>, vector<1000x64xf32> -> vector<1000x64xf32>
    %add3A_32 = arith.addf %add3A_29, %dot_general3A_31 : vector<1000x64xf32>
    %get3A_33 = arith.constant 0 : index
    %get3A_34 = arith.constant 0 : index
    %get3A_35 = vector.load %arg5[%get3A_33, %get3A_34] : memref<1x64xf32, #tpu.memory_space<vmem>>, vector<1x64xf32>
    %add3A_36 = vector.broadcast %get3A_35 : vector<1x64xf32> to vector<1000x64xf32>
    %add3A_37 = arith.addf %add3A_32, %add3A_36 : vector<1000x64xf32>
    %get3A_38 = arith.constant 0 : index
    %get3A_39 = arith.constant 0 : index
    %get3A_40 = vector.load %arg4[%get3A_38, %get3A_39] : memref<64x64xf32, #tpu.memory_space<vmem>>, vector<64x64xf32>
    %convert_element_type3A_41 = arith.truncf %get3A_7 : vector<1000x64xf32> to vector<1000x64xbf16>
    %convert_element_type3A_42 = arith.extf %convert_element_type3A_41 : vector<1000x64xbf16> to vector<1000x64xf32>
    %sub3A_43 = arith.subf %get3A_7, %convert_element_type3A_42 : vector<1000x64xf32>
    %convert_element_type3A_44 = arith.truncf %sub3A_43 : vector<1000x64xf32> to vector<1000x64xbf16>
    %convert_element_type3A_45 = arith.truncf %get3A_40 : vector<64x64xf32> to vector<64x64xbf16>
    %convert_element_type3A_46 = arith.extf %convert_element_type3A_45 : vector<64x64xbf16> to vector<64x64xf32>
    %sub3A_47 = arith.subf %get3A_40, %convert_element_type3A_46 : vector<64x64xf32>
    %convert_element_type3A_48 = arith.truncf %sub3A_47 : vector<64x64xf32> to vector<64x64xbf16>
    %dot_general3A_49 = arith.constant dense<0.000000e+00> : vector<1000x64xf32>
    %dot_general3A_50 = tpu.matmul %convert_element_type3A_41, %convert_element_type3A_45, %dot_general3A_49 {dimension_numbers = #tpu.dot_dimension_numbers<[1], [0], [0], [1], [0, 0, 1, 1], [], []>, transpose_lhs_hint = false} : vector<1000x64xbf16>, vector<64x64xbf16>, vector<1000x64xf32> -> vector<1000x64xf32>
    %dot_general3A_51 = arith.constant dense<0.000000e+00> : vector<1000x64xf32>
    %dot_general3A_52 = tpu.matmul %convert_element_type3A_41, %convert_element_type3A_48, %dot_general3A_51 {dimension_numbers = #tpu.dot_dimension_numbers<[1], [0], [0], [1], [0, 0, 1, 1], [], []>, transpose_lhs_hint = false} : vector<1000x64xbf16>, vector<64x64xbf16>, vector<1000x64xf32> -> vector<1000x64xf32>
    %add3A_53 = arith.addf %dot_general3A_50, %dot_general3A_52 : vector<1000x64xf32>
    %dot_general3A_54 = arith.constant dense<0.000000e+00> : vector<1000x64xf32>
    %dot_general3A_55 = tpu.matmul %convert_element_type3A_44, %convert_element_type3A_45, %dot_general3A_54 {dimension_numbers = #tpu.dot_dimension_numbers<[1], [0], [0], [1], [0, 0, 1, 1], [], []>, transpose_lhs_hint = false} : vector<1000x64xbf16>, vector<64x64xbf16>, vector<1000x64xf32> -> vector<1000x64xf32>
    %add3A_56 = arith.addf %add3A_53, %dot_general3A_55 : vector<1000x64xf32>
    %add3A_57 = arith.addf %add3A_37, %add3A_56 : vector<1000x64xf32>
    %ge3A = arith.constant 0.000000e+00 : f32
    %ge3A_58 = vector.broadcast %ge3A : f32 to vector<1000x64xf32>
    %ge3A_59 = arith.cmpf oge, %add3A_57, %ge3A_58 : vector<1000x64xf32>
    %mul3A = arith.constant 0.00999999977 : f32
    %mul3A_60 = vector.broadcast %mul3A : f32 to vector<1000x64xf32>
    %mul3A_61 = arith.mulf %mul3A_60, %add3A_57 : vector<1000x64xf32>
    %select_n3A = arith.select %ge3A_59, %add3A_57, %mul3A_61 : vector<1000x64xi1>, vector<1000x64xf32>
    %convert_element_type3A_62 = arith.truncf %select_n3A : vector<1000x64xf32> to vector<1000x64xbf16>
    %convert_element_type3A_63 = arith.extf %convert_element_type3A_62 : vector<1000x64xbf16> to vector<1000x64xf32>
    %sub3A_64 = arith.subf %select_n3A, %convert_element_type3A_63 : vector<1000x64xf32>
    %convert_element_type3A_65 = arith.truncf %sub3A_64 : vector<1000x64xf32> to vector<1000x64xbf16>
    %dot_general3A_66 = arith.constant dense<0.000000e+00> : vector<1000x64xf32>
    %dot_general3A_67 = tpu.matmul %get3A_1, %convert_element_type3A_62, %dot_general3A_66 {dimension_numbers = #tpu.dot_dimension_numbers<[1], [0], [0], [1], [0, 0, 1, 1], [], []>, transpose_lhs_hint = false} : vector<1000x1000xbf16>, vector<1000x64xbf16>, vector<1000x64xf32> -> vector<1000x64xf32>
    %dot_general3A_68 = arith.constant dense<0.000000e+00> : vector<1000x64xf32>
    %dot_general3A_69 = tpu.matmul %get3A_1, %convert_element_type3A_65, %dot_general3A_68 {dimension_numbers = #tpu.dot_dimension_numbers<[1], [0], [0], [1], [0, 0, 1, 1], [], []>, transpose_lhs_hint = false} : vector<1000x1000xbf16>, vector<1000x64xbf16>, vector<1000x64xf32> -> vector<1000x64xf32>
    %add3A_70 = arith.addf %dot_general3A_67, %dot_general3A_69 : vector<1000x64xf32>
    %div3A_71 = vector.broadcast %get3A_4 : vector<1000x1xf32> to vector<1000x64xf32>
    %div3A_72 = arith.divf %add3A_70, %div3A_71 : vector<1000x64xf32>
    %get3A_73 = arith.constant 0 : index
    %get3A_74 = arith.constant 0 : index
    %get3A_75 = vector.load %arg6[%get3A_73, %get3A_74] : memref<64x64xf32, #tpu.memory_space<vmem>>, vector<64x64xf32>
    %convert_element_type3A_76 = arith.truncf %div3A_72 : vector<1000x64xf32> to vector<1000x64xbf16>
    %convert_element_type3A_77 = arith.extf %convert_element_type3A_76 : vector<1000x64xbf16> to vector<1000x64xf32>
    %sub3A_78 = arith.subf %div3A_72, %convert_element_type3A_77 : vector<1000x64xf32>
    %convert_element_type3A_79 = arith.truncf %sub3A_78 : vector<1000x64xf32> to vector<1000x64xbf16>
    %convert_element_type3A_80 = arith.truncf %get3A_75 : vector<64x64xf32> to vector<64x64xbf16>
    %convert_element_type3A_81 = arith.extf %convert_element_type3A_80 : vector<64x64xbf16> to vector<64x64xf32>
    %sub3A_82 = arith.subf %get3A_75, %convert_element_type3A_81 : vector<64x64xf32>
    %convert_element_type3A_83 = arith.truncf %sub3A_82 : vector<64x64xf32> to vector<64x64xbf16>
    %dot_general3A_84 = arith.constant dense<0.000000e+00> : vector<1000x64xf32>
    %dot_general3A_85 = tpu.matmul %convert_element_type3A_76, %convert_element_type3A_80, %dot_general3A_84 {dimension_numbers = #tpu.dot_dimension_numbers<[1], [0], [0], [1], [0, 0, 1, 1], [], []>, transpose_lhs_hint = false} : vector<1000x64xbf16>, vector<64x64xbf16>, vector<1000x64xf32> -> vector<1000x64xf32>
    %dot_general3A_86 = arith.constant dense<0.000000e+00> : vector<1000x64xf32>
    %dot_general3A_87 = tpu.matmul %convert_element_type3A_76, %convert_element_type3A_83, %dot_general3A_86 {dimension_numbers = #tpu.dot_dimension_numbers<[1], [0], [0], [1], [0, 0, 1, 1], [], []>, transpose_lhs_hint = false} : vector<1000x64xbf16>, vector<64x64xbf16>, vector<1000x64xf32> -> vector<1000x64xf32>
    %add3A_88 = arith.addf %dot_general3A_85, %dot_general3A_87 : vector<1000x64xf32>
    %dot_general3A_89 = arith.constant dense<0.000000e+00> : vector<1000x64xf32>
    %dot_general3A_90 = tpu.matmul %convert_element_type3A_79, %convert_element_type3A_80, %dot_general3A_89 {dimension_numbers = #tpu.dot_dimension_numbers<[1], [0], [0], [1], [0, 0, 1, 1], [], []>, transpose_lhs_hint = false} : vector<1000x64xbf16>, vector<64x64xbf16>, vector<1000x64xf32> -> vector<1000x64xf32>
    %add3A_91 = arith.addf %add3A_88, %dot_general3A_90 : vector<1000x64xf32>
    %get3A_92 = arith.constant 0 : index
    %get3A_93 = arith.constant 0 : index
    %get3A_94 = vector.load %arg8[%get3A_92, %get3A_93] : memref<1x64xf32, #tpu.memory_space<vmem>>, vector<1x64xf32>
    %add3A_95 = vector.broadcast %get3A_94 : vector<1x64xf32> to vector<1000x64xf32>
    %add3A_96 = arith.addf %add3A_91, %add3A_95 : vector<1000x64xf32>
    %get3A_97 = arith.constant 0 : index
    %get3A_98 = arith.constant 0 : index
    %get3A_99 = vector.load %arg7[%get3A_97, %get3A_98] : memref<64x64xf32, #tpu.memory_space<vmem>>, vector<64x64xf32>
    %convert_element_type3A_100 = arith.truncf %select_n3A : vector<1000x64xf32> to vector<1000x64xbf16>
    %convert_element_type3A_101 = arith.extf %convert_element_type3A_100 : vector<1000x64xbf16> to vector<1000x64xf32>
    %sub3A_102 = arith.subf %select_n3A, %convert_element_type3A_101 : vector<1000x64xf32>
    %convert_element_type3A_103 = arith.truncf %sub3A_102 : vector<1000x64xf32> to vector<1000x64xbf16>
    %convert_element_type3A_104 = arith.truncf %get3A_99 : vector<64x64xf32> to vector<64x64xbf16>
    %convert_element_type3A_105 = arith.extf %convert_element_type3A_104 : vector<64x64xbf16> to vector<64x64xf32>
    %sub3A_106 = arith.subf %get3A_99, %convert_element_type3A_105 : vector<64x64xf32>
    %convert_element_type3A_107 = arith.truncf %sub3A_106 : vector<64x64xf32> to vector<64x64xbf16>
    %dot_general3A_108 = arith.constant dense<0.000000e+00> : vector<1000x64xf32>
    %dot_general3A_109 = tpu.matmul %convert_element_type3A_100, %convert_element_type3A_104, %dot_general3A_108 {dimension_numbers = #tpu.dot_dimension_numbers<[1], [0], [0], [1], [0, 0, 1, 1], [], []>, transpose_lhs_hint = false} : vector<1000x64xbf16>, vector<64x64xbf16>, vector<1000x64xf32> -> vector<1000x64xf32>
    %dot_general3A_110 = arith.constant dense<0.000000e+00> : vector<1000x64xf32>
    %dot_general3A_111 = tpu.matmul %convert_element_type3A_100, %convert_element_type3A_107, %dot_general3A_110 {dimension_numbers = #tpu.dot_dimension_numbers<[1], [0], [0], [1], [0, 0, 1, 1], [], []>, transpose_lhs_hint = false} : vector<1000x64xbf16>, vector<64x64xbf16>, vector<1000x64xf32> -> vector<1000x64xf32>
    %add3A_112 = arith.addf %dot_general3A_109, %dot_general3A_111 : vector<1000x64xf32>
    %dot_general3A_113 = arith.constant dense<0.000000e+00> : vector<1000x64xf32>
    %dot_general3A_114 = tpu.matmul %convert_element_type3A_103, %convert_element_type3A_104, %dot_general3A_113 {dimension_numbers = #tpu.dot_dimension_numbers<[1], [0], [0], [1], [0, 0, 1, 1], [], []>, transpose_lhs_hint = false} : vector<1000x64xbf16>, vector<64x64xbf16>, vector<1000x64xf32> -> vector<1000x64xf32>
    %add3A_115 = arith.addf %add3A_112, %dot_general3A_114 : vector<1000x64xf32>
    %add3A_116 = arith.addf %add3A_96, %add3A_115 : vector<1000x64xf32>
    %ge3A_117 = arith.constant 0.000000e+00 : f32
    %ge3A_118 = vector.broadcast %ge3A_117 : f32 to vector<1000x64xf32>
    %ge3A_119 = arith.cmpf oge, %add3A_116, %ge3A_118 : vector<1000x64xf32>
    %mul3A_120 = arith.constant 0.00999999977 : f32
    %mul3A_121 = vector.broadcast %mul3A_120 : f32 to vector<1000x64xf32>
    %mul3A_122 = arith.mulf %mul3A_121, %add3A_116 : vector<1000x64xf32>
    %select_n3A_123 = arith.select %ge3A_119, %add3A_116, %mul3A_122 : vector<1000x64xi1>, vector<1000x64xf32>
    %convert_element_type3A_124 = arith.truncf %select_n3A_123 : vector<1000x64xf32> to vector<1000x64xbf16>
    %convert_element_type3A_125 = arith.extf %convert_element_type3A_124 : vector<1000x64xbf16> to vector<1000x64xf32>
    %sub3A_126 = arith.subf %select_n3A_123, %convert_element_type3A_125 : vector<1000x64xf32>
    %convert_element_type3A_127 = arith.truncf %sub3A_126 : vector<1000x64xf32> to vector<1000x64xbf16>
    %dot_general3A_128 = arith.constant dense<0.000000e+00> : vector<1000x64xf32>
    %dot_general3A_129 = tpu.matmul %get3A_1, %convert_element_type3A_124, %dot_general3A_128 {dimension_numbers = #tpu.dot_dimension_numbers<[1], [0], [0], [1], [0, 0, 1, 1], [], []>, transpose_lhs_hint = false} : vector<1000x1000xbf16>, vector<1000x64xbf16>, vector<1000x64xf32> -> vector<1000x64xf32>
    %dot_general3A_130 = arith.constant dense<0.000000e+00> : vector<1000x64xf32>
    %dot_general3A_131 = tpu.matmul %get3A_1, %convert_element_type3A_127, %dot_general3A_130 {dimension_numbers = #tpu.dot_dimension_numbers<[1], [0], [0], [1], [0, 0, 1, 1], [], []>, transpose_lhs_hint = false} : vector<1000x1000xbf16>, vector<1000x64xbf16>, vector<1000x64xf32> -> vector<1000x64xf32>
    %add3A_132 = arith.addf %dot_general3A_129, %dot_general3A_131 : vector<1000x64xf32>
    %div3A_133 = vector.broadcast %get3A_4 : vector<1000x1xf32> to vector<1000x64xf32>
    %div3A_134 = arith.divf %add3A_132, %div3A_133 : vector<1000x64xf32>
    %get3A_135 = arith.constant 0 : index
    %get3A_136 = arith.constant 0 : index
    %get3A_137 = vector.load %arg9[%get3A_135, %get3A_136] : memref<64x64xf32, #tpu.memory_space<vmem>>, vector<64x64xf32>
    %convert_element_type3A_138 = arith.truncf %div3A_134 : vector<1000x64xf32> to vector<1000x64xbf16>
    %convert_element_type3A_139 = arith.extf %convert_element_type3A_138 : vector<1000x64xbf16> to vector<1000x64xf32>
    %sub3A_140 = arith.subf %div3A_134, %convert_element_type3A_139 : vector<1000x64xf32>
    %convert_element_type3A_141 = arith.truncf %sub3A_140 : vector<1000x64xf32> to vector<1000x64xbf16>
    %convert_element_type3A_142 = arith.truncf %get3A_137 : vector<64x64xf32> to vector<64x64xbf16>
    %convert_element_type3A_143 = arith.extf %convert_element_type3A_142 : vector<64x64xbf16> to vector<64x64xf32>
    %sub3A_144 = arith.subf %get3A_137, %convert_element_type3A_143 : vector<64x64xf32>
    %convert_element_type3A_145 = arith.truncf %sub3A_144 : vector<64x64xf32> to vector<64x64xbf16>
    %dot_general3A_146 = arith.constant dense<0.000000e+00> : vector<1000x64xf32>
    %dot_general3A_147 = tpu.matmul %convert_element_type3A_138, %convert_element_type3A_142, %dot_general3A_146 {dimension_numbers = #tpu.dot_dimension_numbers<[1], [0], [0], [1], [0, 0, 1, 1], [], []>, transpose_lhs_hint = false} : vector<1000x64xbf16>, vector<64x64xbf16>, vector<1000x64xf32> -> vector<1000x64xf32>
    %dot_general3A_148 = arith.constant dense<0.000000e+00> : vector<1000x64xf32>
    %dot_general3A_149 = tpu.matmul %convert_element_type3A_138, %convert_element_type3A_145, %dot_general3A_148 {dimension_numbers = #tpu.dot_dimension_numbers<[1], [0], [0], [1], [0, 0, 1, 1], [], []>, transpose_lhs_hint = false} : vector<1000x64xbf16>, vector<64x64xbf16>, vector<1000x64xf32> -> vector<1000x64xf32>
    %add3A_150 = arith.addf %dot_general3A_147, %dot_general3A_149 : vector<1000x64xf32>
    %dot_general3A_151 = arith.constant dense<0.000000e+00> : vector<1000x64xf32>
    %dot_general3A_152 = tpu.matmul %convert_element_type3A_141, %convert_element_type3A_142, %dot_general3A_151 {dimension_numbers = #tpu.dot_dimension_numbers<[1], [0], [0], [1], [0, 0, 1, 1], [], []>, transpose_lhs_hint = false} : vector<1000x64xbf16>, vector<64x64xbf16>, vector<1000x64xf32> -> vector<1000x64xf32>
    %add3A_153 = arith.addf %add3A_150, %dot_general3A_152 : vector<1000x64xf32>
    %get3A_154 = arith.constant 0 : index
    %get3A_155 = arith.constant 0 : index
    %get3A_156 = vector.load %arg11[%get3A_154, %get3A_155] : memref<1x64xf32, #tpu.memory_space<vmem>>, vector<1x64xf32>
    %add3A_157 = vector.broadcast %get3A_156 : vector<1x64xf32> to vector<1000x64xf32>
    %add3A_158 = arith.addf %add3A_153, %add3A_157 : vector<1000x64xf32>
    %get3A_159 = arith.constant 0 : index
    %get3A_160 = arith.constant 0 : index
    %get3A_161 = vector.load %arg10[%get3A_159, %get3A_160] : memref<64x64xf32, #tpu.memory_space<vmem>>, vector<64x64xf32>
    %convert_element_type3A_162 = arith.truncf %select_n3A_123 : vector<1000x64xf32> to vector<1000x64xbf16>
    %convert_element_type3A_163 = arith.extf %convert_element_type3A_162 : vector<1000x64xbf16> to vector<1000x64xf32>
    %sub3A_164 = arith.subf %select_n3A_123, %convert_element_type3A_163 : vector<1000x64xf32>
    %convert_element_type3A_165 = arith.truncf %sub3A_164 : vector<1000x64xf32> to vector<1000x64xbf16>
    %convert_element_type3A_166 = arith.truncf %get3A_161 : vector<64x64xf32> to vector<64x64xbf16>
    %convert_element_type3A_167 = arith.extf %convert_element_type3A_166 : vector<64x64xbf16> to vector<64x64xf32>
    %sub3A_168 = arith.subf %get3A_161, %convert_element_type3A_167 : vector<64x64xf32>
    %convert_element_type3A_169 = arith.truncf %sub3A_168 : vector<64x64xf32> to vector<64x64xbf16>
    %dot_general3A_170 = arith.constant dense<0.000000e+00> : vector<1000x64xf32>
    %dot_general3A_171 = tpu.matmul %convert_element_type3A_162, %convert_element_type3A_166, %dot_general3A_170 {dimension_numbers = #tpu.dot_dimension_numbers<[1], [0], [0], [1], [0, 0, 1, 1], [], []>, transpose_lhs_hint = false} : vector<1000x64xbf16>, vector<64x64xbf16>, vector<1000x64xf32> -> vector<1000x64xf32>
    %dot_general3A_172 = arith.constant dense<0.000000e+00> : vector<1000x64xf32>
    %dot_general3A_173 = tpu.matmul %convert_element_type3A_162, %convert_element_type3A_169, %dot_general3A_172 {dimension_numbers = #tpu.dot_dimension_numbers<[1], [0], [0], [1], [0, 0, 1, 1], [], []>, transpose_lhs_hint = false} : vector<1000x64xbf16>, vector<64x64xbf16>, vector<1000x64xf32> -> vector<1000x64xf32>
    %add3A_174 = arith.addf %dot_general3A_171, %dot_general3A_173 : vector<1000x64xf32>
    %dot_general3A_175 = arith.constant dense<0.000000e+00> : vector<1000x64xf32>
    %dot_general3A_176 = tpu.matmul %convert_element_type3A_165, %convert_element_type3A_166, %dot_general3A_175 {dimension_numbers = #tpu.dot_dimension_numbers<[1], [0], [0], [1], [0, 0, 1, 1], [], []>, transpose_lhs_hint = false} : vector<1000x64xbf16>, vector<64x64xbf16>, vector<1000x64xf32> -> vector<1000x64xf32>
    %add3A_177 = arith.addf %add3A_174, %dot_general3A_176 : vector<1000x64xf32>
    %add3A_178 = arith.addf %add3A_158, %add3A_177 : vector<1000x64xf32>
    %ge3A_179 = arith.constant 0.000000e+00 : f32
    %ge3A_180 = vector.broadcast %ge3A_179 : f32 to vector<1000x64xf32>
    %ge3A_181 = arith.cmpf oge, %add3A_178, %ge3A_180 : vector<1000x64xf32>
    %mul3A_182 = arith.constant 0.00999999977 : f32
    %mul3A_183 = vector.broadcast %mul3A_182 : f32 to vector<1000x64xf32>
    %mul3A_184 = arith.mulf %mul3A_183, %add3A_178 : vector<1000x64xf32>
    %select_n3A_185 = arith.select %ge3A_181, %add3A_178, %mul3A_184 : vector<1000x64xi1>, vector<1000x64xf32>
    %swap3A = arith.constant 0 : index
    %swap3A_186 = arith.constant 0 : index
    %swap3A_187 = vector.load %arg12[%swap3A, %swap3A_186] : memref<1000x64xf32, #tpu.memory_space<vmem>>, vector<1000x64xf32>
    tpu.vector_store %arg12[%swap3A, %swap3A_186], %select_n3A_185 {strides = array<i32>} : memref<1000x64xf32, #tpu.memory_space<vmem>>, vector<1000x64xf32>,
    return
  }
}

module attributes {stable_mosaic.version = 14 : i64} {
  func.func @body(%arg0: i32, %arg1: memref<1x1000x18xf32, #tpu.memory_space<vmem>>, %arg2: memref<1000x64xf32, #tpu.memory_space<vmem>>, %arg3: memref<1000x64xf32, #tpu.memory_space<vmem>>, %arg4: memref<18x64xf32, #tpu.memory_space<vmem>>, %arg5: memref<1x64xf32, #tpu.memory_space<vmem>>, %arg6: memref<1000x1000xbf16, #tpu.memory_space<vmem>>, %arg7: memref<1000x1xf32, #tpu.memory_space<vmem>>, %arg8: memref<192x64xf32, #tpu.memory_space<vmem>>, %arg9: memref<192x64xf32, #tpu.memory_space<vmem>>, %arg10: memref<1x64xf32, #tpu.memory_space<vmem>>, %arg11: memref<64x64xf32, #tpu.memory_space<vmem>>, %arg12: memref<64x64xf32, #tpu.memory_space<vmem>>, %arg13: memref<1x64xf32, #tpu.memory_space<vmem>>, %arg14: memref<64x64xf32, #tpu.memory_space<vmem>>, %arg15: memref<64x64xf32, #tpu.memory_space<vmem>>, %arg16: memref<1x64xf32, #tpu.memory_space<vmem>>, %arg17: memref<64x64xf32, #tpu.memory_space<vmem>>, %arg18: memref<64x64xf32, #tpu.memory_space<vmem>>, %arg19: memref<64x1xf32, #tpu.memory_space<vmem>>, %arg20: memref<1x1x128xf32, #tpu.memory_space<vmem>>) attributes {dimension_semantics = [#tpu.dimension_semantics<arbitrary>], iteration_bounds = array<i64: 64>, scalar_prefetch = 0 : i64, scratch_operands = 0 : i64, tpu.core_type = #tpu.core_type<tc>, window_params = [{transform_indices = @transform_0, window_bounds = array<i64: 1, 1000, 18>}, {pipeline_mode = #tpu.pipeline_mode<synchronous>, transform_indices = @transform_1, window_bounds = array<i64: 1000, 64>}, {pipeline_mode = #tpu.pipeline_mode<synchronous>, transform_indices = @transform_2, window_bounds = array<i64: 1000, 64>}, {pipeline_mode = #tpu.pipeline_mode<synchronous>, transform_indices = @transform_3, window_bounds = array<i64: 18, 64>}, {pipeline_mode = #tpu.pipeline_mode<synchronous>, transform_indices = @transform_4, window_bounds = array<i64: 1, 64>}, {pipeline_mode = #tpu.pipeline_mode<synchronous>, transform_indices = @transform_5, window_bounds = array<i64: 1000, 1000>}, {pipeline_mode = #tpu.pipeline_mode<synchronous>, transform_indices = @transform_6, window_bounds = array<i64: 1000, 1>}, {pipeline_mode = #tpu.pipeline_mode<synchronous>, transform_indices = @transform_7, window_bounds = array<i64: 192, 64>}, {pipeline_mode = #tpu.pipeline_mode<synchronous>, transform_indices = @transform_8, window_bounds = array<i64: 192, 64>}, {pipeline_mode = #tpu.pipeline_mode<synchronous>, transform_indices = @transform_9, window_bounds = array<i64: 1, 64>}, {pipeline_mode = #tpu.pipeline_mode<synchronous>, transform_indices = @transform_10, window_bounds = array<i64: 64, 64>}, {pipeline_mode = #tpu.pipeline_mode<synchronous>, transform_indices = @transform_11, window_bounds = array<i64: 64, 64>}, {pipeline_mode = #tpu.pipeline_mode<synchronous>, transform_indices = @transform_12, window_bounds = array<i64: 1, 64>}, {pipeline_mode = #tpu.pipeline_mode<synchronous>, transform_indices = @transform_13, window_bounds = array<i64: 64, 64>}, {pipeline_mode = #tpu.pipeline_mode<synchronous>, transform_indices = @transform_14, window_bounds = array<i64: 64, 64>}, {pipeline_mode = #tpu.pipeline_mode<synchronous>, transform_indices = @transform_15, window_bounds = array<i64: 1, 64>}, {pipeline_mode = #tpu.pipeline_mode<synchronous>, transform_indices = @transform_16, window_bounds = array<i64: 64, 64>}, {pipeline_mode = #tpu.pipeline_mode<synchronous>, transform_indices = @transform_17, window_bounds = array<i64: 64, 64>}, {pipeline_mode = #tpu.pipeline_mode<synchronous>, transform_indices = @transform_18, window_bounds = array<i64: 64, 1>}, {transform_indices = @transform_19, window_bounds = array<i64: 1, 1, 128>}]} {
    %get3A = arith.constant 0 : index
    %get3A_0 = arith.constant 0 : index
    %get3A_1 = arith.constant 0 : index
    %get3A_2 = vector.load %arg1[%get3A, %get3A_0, %get3A_1] : memref<1x1000x18xf32, #tpu.memory_space<vmem>>, vector<1x1000x18xf32>
    %get3A_3 = vector.shape_cast %get3A_2 : vector<1x1000x18xf32> to vector<1000x18xf32>
    %get3A_4 = arith.constant 0 : index
    %get3A_5 = arith.constant 0 : index
    %get3A_6 = vector.load %arg4[%get3A_4, %get3A_5] : memref<18x64xf32, #tpu.memory_space<vmem>>, vector<18x64xf32>
    %convert_element_type3A = arith.truncf %get3A_3 : vector<1000x18xf32> to vector<1000x18xbf16>
    %convert_element_type3A_7 = arith.extf %convert_element_type3A : vector<1000x18xbf16> to vector<1000x18xf32>
    %sub3A = arith.subf %get3A_3, %convert_element_type3A_7 : vector<1000x18xf32>
    %convert_element_type3A_8 = arith.truncf %sub3A : vector<1000x18xf32> to vector<1000x18xbf16>
    %convert_element_type3A_9 = arith.truncf %get3A_6 : vector<18x64xf32> to vector<18x64xbf16>
    %convert_element_type3A_10 = arith.extf %convert_element_type3A_9 : vector<18x64xbf16> to vector<18x64xf32>
    %sub3A_11 = arith.subf %get3A_6, %convert_element_type3A_10 : vector<18x64xf32>
    %convert_element_type3A_12 = arith.truncf %sub3A_11 : vector<18x64xf32> to vector<18x64xbf16>
    %dot_general3A = arith.constant dense<0.000000e+00> : vector<1000x64xf32>
    %dot_general3A_13 = tpu.matmul %convert_element_type3A, %convert_element_type3A_9, %dot_general3A {dimension_numbers = #tpu.dot_dimension_numbers<[1], [0], [0], [1], [0, 0, 1, 1], [], []>, transpose_lhs_hint = false} : vector<1000x18xbf16>, vector<18x64xbf16>, vector<1000x64xf32> -> vector<1000x64xf32>
    %dot_general3A_14 = arith.constant dense<0.000000e+00> : vector<1000x64xf32>
    %dot_general3A_15 = tpu.matmul %convert_element_type3A, %convert_element_type3A_12, %dot_general3A_14 {dimension_numbers = #tpu.dot_dimension_numbers<[1], [0], [0], [1], [0, 0, 1, 1], [], []>, transpose_lhs_hint = false} : vector<1000x18xbf16>, vector<18x64xbf16>, vector<1000x64xf32> -> vector<1000x64xf32>
    %add3A = arith.addf %dot_general3A_13, %dot_general3A_15 : vector<1000x64xf32>
    %dot_general3A_16 = arith.constant dense<0.000000e+00> : vector<1000x64xf32>
    %dot_general3A_17 = tpu.matmul %convert_element_type3A_8, %convert_element_type3A_9, %dot_general3A_16 {dimension_numbers = #tpu.dot_dimension_numbers<[1], [0], [0], [1], [0, 0, 1, 1], [], []>, transpose_lhs_hint = false} : vector<1000x18xbf16>, vector<18x64xbf16>, vector<1000x64xf32> -> vector<1000x64xf32>
    %add3A_18 = arith.addf %add3A, %dot_general3A_17 : vector<1000x64xf32>
    %get3A_19 = arith.constant 0 : index
    %get3A_20 = arith.constant 0 : index
    %get3A_21 = vector.load %arg5[%get3A_19, %get3A_20] : memref<1x64xf32, #tpu.memory_space<vmem>>, vector<1x64xf32>
    %add3A_22 = vector.broadcast %get3A_21 : vector<1x64xf32> to vector<1000x64xf32>
    %add3A_23 = arith.addf %add3A_18, %add3A_22 : vector<1000x64xf32>
    %ge3A = arith.constant 0.000000e+00 : f32
    %ge3A_24 = vector.broadcast %ge3A : f32 to vector<1000x64xf32>
    %ge3A_25 = arith.cmpf oge, %add3A_23, %ge3A_24 : vector<1000x64xf32>
    %mul3A = arith.constant 0.00999999977 : f32
    %mul3A_26 = vector.broadcast %mul3A : f32 to vector<1000x64xf32>
    %mul3A_27 = arith.mulf %mul3A_26, %add3A_23 : vector<1000x64xf32>
    %select_n3A = arith.select %ge3A_25, %add3A_23, %mul3A_27 : vector<1000x64xi1>, vector<1000x64xf32>
    %get3A_28 = arith.constant 0 : index
    %get3A_29 = arith.constant 0 : index
    %get3A_30 = vector.load %arg2[%get3A_28, %get3A_29] : memref<1000x64xf32, #tpu.memory_space<vmem>>, vector<1000x64xf32>
    %get3A_31 = arith.constant 0 : index
    %get3A_32 = arith.constant 0 : index
    %get3A_33 = vector.load %arg3[%get3A_31, %get3A_32] : memref<1000x64xf32, #tpu.memory_space<vmem>>, vector<1000x64xf32>
    %concatenate3A = tpu.concatenate %get3A_30, %get3A_33, %select_n3A in 1 : vector<1000x64xf32>, vector<1000x64xf32>, vector<1000x64xf32> -> vector<1000x192xf32>
    %mul3A_34 = arith.mulf %concatenate3A, %concatenate3A : vector<1000x192xf32>
    %reduce_sum3A = arith.constant dense<0.000000e+00> : vector<1000xf32>
    %reduce_sum3A_35 = vector.multi_reduction <add>, %mul3A_34, %reduce_sum3A [1] : vector<1000x192xf32> to vector<1000xf32>
    %broadcast_in_dim3A = vector.shape_cast %reduce_sum3A_35 : vector<1000xf32> to vector<1000x1xf32>
    %sqrt3A = math.sqrt %broadcast_in_dim3A : vector<1000x1xf32>
    %max3A = arith.constant 9.99999996E-13 : f32
    %max3A_36 = vector.broadcast %max3A : f32 to vector<1000x1xf32>
    %max3A_37 = arith.maximumf %sqrt3A, %max3A_36 : vector<1000x1xf32>
    %div3A = vector.broadcast %max3A_37 : vector<1000x1xf32> to vector<1000x192xf32>
    %div3A_38 = arith.divf %concatenate3A, %div3A : vector<1000x192xf32>
    %get3A_39 = arith.constant 0 : index
    %get3A_40 = arith.constant 0 : index
    %get3A_41 = vector.load %arg6[%get3A_39, %get3A_40] : memref<1000x1000xbf16, #tpu.memory_space<vmem>>, vector<1000x1000xbf16>
    %get3A_42 = arith.constant 0 : index
    %get3A_43 = arith.constant 0 : index
    %get3A_44 = vector.load %arg7[%get3A_42, %get3A_43] : memref<1000x1xf32, #tpu.memory_space<vmem>>, vector<1000x1xf32>
    %convert_element_type3A_45 = arith.truncf %div3A_38 : vector<1000x192xf32> to vector<1000x192xbf16>
    %convert_element_type3A_46 = arith.extf %convert_element_type3A_45 : vector<1000x192xbf16> to vector<1000x192xf32>
    %sub3A_47 = arith.subf %div3A_38, %convert_element_type3A_46 : vector<1000x192xf32>
    %convert_element_type3A_48 = arith.truncf %sub3A_47 : vector<1000x192xf32> to vector<1000x192xbf16>
    %dot_general3A_49 = arith.constant dense<0.000000e+00> : vector<1000x192xf32>
    %dot_general3A_50 = tpu.matmul %get3A_41, %convert_element_type3A_45, %dot_general3A_49 {dimension_numbers = #tpu.dot_dimension_numbers<[1], [0], [0], [1], [0, 0, 1, 1], [], []>, transpose_lhs_hint = false} : vector<1000x1000xbf16>, vector<1000x192xbf16>, vector<1000x192xf32> -> vector<1000x192xf32>
    %dot_general3A_51 = arith.constant dense<0.000000e+00> : vector<1000x192xf32>
    %dot_general3A_52 = tpu.matmul %get3A_41, %convert_element_type3A_48, %dot_general3A_51 {dimension_numbers = #tpu.dot_dimension_numbers<[1], [0], [0], [1], [0, 0, 1, 1], [], []>, transpose_lhs_hint = false} : vector<1000x1000xbf16>, vector<1000x192xbf16>, vector<1000x192xf32> -> vector<1000x192xf32>
    %add3A_53 = arith.addf %dot_general3A_50, %dot_general3A_52 : vector<1000x192xf32>
    %div3A_54 = vector.broadcast %get3A_44 : vector<1000x1xf32> to vector<1000x192xf32>
    %div3A_55 = arith.divf %add3A_53, %div3A_54 : vector<1000x192xf32>
    %get3A_56 = arith.constant 0 : index
    %get3A_57 = arith.constant 0 : index
    %get3A_58 = vector.load %arg8[%get3A_56, %get3A_57] : memref<192x64xf32, #tpu.memory_space<vmem>>, vector<192x64xf32>
    %convert_element_type3A_59 = arith.truncf %div3A_55 : vector<1000x192xf32> to vector<1000x192xbf16>
    %convert_element_type3A_60 = arith.extf %convert_element_type3A_59 : vector<1000x192xbf16> to vector<1000x192xf32>
    %sub3A_61 = arith.subf %div3A_55, %convert_element_type3A_60 : vector<1000x192xf32>
    %convert_element_type3A_62 = arith.truncf %sub3A_61 : vector<1000x192xf32> to vector<1000x192xbf16>
    %convert_element_type3A_63 = arith.truncf %get3A_58 : vector<192x64xf32> to vector<192x64xbf16>
    %convert_element_type3A_64 = arith.extf %convert_element_type3A_63 : vector<192x64xbf16> to vector<192x64xf32>
    %sub3A_65 = arith.subf %get3A_58, %convert_element_type3A_64 : vector<192x64xf32>
    %convert_element_type3A_66 = arith.truncf %sub3A_65 : vector<192x64xf32> to vector<192x64xbf16>
    %dot_general3A_67 = arith.constant dense<0.000000e+00> : vector<1000x64xf32>
    %dot_general3A_68 = tpu.matmul %convert_element_type3A_59, %convert_element_type3A_63, %dot_general3A_67 {dimension_numbers = #tpu.dot_dimension_numbers<[1], [0], [0], [1], [0, 0, 1, 1], [], []>, transpose_lhs_hint = false} : vector<1000x192xbf16>, vector<192x64xbf16>, vector<1000x64xf32> -> vector<1000x64xf32>
    %dot_general3A_69 = arith.constant dense<0.000000e+00> : vector<1000x64xf32>
    %dot_general3A_70 = tpu.matmul %convert_element_type3A_59, %convert_element_type3A_66, %dot_general3A_69 {dimension_numbers = #tpu.dot_dimension_numbers<[1], [0], [0], [1], [0, 0, 1, 1], [], []>, transpose_lhs_hint = false} : vector<1000x192xbf16>, vector<192x64xbf16>, vector<1000x64xf32> -> vector<1000x64xf32>
    %add3A_71 = arith.addf %dot_general3A_68, %dot_general3A_70 : vector<1000x64xf32>
    %dot_general3A_72 = arith.constant dense<0.000000e+00> : vector<1000x64xf32>
    %dot_general3A_73 = tpu.matmul %convert_element_type3A_62, %convert_element_type3A_63, %dot_general3A_72 {dimension_numbers = #tpu.dot_dimension_numbers<[1], [0], [0], [1], [0, 0, 1, 1], [], []>, transpose_lhs_hint = false} : vector<1000x192xbf16>, vector<192x64xbf16>, vector<1000x64xf32> -> vector<1000x64xf32>
    %add3A_74 = arith.addf %add3A_71, %dot_general3A_73 : vector<1000x64xf32>
    %get3A_75 = arith.constant 0 : index
    %get3A_76 = arith.constant 0 : index
    %get3A_77 = vector.load %arg10[%get3A_75, %get3A_76] : memref<1x64xf32, #tpu.memory_space<vmem>>, vector<1x64xf32>
    %add3A_78 = vector.broadcast %get3A_77 : vector<1x64xf32> to vector<1000x64xf32>
    %add3A_79 = arith.addf %add3A_74, %add3A_78 : vector<1000x64xf32>
    %get3A_80 = arith.constant 0 : index
    %get3A_81 = arith.constant 0 : index
    %get3A_82 = vector.load %arg9[%get3A_80, %get3A_81] : memref<192x64xf32, #tpu.memory_space<vmem>>, vector<192x64xf32>
    %convert_element_type3A_83 = arith.truncf %div3A_38 : vector<1000x192xf32> to vector<1000x192xbf16>
    %convert_element_type3A_84 = arith.extf %convert_element_type3A_83 : vector<1000x192xbf16> to vector<1000x192xf32>
    %sub3A_85 = arith.subf %div3A_38, %convert_element_type3A_84 : vector<1000x192xf32>
    %convert_element_type3A_86 = arith.truncf %sub3A_85 : vector<1000x192xf32> to vector<1000x192xbf16>
    %convert_element_type3A_87 = arith.truncf %get3A_82 : vector<192x64xf32> to vector<192x64xbf16>
    %convert_element_type3A_88 = arith.extf %convert_element_type3A_87 : vector<192x64xbf16> to vector<192x64xf32>
    %sub3A_89 = arith.subf %get3A_82, %convert_element_type3A_88 : vector<192x64xf32>
    %convert_element_type3A_90 = arith.truncf %sub3A_89 : vector<192x64xf32> to vector<192x64xbf16>
    %dot_general3A_91 = arith.constant dense<0.000000e+00> : vector<1000x64xf32>
    %dot_general3A_92 = tpu.matmul %convert_element_type3A_83, %convert_element_type3A_87, %dot_general3A_91 {dimension_numbers = #tpu.dot_dimension_numbers<[1], [0], [0], [1], [0, 0, 1, 1], [], []>, transpose_lhs_hint = false} : vector<1000x192xbf16>, vector<192x64xbf16>, vector<1000x64xf32> -> vector<1000x64xf32>
    %dot_general3A_93 = arith.constant dense<0.000000e+00> : vector<1000x64xf32>
    %dot_general3A_94 = tpu.matmul %convert_element_type3A_83, %convert_element_type3A_90, %dot_general3A_93 {dimension_numbers = #tpu.dot_dimension_numbers<[1], [0], [0], [1], [0, 0, 1, 1], [], []>, transpose_lhs_hint = false} : vector<1000x192xbf16>, vector<192x64xbf16>, vector<1000x64xf32> -> vector<1000x64xf32>
    %add3A_95 = arith.addf %dot_general3A_92, %dot_general3A_94 : vector<1000x64xf32>
    %dot_general3A_96 = arith.constant dense<0.000000e+00> : vector<1000x64xf32>
    %dot_general3A_97 = tpu.matmul %convert_element_type3A_86, %convert_element_type3A_87, %dot_general3A_96 {dimension_numbers = #tpu.dot_dimension_numbers<[1], [0], [0], [1], [0, 0, 1, 1], [], []>, transpose_lhs_hint = false} : vector<1000x192xbf16>, vector<192x64xbf16>, vector<1000x64xf32> -> vector<1000x64xf32>
    %add3A_98 = arith.addf %add3A_95, %dot_general3A_97 : vector<1000x64xf32>
    %add3A_99 = arith.addf %add3A_79, %add3A_98 : vector<1000x64xf32>
    %ge3A_100 = arith.constant 0.000000e+00 : f32
    %ge3A_101 = vector.broadcast %ge3A_100 : f32 to vector<1000x64xf32>
    %ge3A_102 = arith.cmpf oge, %add3A_99, %ge3A_101 : vector<1000x64xf32>
    %mul3A_103 = arith.constant 0.00999999977 : f32
    %mul3A_104 = vector.broadcast %mul3A_103 : f32 to vector<1000x64xf32>
    %mul3A_105 = arith.mulf %mul3A_104, %add3A_99 : vector<1000x64xf32>
    %select_n3A_106 = arith.select %ge3A_102, %add3A_99, %mul3A_105 : vector<1000x64xi1>, vector<1000x64xf32>
    %convert_element_type3A_107 = arith.truncf %select_n3A_106 : vector<1000x64xf32> to vector<1000x64xbf16>
    %convert_element_type3A_108 = arith.extf %convert_element_type3A_107 : vector<1000x64xbf16> to vector<1000x64xf32>
    %sub3A_109 = arith.subf %select_n3A_106, %convert_element_type3A_108 : vector<1000x64xf32>
    %convert_element_type3A_110 = arith.truncf %sub3A_109 : vector<1000x64xf32> to vector<1000x64xbf16>
    %dot_general3A_111 = arith.constant dense<0.000000e+00> : vector<1000x64xf32>
    %dot_general3A_112 = tpu.matmul %get3A_41, %convert_element_type3A_107, %dot_general3A_111 {dimension_numbers = #tpu.dot_dimension_numbers<[1], [0], [0], [1], [0, 0, 1, 1], [], []>, transpose_lhs_hint = false} : vector<1000x1000xbf16>, vector<1000x64xbf16>, vector<1000x64xf32> -> vector<1000x64xf32>
    %dot_general3A_113 = arith.constant dense<0.000000e+00> : vector<1000x64xf32>
    %dot_general3A_114 = tpu.matmul %get3A_41, %convert_element_type3A_110, %dot_general3A_113 {dimension_numbers = #tpu.dot_dimension_numbers<[1], [0], [0], [1], [0, 0, 1, 1], [], []>, transpose_lhs_hint = false} : vector<1000x1000xbf16>, vector<1000x64xbf16>, vector<1000x64xf32> -> vector<1000x64xf32>
    %add3A_115 = arith.addf %dot_general3A_112, %dot_general3A_114 : vector<1000x64xf32>
    %div3A_116 = vector.broadcast %get3A_44 : vector<1000x1xf32> to vector<1000x64xf32>
    %div3A_117 = arith.divf %add3A_115, %div3A_116 : vector<1000x64xf32>
    %get3A_118 = arith.constant 0 : index
    %get3A_119 = arith.constant 0 : index
    %get3A_120 = vector.load %arg11[%get3A_118, %get3A_119] : memref<64x64xf32, #tpu.memory_space<vmem>>, vector<64x64xf32>
    %convert_element_type3A_121 = arith.truncf %div3A_117 : vector<1000x64xf32> to vector<1000x64xbf16>
    %convert_element_type3A_122 = arith.extf %convert_element_type3A_121 : vector<1000x64xbf16> to vector<1000x64xf32>
    %sub3A_123 = arith.subf %div3A_117, %convert_element_type3A_122 : vector<1000x64xf32>
    %convert_element_type3A_124 = arith.truncf %sub3A_123 : vector<1000x64xf32> to vector<1000x64xbf16>
    %convert_element_type3A_125 = arith.truncf %get3A_120 : vector<64x64xf32> to vector<64x64xbf16>
    %convert_element_type3A_126 = arith.extf %convert_element_type3A_125 : vector<64x64xbf16> to vector<64x64xf32>
    %sub3A_127 = arith.subf %get3A_120, %convert_element_type3A_126 : vector<64x64xf32>
    %convert_element_type3A_128 = arith.truncf %sub3A_127 : vector<64x64xf32> to vector<64x64xbf16>
    %dot_general3A_129 = arith.constant dense<0.000000e+00> : vector<1000x64xf32>
    %dot_general3A_130 = tpu.matmul %convert_element_type3A_121, %convert_element_type3A_125, %dot_general3A_129 {dimension_numbers = #tpu.dot_dimension_numbers<[1], [0], [0], [1], [0, 0, 1, 1], [], []>, transpose_lhs_hint = false} : vector<1000x64xbf16>, vector<64x64xbf16>, vector<1000x64xf32> -> vector<1000x64xf32>
    %dot_general3A_131 = arith.constant dense<0.000000e+00> : vector<1000x64xf32>
    %dot_general3A_132 = tpu.matmul %convert_element_type3A_121, %convert_element_type3A_128, %dot_general3A_131 {dimension_numbers = #tpu.dot_dimension_numbers<[1], [0], [0], [1], [0, 0, 1, 1], [], []>, transpose_lhs_hint = false} : vector<1000x64xbf16>, vector<64x64xbf16>, vector<1000x64xf32> -> vector<1000x64xf32>
    %add3A_133 = arith.addf %dot_general3A_130, %dot_general3A_132 : vector<1000x64xf32>
    %dot_general3A_134 = arith.constant dense<0.000000e+00> : vector<1000x64xf32>
    %dot_general3A_135 = tpu.matmul %convert_element_type3A_124, %convert_element_type3A_125, %dot_general3A_134 {dimension_numbers = #tpu.dot_dimension_numbers<[1], [0], [0], [1], [0, 0, 1, 1], [], []>, transpose_lhs_hint = false} : vector<1000x64xbf16>, vector<64x64xbf16>, vector<1000x64xf32> -> vector<1000x64xf32>
    %add3A_136 = arith.addf %add3A_133, %dot_general3A_135 : vector<1000x64xf32>
    %get3A_137 = arith.constant 0 : index
    %get3A_138 = arith.constant 0 : index
    %get3A_139 = vector.load %arg13[%get3A_137, %get3A_138] : memref<1x64xf32, #tpu.memory_space<vmem>>, vector<1x64xf32>
    %add3A_140 = vector.broadcast %get3A_139 : vector<1x64xf32> to vector<1000x64xf32>
    %add3A_141 = arith.addf %add3A_136, %add3A_140 : vector<1000x64xf32>
    %get3A_142 = arith.constant 0 : index
    %get3A_143 = arith.constant 0 : index
    %get3A_144 = vector.load %arg12[%get3A_142, %get3A_143] : memref<64x64xf32, #tpu.memory_space<vmem>>, vector<64x64xf32>
    %convert_element_type3A_145 = arith.truncf %select_n3A_106 : vector<1000x64xf32> to vector<1000x64xbf16>
    %convert_element_type3A_146 = arith.extf %convert_element_type3A_145 : vector<1000x64xbf16> to vector<1000x64xf32>
    %sub3A_147 = arith.subf %select_n3A_106, %convert_element_type3A_146 : vector<1000x64xf32>
    %convert_element_type3A_148 = arith.truncf %sub3A_147 : vector<1000x64xf32> to vector<1000x64xbf16>
    %convert_element_type3A_149 = arith.truncf %get3A_144 : vector<64x64xf32> to vector<64x64xbf16>
    %convert_element_type3A_150 = arith.extf %convert_element_type3A_149 : vector<64x64xbf16> to vector<64x64xf32>
    %sub3A_151 = arith.subf %get3A_144, %convert_element_type3A_150 : vector<64x64xf32>
    %convert_element_type3A_152 = arith.truncf %sub3A_151 : vector<64x64xf32> to vector<64x64xbf16>
    %dot_general3A_153 = arith.constant dense<0.000000e+00> : vector<1000x64xf32>
    %dot_general3A_154 = tpu.matmul %convert_element_type3A_145, %convert_element_type3A_149, %dot_general3A_153 {dimension_numbers = #tpu.dot_dimension_numbers<[1], [0], [0], [1], [0, 0, 1, 1], [], []>, transpose_lhs_hint = false} : vector<1000x64xbf16>, vector<64x64xbf16>, vector<1000x64xf32> -> vector<1000x64xf32>
    %dot_general3A_155 = arith.constant dense<0.000000e+00> : vector<1000x64xf32>
    %dot_general3A_156 = tpu.matmul %convert_element_type3A_145, %convert_element_type3A_152, %dot_general3A_155 {dimension_numbers = #tpu.dot_dimension_numbers<[1], [0], [0], [1], [0, 0, 1, 1], [], []>, transpose_lhs_hint = false} : vector<1000x64xbf16>, vector<64x64xbf16>, vector<1000x64xf32> -> vector<1000x64xf32>
    %add3A_157 = arith.addf %dot_general3A_154, %dot_general3A_156 : vector<1000x64xf32>
    %dot_general3A_158 = arith.constant dense<0.000000e+00> : vector<1000x64xf32>
    %dot_general3A_159 = tpu.matmul %convert_element_type3A_148, %convert_element_type3A_149, %dot_general3A_158 {dimension_numbers = #tpu.dot_dimension_numbers<[1], [0], [0], [1], [0, 0, 1, 1], [], []>, transpose_lhs_hint = false} : vector<1000x64xbf16>, vector<64x64xbf16>, vector<1000x64xf32> -> vector<1000x64xf32>
    %add3A_160 = arith.addf %add3A_157, %dot_general3A_159 : vector<1000x64xf32>
    %add3A_161 = arith.addf %add3A_141, %add3A_160 : vector<1000x64xf32>
    %ge3A_162 = arith.constant 0.000000e+00 : f32
    %ge3A_163 = vector.broadcast %ge3A_162 : f32 to vector<1000x64xf32>
    %ge3A_164 = arith.cmpf oge, %add3A_161, %ge3A_163 : vector<1000x64xf32>
    %mul3A_165 = arith.constant 0.00999999977 : f32
    %mul3A_166 = vector.broadcast %mul3A_165 : f32 to vector<1000x64xf32>
    %mul3A_167 = arith.mulf %mul3A_166, %add3A_161 : vector<1000x64xf32>
    %select_n3A_168 = arith.select %ge3A_164, %add3A_161, %mul3A_167 : vector<1000x64xi1>, vector<1000x64xf32>
    %convert_element_type3A_169 = arith.truncf %select_n3A_168 : vector<1000x64xf32> to vector<1000x64xbf16>
    %convert_element_type3A_170 = arith.extf %convert_element_type3A_169 : vector<1000x64xbf16> to vector<1000x64xf32>
    %sub3A_171 = arith.subf %select_n3A_168, %convert_element_type3A_170 : vector<1000x64xf32>
    %convert_element_type3A_172 = arith.truncf %sub3A_171 : vector<1000x64xf32> to vector<1000x64xbf16>
    %dot_general3A_173 = arith.constant dense<0.000000e+00> : vector<1000x64xf32>
    %dot_general3A_174 = tpu.matmul %get3A_41, %convert_element_type3A_169, %dot_general3A_173 {dimension_numbers = #tpu.dot_dimension_numbers<[1], [0], [0], [1], [0, 0, 1, 1], [], []>, transpose_lhs_hint = false} : vector<1000x1000xbf16>, vector<1000x64xbf16>, vector<1000x64xf32> -> vector<1000x64xf32>
    %dot_general3A_175 = arith.constant dense<0.000000e+00> : vector<1000x64xf32>
    %dot_general3A_176 = tpu.matmul %get3A_41, %convert_element_type3A_172, %dot_general3A_175 {dimension_numbers = #tpu.dot_dimension_numbers<[1], [0], [0], [1], [0, 0, 1, 1], [], []>, transpose_lhs_hint = false} : vector<1000x1000xbf16>, vector<1000x64xbf16>, vector<1000x64xf32> -> vector<1000x64xf32>
    %add3A_177 = arith.addf %dot_general3A_174, %dot_general3A_176 : vector<1000x64xf32>
    %div3A_178 = vector.broadcast %get3A_44 : vector<1000x1xf32> to vector<1000x64xf32>
    %div3A_179 = arith.divf %add3A_177, %div3A_178 : vector<1000x64xf32>
    %get3A_180 = arith.constant 0 : index
    %get3A_181 = arith.constant 0 : index
    %get3A_182 = vector.load %arg14[%get3A_180, %get3A_181] : memref<64x64xf32, #tpu.memory_space<vmem>>, vector<64x64xf32>
    %convert_element_type3A_183 = arith.truncf %div3A_179 : vector<1000x64xf32> to vector<1000x64xbf16>
    %convert_element_type3A_184 = arith.extf %convert_element_type3A_183 : vector<1000x64xbf16> to vector<1000x64xf32>
    %sub3A_185 = arith.subf %div3A_179, %convert_element_type3A_184 : vector<1000x64xf32>
    %convert_element_type3A_186 = arith.truncf %sub3A_185 : vector<1000x64xf32> to vector<1000x64xbf16>
    %convert_element_type3A_187 = arith.truncf %get3A_182 : vector<64x64xf32> to vector<64x64xbf16>
    %convert_element_type3A_188 = arith.extf %convert_element_type3A_187 : vector<64x64xbf16> to vector<64x64xf32>
    %sub3A_189 = arith.subf %get3A_182, %convert_element_type3A_188 : vector<64x64xf32>
    %convert_element_type3A_190 = arith.truncf %sub3A_189 : vector<64x64xf32> to vector<64x64xbf16>
    %dot_general3A_191 = arith.constant dense<0.000000e+00> : vector<1000x64xf32>
    %dot_general3A_192 = tpu.matmul %convert_element_type3A_183, %convert_element_type3A_187, %dot_general3A_191 {dimension_numbers = #tpu.dot_dimension_numbers<[1], [0], [0], [1], [0, 0, 1, 1], [], []>, transpose_lhs_hint = false} : vector<1000x64xbf16>, vector<64x64xbf16>, vector<1000x64xf32> -> vector<1000x64xf32>
    %dot_general3A_193 = arith.constant dense<0.000000e+00> : vector<1000x64xf32>
    %dot_general3A_194 = tpu.matmul %convert_element_type3A_183, %convert_element_type3A_190, %dot_general3A_193 {dimension_numbers = #tpu.dot_dimension_numbers<[1], [0], [0], [1], [0, 0, 1, 1], [], []>, transpose_lhs_hint = false} : vector<1000x64xbf16>, vector<64x64xbf16>, vector<1000x64xf32> -> vector<1000x64xf32>
    %add3A_195 = arith.addf %dot_general3A_192, %dot_general3A_194 : vector<1000x64xf32>
    %dot_general3A_196 = arith.constant dense<0.000000e+00> : vector<1000x64xf32>
    %dot_general3A_197 = tpu.matmul %convert_element_type3A_186, %convert_element_type3A_187, %dot_general3A_196 {dimension_numbers = #tpu.dot_dimension_numbers<[1], [0], [0], [1], [0, 0, 1, 1], [], []>, transpose_lhs_hint = false} : vector<1000x64xbf16>, vector<64x64xbf16>, vector<1000x64xf32> -> vector<1000x64xf32>
    %add3A_198 = arith.addf %add3A_195, %dot_general3A_197 : vector<1000x64xf32>
    %get3A_199 = arith.constant 0 : index
    %get3A_200 = arith.constant 0 : index
    %get3A_201 = vector.load %arg16[%get3A_199, %get3A_200] : memref<1x64xf32, #tpu.memory_space<vmem>>, vector<1x64xf32>
    %add3A_202 = vector.broadcast %get3A_201 : vector<1x64xf32> to vector<1000x64xf32>
    %add3A_203 = arith.addf %add3A_198, %add3A_202 : vector<1000x64xf32>
    %get3A_204 = arith.constant 0 : index
    %get3A_205 = arith.constant 0 : index
    %get3A_206 = vector.load %arg15[%get3A_204, %get3A_205] : memref<64x64xf32, #tpu.memory_space<vmem>>, vector<64x64xf32>
    %convert_element_type3A_207 = arith.truncf %select_n3A_168 : vector<1000x64xf32> to vector<1000x64xbf16>
    %convert_element_type3A_208 = arith.extf %convert_element_type3A_207 : vector<1000x64xbf16> to vector<1000x64xf32>
    %sub3A_209 = arith.subf %select_n3A_168, %convert_element_type3A_208 : vector<1000x64xf32>
    %convert_element_type3A_210 = arith.truncf %sub3A_209 : vector<1000x64xf32> to vector<1000x64xbf16>
    %convert_element_type3A_211 = arith.truncf %get3A_206 : vector<64x64xf32> to vector<64x64xbf16>
    %convert_element_type3A_212 = arith.extf %convert_element_type3A_211 : vector<64x64xbf16> to vector<64x64xf32>
    %sub3A_213 = arith.subf %get3A_206, %convert_element_type3A_212 : vector<64x64xf32>
    %convert_element_type3A_214 = arith.truncf %sub3A_213 : vector<64x64xf32> to vector<64x64xbf16>
    %dot_general3A_215 = arith.constant dense<0.000000e+00> : vector<1000x64xf32>
    %dot_general3A_216 = tpu.matmul %convert_element_type3A_207, %convert_element_type3A_211, %dot_general3A_215 {dimension_numbers = #tpu.dot_dimension_numbers<[1], [0], [0], [1], [0, 0, 1, 1], [], []>, transpose_lhs_hint = false} : vector<1000x64xbf16>, vector<64x64xbf16>, vector<1000x64xf32> -> vector<1000x64xf32>
    %dot_general3A_217 = arith.constant dense<0.000000e+00> : vector<1000x64xf32>
    %dot_general3A_218 = tpu.matmul %convert_element_type3A_207, %convert_element_type3A_214, %dot_general3A_217 {dimension_numbers = #tpu.dot_dimension_numbers<[1], [0], [0], [1], [0, 0, 1, 1], [], []>, transpose_lhs_hint = false} : vector<1000x64xbf16>, vector<64x64xbf16>, vector<1000x64xf32> -> vector<1000x64xf32>
    %add3A_219 = arith.addf %dot_general3A_216, %dot_general3A_218 : vector<1000x64xf32>
    %dot_general3A_220 = arith.constant dense<0.000000e+00> : vector<1000x64xf32>
    %dot_general3A_221 = tpu.matmul %convert_element_type3A_210, %convert_element_type3A_211, %dot_general3A_220 {dimension_numbers = #tpu.dot_dimension_numbers<[1], [0], [0], [1], [0, 0, 1, 1], [], []>, transpose_lhs_hint = false} : vector<1000x64xbf16>, vector<64x64xbf16>, vector<1000x64xf32> -> vector<1000x64xf32>
    %add3A_222 = arith.addf %add3A_219, %dot_general3A_221 : vector<1000x64xf32>
    %add3A_223 = arith.addf %add3A_203, %add3A_222 : vector<1000x64xf32>
    %ge3A_224 = arith.constant 0.000000e+00 : f32
    %ge3A_225 = vector.broadcast %ge3A_224 : f32 to vector<1000x64xf32>
    %ge3A_226 = arith.cmpf oge, %add3A_223, %ge3A_225 : vector<1000x64xf32>
    %mul3A_227 = arith.constant 0.00999999977 : f32
    %mul3A_228 = vector.broadcast %mul3A_227 : f32 to vector<1000x64xf32>
    %mul3A_229 = arith.mulf %mul3A_228, %add3A_223 : vector<1000x64xf32>
    %select_n3A_230 = arith.select %ge3A_226, %add3A_223, %mul3A_229 : vector<1000x64xi1>, vector<1000x64xf32>
    %reduce_sum3A_231 = arith.constant dense<0.000000e+00> : vector<64xf32>
    %reduce_sum3A_232 = vector.multi_reduction <add>, %select_n3A_230, %reduce_sum3A_231 [0] : vector<1000x64xf32> to vector<64xf32>
    %broadcast_in_dim3A_233 = vector.shape_cast %reduce_sum3A_232 : vector<64xf32> to vector<1x64xf32>
    %div3A_234 = arith.constant 1.000000e+03 : f32
    %div3A_235 = vector.broadcast %div3A_234 : f32 to vector<1x64xf32>
    %div3A_236 = arith.divf %broadcast_in_dim3A_233, %div3A_235 : vector<1x64xf32>
    %get3A_237 = arith.constant 0 : index
    %get3A_238 = arith.constant 0 : index
    %get3A_239 = vector.load %arg17[%get3A_237, %get3A_238] : memref<64x64xf32, #tpu.memory_space<vmem>>, vector<64x64xf32>
    %convert_element_type3A_240 = arith.truncf %div3A_236 : vector<1x64xf32> to vector<1x64xbf16>
    %convert_element_type3A_241 = arith.extf %convert_element_type3A_240 : vector<1x64xbf16> to vector<1x64xf32>
    %sub3A_242 = arith.subf %div3A_236, %convert_element_type3A_241 : vector<1x64xf32>
    %convert_element_type3A_243 = arith.truncf %sub3A_242 : vector<1x64xf32> to vector<1x64xbf16>
    %convert_element_type3A_244 = arith.truncf %get3A_239 : vector<64x64xf32> to vector<64x64xbf16>
    %convert_element_type3A_245 = arith.extf %convert_element_type3A_244 : vector<64x64xbf16> to vector<64x64xf32>
    %sub3A_246 = arith.subf %get3A_239, %convert_element_type3A_245 : vector<64x64xf32>
    %convert_element_type3A_247 = arith.truncf %sub3A_246 : vector<64x64xf32> to vector<64x64xbf16>
    %dot_general3A_248 = arith.constant dense<0.000000e+00> : vector<1x64xf32>
    %dot_general3A_249 = tpu.matmul %convert_element_type3A_240, %convert_element_type3A_244, %dot_general3A_248 {dimension_numbers = #tpu.dot_dimension_numbers<[1], [0], [0], [1], [0, 0, 1, 1], [], []>, transpose_lhs_hint = false} : vector<1x64xbf16>, vector<64x64xbf16>, vector<1x64xf32> -> vector<1x64xf32>
    %dot_general3A_250 = arith.constant dense<0.000000e+00> : vector<1x64xf32>
    %dot_general3A_251 = tpu.matmul %convert_element_type3A_240, %convert_element_type3A_247, %dot_general3A_250 {dimension_numbers = #tpu.dot_dimension_numbers<[1], [0], [0], [1], [0, 0, 1, 1], [], []>, transpose_lhs_hint = false} : vector<1x64xbf16>, vector<64x64xbf16>, vector<1x64xf32> -> vector<1x64xf32>
    %add3A_252 = arith.addf %dot_general3A_249, %dot_general3A_251 : vector<1x64xf32>
    %dot_general3A_253 = arith.constant dense<0.000000e+00> : vector<1x64xf32>
    %dot_general3A_254 = tpu.matmul %convert_element_type3A_243, %convert_element_type3A_244, %dot_general3A_253 {dimension_numbers = #tpu.dot_dimension_numbers<[1], [0], [0], [1], [0, 0, 1, 1], [], []>, transpose_lhs_hint = false} : vector<1x64xbf16>, vector<64x64xbf16>, vector<1x64xf32> -> vector<1x64xf32>
    %add3A_255 = arith.addf %add3A_252, %dot_general3A_254 : vector<1x64xf32>
    %ge3A_256 = arith.constant 0.000000e+00 : f32
    %ge3A_257 = vector.broadcast %ge3A_256 : f32 to vector<1x64xf32>
    %ge3A_258 = arith.cmpf oge, %add3A_255, %ge3A_257 : vector<1x64xf32>
    %mul3A_259 = arith.constant 0.00999999977 : f32
    %mul3A_260 = vector.broadcast %mul3A_259 : f32 to vector<1x64xf32>
    %mul3A_261 = arith.mulf %mul3A_260, %add3A_255 : vector<1x64xf32>
    %select_n3A_262 = arith.select %ge3A_258, %add3A_255, %mul3A_261 : vector<1x64xi1>, vector<1x64xf32>
    %get3A_263 = arith.constant 0 : index
    %get3A_264 = arith.constant 0 : index
    %get3A_265 = vector.load %arg18[%get3A_263, %get3A_264] : memref<64x64xf32, #tpu.memory_space<vmem>>, vector<64x64xf32>
    %convert_element_type3A_266 = arith.truncf %select_n3A_262 : vector<1x64xf32> to vector<1x64xbf16>
    %convert_element_type3A_267 = arith.extf %convert_element_type3A_266 : vector<1x64xbf16> to vector<1x64xf32>
    %sub3A_268 = arith.subf %select_n3A_262, %convert_element_type3A_267 : vector<1x64xf32>
    %convert_element_type3A_269 = arith.truncf %sub3A_268 : vector<1x64xf32> to vector<1x64xbf16>
    %convert_element_type3A_270 = arith.truncf %get3A_265 : vector<64x64xf32> to vector<64x64xbf16>
    %convert_element_type3A_271 = arith.extf %convert_element_type3A_270 : vector<64x64xbf16> to vector<64x64xf32>
    %sub3A_272 = arith.subf %get3A_265, %convert_element_type3A_271 : vector<64x64xf32>
    %convert_element_type3A_273 = arith.truncf %sub3A_272 : vector<64x64xf32> to vector<64x64xbf16>
    %dot_general3A_274 = arith.constant dense<0.000000e+00> : vector<1x64xf32>
    %dot_general3A_275 = tpu.matmul %convert_element_type3A_266, %convert_element_type3A_270, %dot_general3A_274 {dimension_numbers = #tpu.dot_dimension_numbers<[1], [0], [0], [1], [0, 0, 1, 1], [], []>, transpose_lhs_hint = false} : vector<1x64xbf16>, vector<64x64xbf16>, vector<1x64xf32> -> vector<1x64xf32>
    %dot_general3A_276 = arith.constant dense<0.000000e+00> : vector<1x64xf32>
    %dot_general3A_277 = tpu.matmul %convert_element_type3A_266, %convert_element_type3A_273, %dot_general3A_276 {dimension_numbers = #tpu.dot_dimension_numbers<[1], [0], [0], [1], [0, 0, 1, 1], [], []>, transpose_lhs_hint = false} : vector<1x64xbf16>, vector<64x64xbf16>, vector<1x64xf32> -> vector<1x64xf32>
    %add3A_278 = arith.addf %dot_general3A_275, %dot_general3A_277 : vector<1x64xf32>
    %dot_general3A_279 = arith.constant dense<0.000000e+00> : vector<1x64xf32>
    %dot_general3A_280 = tpu.matmul %convert_element_type3A_269, %convert_element_type3A_270, %dot_general3A_279 {dimension_numbers = #tpu.dot_dimension_numbers<[1], [0], [0], [1], [0, 0, 1, 1], [], []>, transpose_lhs_hint = false} : vector<1x64xbf16>, vector<64x64xbf16>, vector<1x64xf32> -> vector<1x64xf32>
    %add3A_281 = arith.addf %add3A_278, %dot_general3A_280 : vector<1x64xf32>
    %ge3A_282 = arith.constant 0.000000e+00 : f32
    %ge3A_283 = vector.broadcast %ge3A_282 : f32 to vector<1x64xf32>
    %ge3A_284 = arith.cmpf oge, %add3A_281, %ge3A_283 : vector<1x64xf32>
    %mul3A_285 = arith.constant 0.00999999977 : f32
    %mul3A_286 = vector.broadcast %mul3A_285 : f32 to vector<1x64xf32>
    %mul3A_287 = arith.mulf %mul3A_286, %add3A_281 : vector<1x64xf32>
    %select_n3A_288 = arith.select %ge3A_284, %add3A_281, %mul3A_287 : vector<1x64xi1>, vector<1x64xf32>
    %get3A_289 = arith.constant 0 : index
    %get3A_290 = arith.constant 0 : index
    %get3A_291 = vector.load %arg19[%get3A_289, %get3A_290] : memref<64x1xf32, #tpu.memory_space<vmem>>, vector<64x1xf32>
    %convert_element_type3A_292 = arith.truncf %select_n3A_288 : vector<1x64xf32> to vector<1x64xbf16>
    %convert_element_type3A_293 = arith.extf %convert_element_type3A_292 : vector<1x64xbf16> to vector<1x64xf32>
    %sub3A_294 = arith.subf %select_n3A_288, %convert_element_type3A_293 : vector<1x64xf32>
    %convert_element_type3A_295 = arith.truncf %sub3A_294 : vector<1x64xf32> to vector<1x64xbf16>
    %convert_element_type3A_296 = arith.truncf %get3A_291 : vector<64x1xf32> to vector<64x1xbf16>
    %convert_element_type3A_297 = arith.extf %convert_element_type3A_296 : vector<64x1xbf16> to vector<64x1xf32>
    %sub3A_298 = arith.subf %get3A_291, %convert_element_type3A_297 : vector<64x1xf32>
    %convert_element_type3A_299 = arith.truncf %sub3A_298 : vector<64x1xf32> to vector<64x1xbf16>
    %dot_general3A_300 = arith.constant dense<0.000000e+00> : vector<1x1xf32>
    %dot_general3A_301 = tpu.matmul %convert_element_type3A_292, %convert_element_type3A_296, %dot_general3A_300 {dimension_numbers = #tpu.dot_dimension_numbers<[1], [0], [0], [1], [0, 0, 1, 1], [], []>, transpose_lhs_hint = false} : vector<1x64xbf16>, vector<64x1xbf16>, vector<1x1xf32> -> vector<1x1xf32>
    %dot_general3A_302 = arith.constant dense<0.000000e+00> : vector<1x1xf32>
    %dot_general3A_303 = tpu.matmul %convert_element_type3A_292, %convert_element_type3A_299, %dot_general3A_302 {dimension_numbers = #tpu.dot_dimension_numbers<[1], [0], [0], [1], [0, 0, 1, 1], [], []>, transpose_lhs_hint = false} : vector<1x64xbf16>, vector<64x1xbf16>, vector<1x1xf32> -> vector<1x1xf32>
    %add3A_304 = arith.addf %dot_general3A_301, %dot_general3A_303 : vector<1x1xf32>
    %dot_general3A_305 = arith.constant dense<0.000000e+00> : vector<1x1xf32>
    %dot_general3A_306 = tpu.matmul %convert_element_type3A_295, %convert_element_type3A_296, %dot_general3A_305 {dimension_numbers = #tpu.dot_dimension_numbers<[1], [0], [0], [1], [0, 0, 1, 1], [], []>, transpose_lhs_hint = false} : vector<1x64xbf16>, vector<64x1xbf16>, vector<1x1xf32> -> vector<1x1xf32>
    %add3A_307 = arith.addf %add3A_304, %dot_general3A_306 : vector<1x1xf32>
    %broadcast_in_dim3A_308 = vector.shape_cast %add3A_307 : vector<1x1xf32> to vector<1x1x1xf32>
    %broadcast_in_dim3A_309 = vector.shape_cast %broadcast_in_dim3A_308 : vector<1x1x1xf32> to vector<1x1x1xf32>
    %broadcast_in_dim3A_310 = vector.broadcast %broadcast_in_dim3A_309 : vector<1x1x1xf32> to vector<1x1x128xf32>
    %swap3A = arith.constant 0 : index
    %swap3A_311 = arith.constant 0 : index
    %swap3A_312 = arith.constant 0 : index
    %swap3A_313 = vector.load %arg20[%swap3A, %swap3A_311, %swap3A_312] : memref<1x1x128xf32, #tpu.memory_space<vmem>>, vector<1x1x128xf32>
    tpu.vector_store %arg20[%swap3A, %swap3A_311, %swap3A_312], %broadcast_in_dim3A_310 {strides = array<i32>} : memref<1x1x128xf32, #tpu.memory_space<vmem>>, vector<1x1x128xf32>,
    return
  }
  func.func @transform_0(%arg0: i32) -> (i32, i32, i32) {
    %c0_i32 = arith.constant 0 : i32
    %c0_i32_0 = arith.constant 0 : i32
    %c0_i32_1 = arith.constant 0 : i32
    return %arg0, %c0_i32, %c0_i32_0 : i32, i32, i32
  }
  func.func @transform_1(%arg0: i32) -> (i32, i32) {
    %c0_i32 = arith.constant 0 : i32
    %c0_i32_0 = arith.constant 0 : i32
    %c0_i32_1 = arith.constant 0 : i32
    return %c0_i32, %c0_i32_0 : i32, i32
  }
  func.func @transform_2(%arg0: i32) -> (i32, i32) {
    %c0_i32 = arith.constant 0 : i32
    %c0_i32_0 = arith.constant 0 : i32
    %c0_i32_1 = arith.constant 0 : i32
    return %c0_i32, %c0_i32_0 : i32, i32
  }
  func.func @transform_3(%arg0: i32) -> (i32, i32) {
    %c0_i32 = arith.constant 0 : i32
    %c0_i32_0 = arith.constant 0 : i32
    %c0_i32_1 = arith.constant 0 : i32
    return %c0_i32, %c0_i32_0 : i32, i32
  }
  func.func @transform_4(%arg0: i32) -> (i32, i32) {
    %c0_i32 = arith.constant 0 : i32
    %c0_i32_0 = arith.constant 0 : i32
    %c0_i32_1 = arith.constant 0 : i32
    return %c0_i32, %c0_i32_0 : i32, i32
  }
  func.func @transform_5(%arg0: i32) -> (i32, i32) {
    %c0_i32 = arith.constant 0 : i32
    %c0_i32_0 = arith.constant 0 : i32
    %c0_i32_1 = arith.constant 0 : i32
    return %c0_i32, %c0_i32_0 : i32, i32
  }
  func.func @transform_6(%arg0: i32) -> (i32, i32) {
    %c0_i32 = arith.constant 0 : i32
    %c0_i32_0 = arith.constant 0 : i32
    %c0_i32_1 = arith.constant 0 : i32
    return %c0_i32, %c0_i32_0 : i32, i32
  }
  func.func @transform_7(%arg0: i32) -> (i32, i32) {
    %c0_i32 = arith.constant 0 : i32
    %c0_i32_0 = arith.constant 0 : i32
    %c0_i32_1 = arith.constant 0 : i32
    return %c0_i32, %c0_i32_0 : i32, i32
  }
  func.func @transform_8(%arg0: i32) -> (i32, i32) {
    %c0_i32 = arith.constant 0 : i32
    %c0_i32_0 = arith.constant 0 : i32
    %c0_i32_1 = arith.constant 0 : i32
    return %c0_i32, %c0_i32_0 : i32, i32
  }
  func.func @transform_9(%arg0: i32) -> (i32, i32) {
    %c0_i32 = arith.constant 0 : i32
    %c0_i32_0 = arith.constant 0 : i32
    %c0_i32_1 = arith.constant 0 : i32
    return %c0_i32, %c0_i32_0 : i32, i32
  }
  func.func @transform_10(%arg0: i32) -> (i32, i32) {
    %c0_i32 = arith.constant 0 : i32
    %c0_i32_0 = arith.constant 0 : i32
    %c0_i32_1 = arith.constant 0 : i32
    return %c0_i32, %c0_i32_0 : i32, i32
  }
  func.func @transform_11(%arg0: i32) -> (i32, i32) {
    %c0_i32 = arith.constant 0 : i32
    %c0_i32_0 = arith.constant 0 : i32
    %c0_i32_1 = arith.constant 0 : i32
    return %c0_i32, %c0_i32_0 : i32, i32
  }
  func.func @transform_12(%arg0: i32) -> (i32, i32) {
    %c0_i32 = arith.constant 0 : i32
    %c0_i32_0 = arith.constant 0 : i32
    %c0_i32_1 = arith.constant 0 : i32
    return %c0_i32, %c0_i32_0 : i32, i32
  }
  func.func @transform_13(%arg0: i32) -> (i32, i32) {
    %c0_i32 = arith.constant 0 : i32
    %c0_i32_0 = arith.constant 0 : i32
    %c0_i32_1 = arith.constant 0 : i32
    return %c0_i32, %c0_i32_0 : i32, i32
  }
  func.func @transform_14(%arg0: i32) -> (i32, i32) {
    %c0_i32 = arith.constant 0 : i32
    %c0_i32_0 = arith.constant 0 : i32
    %c0_i32_1 = arith.constant 0 : i32
    return %c0_i32, %c0_i32_0 : i32, i32
  }
  func.func @transform_15(%arg0: i32) -> (i32, i32) {
    %c0_i32 = arith.constant 0 : i32
    %c0_i32_0 = arith.constant 0 : i32
    %c0_i32_1 = arith.constant 0 : i32
    return %c0_i32, %c0_i32_0 : i32, i32
  }
  func.func @transform_16(%arg0: i32) -> (i32, i32) {
    %c0_i32 = arith.constant 0 : i32
    %c0_i32_0 = arith.constant 0 : i32
    %c0_i32_1 = arith.constant 0 : i32
    return %c0_i32, %c0_i32_0 : i32, i32
  }
  func.func @transform_17(%arg0: i32) -> (i32, i32) {
    %c0_i32 = arith.constant 0 : i32
    %c0_i32_0 = arith.constant 0 : i32
    %c0_i32_1 = arith.constant 0 : i32
    return %c0_i32, %c0_i32_0 : i32, i32
  }
  func.func @transform_18(%arg0: i32) -> (i32, i32) {
    %c0_i32 = arith.constant 0 : i32
    %c0_i32_0 = arith.constant 0 : i32
    %c0_i32_1 = arith.constant 0 : i32
    return %c0_i32, %c0_i32_0 : i32, i32
  }
  func.func @transform_19(%arg0: i32) -> (i32, i32, i32) {
    %c0_i32 = arith.constant 0 : i32
    %c0_i32_0 = arith.constant 0 : i32
    %c0_i32_1 = arith.constant 0 : i32
    return %arg0, %c0_i32, %c0_i32_0 : i32, i32, i32
  }
}

</mosaic_0001>

<sc_bundles>
// kernel: kernel.16.cloned.1.call-start
scs
__scs_entry_jumppad:
0x0: {  	(pc) =	sbr.rel $0x88, $3  }
0x1: {  	(tag) =	ssettag $0x0;
	lr =	simm.s32 $0x1  }
0x2: {  	[smem:$0x3F7A] =	sst lr;
	_ =	strace $0xD0000000  }
0x3: {  	_ = 	snop  }
0x4: {  	_ = 	snop  }
0x5: {  	_ = 	snop  }
0x6: {  	_ = 	snop  }
0x7: {  	_ = 	snop  }
__scs_overlays_trampoline_lowered:
0x8: {  	[smem:$0x3F89] =	sst s0  }
0x9: {  	[smem:$0x3F8A] =	sst s1  }
0xa: {  	[smem:$0x3F8B] =	sst s2  }
0xb: {  	[smem:$0x3F8C] =	sst s3  }
0xc: {  	[smem:$0x3F8D] =	sst s4  }
0xd: {  	[smem:$0x3F8E] =	sst s5  }
0xe: {  	[smem:$0x3F8F] =	sst s6  }
0xf: {  	[smem:$0x3F90] =	sst s7  }
0x10: {  	[smem:$0x3F91] =	sst s8  }
0x11: {  	[smem:$0x3F92] =	sst s9;
	s0 =	simm.s32 @!p0 $0x0  }
0x12: {  	s1 =	sld [smem:$0x3F78];
	s0 =	simm.s32 @p0 $0x1  }
0x13: {  	[smem:$0x3F93] =	sst s0;
	s0 =	simm.s32 @!p1 $0x0  }
0x14: {  	s2 =	sld [smem:$0x3F77];
	s0 =	simm.s32 @p1 $0x1  }
0x15: {  	[smem:$0x3F94] =	sst s0;
	s0 =	simm.s32 @!p2 $0x0  }
0x16: {  	s3 =	sld [smem:$0x3FDB];
	s0 =	simm.s32 @p2 $0x1  }
0x17: {  	s4 =	simm.s32 $0x1BF5;
	[smem:$0x3F96] =	sst s0  }
0x18: {  	s0 =	sld [smem:$0x3F79];
	_ =	swait.ge [sflag:s4], $0x0  }
0x19: {  	s7 =	sld [smem:$0x3F7A]  }
0x1a: {  	s8 =	sadd.s32 $0xFFFFE003, lr  }
0x1b: {  	s9 =	sadd.s32 $0xFFFFFEF7, lr;
	s5 =	simm.s32 $0xFFFFFFFF;
	p2 =	slt.u32 s8, $0xFFFFF086  }
0x1c: {  	p1 =	slt.u32 s9, $0xF7A;
	s5 =	simm.s32 @!p2 $0x0  }
0x1d: {  	s5 =	simm.s32 @p1 $0x1;
	p0 =	seq.s32 s7, s2  }
0x1e: {  	s7 =	smul.u32 @!p0 $0xF7A, s2;
	p2 =	seq.s32 @!p0 s5, $0x0  }
0x1f: {  	s9 =	smul.u32 $0xF7A, s1;
	s8 =	simm.s32 @!p0 $0x1BF5;
	p2 =	por !p2, p0  }
0x20: {  	[sflag:s8] =	ssyncset.s32 @!p0 $0xFFFFF086;
	s6 =	sadd.s32 @!p0 s3, s7;
	s7 =	simm.s32 @!p0 $0x108  }
0x21: {  	s3 =	sadd.s32 s3, s9;
	s6 =	sadd.s32 @!p0 $0x88, s6;
	s7 =	simm.s32 @p2 $0x1082  }
0x22: {  	[simem:s7], [sflag:s8] =	dma.local @!p0 [hbm:s6], $0xF7A  }
0x23: {  	s9 =	sor.u32 $0xD0000000, s2;
	s6 =	simm.s32 $0x108;
	_ =	swait.ge @!p0 [sflag:s8], $0x0  }
0x24: {  	s3 =	sadd.s32 $0x88, s3;
	s6 =	simm.s32 @!p1 $0x1082;
	[sflag:s4] =	ssyncset.s32 $0xFFFFF086  }
0x25: {  	[simem:s6], [sflag:s4] =	dma.local [hbm:s3], $0xF7A  }
0x26: {  	[smem:$0x3F7A] =	sst s1;
	(tag) =	ssettag s2;
	_ =	strace s9  }
0x27: {  	s1 =	sld [smem:$0x3F8A]  }
0x28: {  	s2 =	sld [smem:$0x3F8B]  }
0x29: {  	s4 =	sld [smem:$0x3F8D]  }
0x2a: {  	p0 =	seq.s32 s5, $0x0;
	s5 =	sld [smem:$0x3F8E]  }
0x2b: {  	s6 =	sld [smem:$0x3F8F]  }
0x2c: {  	s7 =	sld [smem:$0x3F90]  }
0x2d: {  	s3 =	simm.s32 $0x108;
	s8 =	sld [smem:$0x3F91]  }
0x2e: {  	s3 =	simm.s32 @!p0 $0x1082;
	s9 =	sld [smem:$0x3F92]  }
0x2f: {  	lr =	sadd.s32 s0, s3;
	s0 =	sld [smem:$0x3F89]  }
0x30: {  	s3 =	sld [smem:$0x3F8C]  }
0x31: {  	[smem:$0x3F95] =	sst s10  }
0x32: {  	s10 =	sld [smem:$0x3F93];
	_ =	sdelay $0x3  }
0x33: {  	p0 =	seq.s32 s10, $0x1;
	s10 =	sld [smem:$0x3F95];
	_ =	sdelay $0x3  }
0x34: {  	[smem:$0x3F95] =	sst s10  }
0x35: {  	s10 =	sld [smem:$0x3F94];
	_ =	sdelay $0x3  }
0x36: {  	p1 =	seq.s32 s10, $0x1;
	s10 =	sld [smem:$0x3F95];
	_ =	sdelay $0x3  }
0x37: {  	[smem:$0x3F95] =	sst s10  }
0x38: {  	s10 =	sld [smem:$0x3F96]  }
0x39: {  	_ = 	snop;
	(pc) =	sbr.ind lr, $3  }
0x3a: {  	_ = 	snop  }
0x3b: {  	_ = 	snop  }
0x3c: {  	p2 =	seq.s32 s10, $0x1;
	s10 =	sld [smem:$0x3F95]  }
0x3d: {  	_ =	shalt  }
0x3e: {  	_ =	shalt  }
0x3f: {  	_ =	shalt  }
0x40: {  	_ =	shalt  }
0x41: {  	_ =	shalt  }
0x42: {  	_ =	shalt  }
0x43: {  	_ =	shalt  }
0x44: {  	_ =	shalt  }
0x45: {  	_ =	shalt  }
0x46: {  	_ =	shalt  }
0x47: {  	_ =	shalt  }
0x48: {  	_ =	shalt  }
0x49: {  	_ =	shalt  }
0x4a: {  	_ =	shalt  }
0x4b: {  	_ =	shalt  }
0x4c: {  	_ =	shalt  }
0x4d: {  	_ =	shalt  }
0x4e: {  	_ =	shalt  }
0x4f: {  	_ =	shalt  }
0x50: {  	_ =	shalt  }
0x51: {  	_ =	shalt  }
0x52: {  	_ =	shalt  }
0x53: {  	_ =	shalt  }
0x54: {  	_ =	shalt  }
0x55: {  	_ =	shalt  }
0x56: {  	_ =	shalt  }
0x57: {  	_ =	shalt  }
0x58: {  	_ =	shalt  }
0x59: {  	_ =	shalt  }
0x5a: {  	_ =	shalt  }
0x5b: {  	_ =	shalt  }
0x5c: {  	_ =	shalt  }
0x5d: {  	_ =	shalt  }
0x5e: {  	_ =	shalt  }
0x5f: {  	_ =	shalt  }
0x60: {  	_ =	shalt  }
0x61: {  	_ =	shalt  }
0x62: {  	_ =	shalt  }
0x63: {  	_ =	shalt  }
0x64: {  	_ =	shalt  }
0x65: {  	_ =	shalt  }
0x66: {  	_ =	shalt  }
0x67: {  	_ =	shalt  }
0x68: {  	_ =	shalt  }
0x69: {  	_ =	shalt  }
0x6a: {  	_ =	shalt  }
0x6b: {  	_ =	shalt  }
0x6c: {  	_ =	shalt  }
0x6d: {  	_ =	shalt  }
0x6e: {  	_ =	shalt  }
0x6f: {  	_ =	shalt  }
0x70: {  	_ =	shalt  }
0x71: {  	_ =	shalt  }
0x72: {  	_ =	shalt  }
0x73: {  	_ =	shalt  }
0x74: {  	_ =	shalt  }
0x75: {  	_ =	shalt  }
0x76: {  	_ =	shalt  }
0x77: {  	_ =	shalt  }
0x78: {  	_ =	shalt  }
0x79: {  	_ =	shalt  }
0x7a: {  	_ =	shalt  }
0x7b: {  	_ =	shalt  }
0x7c: {  	_ =	shalt  }
0x7d: {  	_ =	shalt  }
0x7e: {  	_ =	shalt  }
0x7f: {  	_ =	shalt  }
0x80: {  	_ =	shalt  }
0x81: {  	_ =	shalt  }
0x82: {  	_ =	shalt  }
0x83: {  	_ =	shalt  }
0x84: {  	_ =	shalt  }
0x85: {  	_ =	shalt  }
0x86: {  	_ =	shalt  }
0x87: {  	_ =	shalt  }
.Lfunc_end0:
.L_simem_size_0:
called_computation_lowered:
.L_overlay_start_0:
0x88: {  	s2 =	sld [smem:$0x3FD9]  }
0x89: {  	s3 =	sld [smem:$0x3FFE];
	_ =	sdelay $0x1  }
0x8a: {  	s1 =	srdreg.scid  }
0x8b: {  	s0 =	sand.u32 $0x1, s1  }
0x8c: {  	s16 =	sshll.u32 s0, $0xA;
	s2 =	sadd.s32 s3, s2  }
0x8d: {  	s2 =	sadd.s32 s2, s16  }
0x8e: {  	[smem:$0x3FA1] =	sst s2  }
0x8f: {  	_ = 	snop  }
0x90: {  	(tm) =	ssettm $0x1  }
0x91: {  	s17 =	sld [smem:$0x3FFB];
	_ =	sdelay $0x3  }
0x92: {  	_ =	strace s17  }
0x93: {  	s2 =	sld [smem:$0x3FFC];
	_ =	sdelay $0x3  }
0x94: {  	_ =	strace s2  }
0x95: {  	s2 =	sld [smem:$0x3FFD];
	_ =	sdelay $0x3  }
0x96: {  	_ =	strace s2  }
0x97: {  	_ =	strace $0x8FFFFFFF  }
0x98: {  	s18 =	sld [smem:$0x3FDB];
	_ =	sdelay $0x1  }
0x99: {  	s19 =	simm.s32 $_scs_section_size  }
0x9a: {  	s4 =	simm.s32 $_size__tile_overlayer_lowered;
	s5 =	simm.s32 $_tile_overlayer_lowered  }
0x9b: {  	s22 =	simm.s32 $0x1BFF;
	s21 =	sshll.u32 s5, $0x1;
	s2 =	sadd.s32 s19, s18  }
0x9c: {  	s6 =	simm.s32 $0x0;
	s20 =	sshll.u32 s4, $0x1;
	s4 =	sadd.s32 s21, s2  }
0x9d: {  	[timem:s6], [sflag:s22] =	dma.local [hbm:s4], s20  }
0x9e: {  	_ =	swait.ge [sflag:s22], s20  }
0x9f: {  	s3 =	ssub.s32 $0x0, s20;
	[sflag:s22] =	ssyncset.done $0x0  }
0xa0: {  	[sflag:s22] =	ssyncadd.s32 s3;
	_ =	sdelay $0x1  }
0xa1: {  	s23 =	simm.s32 $0x1B8B  }
0xa2: {  	_ =	swait.ge [sflag:s23], $0x1  }
0xa3: {  	[sflag:s23] =	ssyncset.done $0x0  }
0xa4: {  	s25 =	simm.s32 $0x1B8E;
	s24 =	sld [smem:$0x3FFE];
	[sflag:s23] =	ssyncadd.s32 $0xFFFFFFFF  }
0xa5: {  	s26 =	simm.s32 $execute0_lowered;
	[smem:$0x3FD2] =	sst s25  }
0xa6: {  	s4 =	sshll.u32 s26, $0x1;
	_ =	strace $0x80000046;
	[dreg:$0x1] =	wrdreg $0xFFFFFFFF  }
0xa7: {  	s28 =	simm.s32 $_size_execute0_lowered;
	s2 =	sadd.s32 s2, s4;
	[dreg:$0x0] =	wrdreg $0x0  }
0xa8: {  	s4 =	sshll.u32 s28, $0x1;
	[dreg:$0x2] =	wrdreg s2  }
0xa9: {  	[dreg:$0x3] =	wrdreg s4  }
0xaa: {  	[dreg:$0x4] =	wrdreg $0xC0  }
0xab: {  	_ =	task [dreg:s6], $0x5FFFF  }
0xac: {  	[dreg:$0x1] =	wrdreg $0xFFFFFFFF  }
0xad: {  	[dreg:$0x0] =	wrdreg $0x60  }
0xae: {  	[dreg:$0x2] =	wrdreg s24  }
0xaf: {  	[dreg:$0x3] =	wrdreg $0x80200  }
0xb0: {  	[dreg:$0x4] =	wrdreg $0x161200  }
0xb1: {  	[dreg:$0x5] =	wrdreg $0x9  }
0xb2: {  	_ =	task.clear_ibuf [dreg:s6], $0x6FFFF;
	_ =	strace $0x90000046  }
0xb3: {  	s29 =	simm.s32 $0x9;
	_ =	strace $0x80000048  }
0xb4: {  	_ =	swait.ge [sflag:s29], $0x1  }
0xb5: {  	[sflag:s29] =	ssyncadd.s32 $0xFFFFFFFF  }
0xb6: {  	_ =	strace $0x90000048  }
0xb7: {  	_ =	sfence  }
0xb8: {  	s30 =	sld [smem:$0x0];
	_ =	sdelay $0x2  }
0xb9: {  	s31 =	sshll.u32 s1, $0xD;
	s1 =	sshrl.u32 s1, $0x2  }
0xba: {  	s3 =	sand.u32 $0x4000, s31;
	s1 =	sadd.s32 s1, s30  }
0xbb: {  	s0 =	sor.u32 s3, s0;
	s1 =	sshll.u32 s1, $0x11  }
0xbc: {  	s0 =	sor.u32 s1, s0  }
0xbd: {  	s0 =	sadd.s32 $0x8F2B, s0  }
0xbe: {  	[sflag:s0] =	ssyncadd.remote.s32 $0x1  }
0xbf: {  	_ =	sfence.sel $0xFFFF  }
0xc0: {  	[dreg:$0x0] =	wrdreg $0xFFFFFFFF;
	(pc) =	sbr.abs _section_cstart, $3  }
0xc1: {  	[dreg:$0x1] =	wrdreg $0xFFFFFFFF  }
0xc2: {  	_ =	task.clear_ibuf [dreg:s6], $0x2FFFF;
	_ =	strace $0x9FFFFFFF  }
0xc3: {  	(tm) =	ssettm $0x7FFFFFFF  }
tec
execute0_lowered:
.L_overlay_start_1:
0x0: {  	(tag) =	ssettag $0x1  }
0x1: {  	s7 =	rddreg [dreg:$0x0]  }
0x2: {  	s0 =	srdreg.scid;
	s2 =	rddreg [dreg:$0x1]  }
0x3: {  	s3 =	rddreg [dreg:$0x2];
	s8 =	sand.u32 $0x1, s0  }
0x4: {  	s0 =	stileid.u32;
	s5 =	smul.u32 $0x27100, s8  }
0x5: {  	s1 =	rddreg [dreg:$0x3];
	s4 =	simm.s32 $0x0;
	s6 =	smul.u32 $0x2710, s0  }
0x6: {  	s20 =	simm.s32 $0x320;
	s21 =	simm.s32 $0x1;
	s9 =	smul.u32 $0xC800, s0  }
0x7: {  	s22 =	simm.s32 $0x0;
	[smem:$0x7FF] =	sst s4;
	s10 =	smul.u32 $0x280, s0  }
0x8: {  	_ =	strace $0x80000047;
	s11 =	smul.u32 $0x2800, s8;
	s8 =	ssub.s32 $0x2, s8  }
0x9: {  	s12 =	smul.u32 $0x2800, s0;
	s31 =	sshll.u32 s0, $0x6;
	s16 =	sshrl.u32 s8, $0x1  }
0xa: {  	s6 =	sadd.s32 s6, s5;
	s5 =	sadd.s32 $0x1A800, s7;
	s28 =	sshrl.u32 s9, $0x3  }
0xb: {  	s10 =	sadd.s32 s10, s11;
	s30 =	sshrl.u32 s12, $0x3;
	s16 =	ssub.s32 s8, s16  }
0xc: {  	s18 =	sadd.s32 s9, s2;
	s8 =	sor.u32 $0x1C02, s31;
	s19 =	sadd.s32 s12, s3  }
0xd: {  	s6 =	sshrl.u32 s6, $0x3;
	s29 =	sadd.s32 s28, s7;
	s13 =	smul.u32 $0xA, s10  }
0xe: {  	s15 =	sadd.s32 s30, s7;
	s10 =	sshll.u32 s10, $0x1;
	s12 =	smax.u32 s16, $0x1  }
0xf: {  	s16 =	simm.s32 $0x2;
	s14 =	sadd.s32 s6, s7;
	s6 =	sadd.s32 $0x51800, s7  }
0x10: {  	s17 =	sadd.s32 s10, s7;
	s9 =	sadd.s32 $0x4C800, s15;
	s15 =	sshrl.u32 s18, $0x3  }
0x11: {  	s18 =	simm.s32 $0x14820;
	s13 =	sadd.s32 s13, s7;
	s7 =	sadd.s32 $0x33800, s29  }
0x12: {  	s11 =	sadd.s32 $0x51C00, s17;
	s17 =	sshrl.u32 s19, $0x3;
	s19 =	simm.s32 $0x190  }
0x13: {  	s10 =	sadd.s32 $0x5BC00, s13;
	s13 =	sadd.s32 $0x6C00, s14;
	s14 =	sadd.s32 $0x10A00, s14  }
.LBB2_1:
0x14: {  	[spmem:s15], [sflag:s8] =	dma.local [hbm:s7], $0x1900  }
0x15: {  	_ =	swait.ge [sflag:s16], $0x1900  }
0x16: {  	[sflag:s16] =	ssyncset.done $0x0  }
0x17: {  	[sflag:s16] =	ssyncadd.s32 $0xFFFFE700  }
0x18: {  	[spmem:s17], [sflag:s8] =	dma.local [hbm:s9], $0x500  }
0x19: {  	_ =	swait.ge [sflag:s16], $0x500  }
0x1a: {  	[sflag:s16] =	ssyncset.done $0x0  }
0x1b: {  	[sflag:s16] =	ssyncadd.s32 $0xFFFFFB00  }
0x1c: {  	[tilespmem:s18], [sflag:$0x2] =	stream.linear.gather [hbm4b:s6+s4], $0x1900, $0x38;
	[tilespmem:$0x18920] =	vst v63  }
0x1d: {  	_ =	swait.ge [sflag:s16], $0x1900  }
0x1e: {  	[sflag:s16] =	ssyncset.done $0x0  }
0x1f: {  	[sflag:s16] =	ssyncadd.s32 $0xFFFFE700  }
0x20: {  	s23 =	sadd.s32 $0x0, s14;
	[bflag:$0x0] =	sbarrier.arrive $0xFFFF  }
0x21: {  	[tilespmem:s4], [sflag:$0x2] =	stream.linear.gather [hbm4b:s23+s4], $0x190, $0x38;
	[tilespmem:$0x18920] =	vst v63  }
0x22: {  	_ =	swait.ge [sflag:s16], $0x190  }
0x23: {  	[sflag:s16] =	ssyncset.done $0x0  }
0x24: {  	s31 =	sadd.s32 $0x0, s13;
	[sflag:s16] =	ssyncadd.s32 $0xFFFFFE70  }
0x25: {  	[tilespmem:s19], [sflag:$0x2] =	stream.linear.gather [hbm4b:s31+s4], $0x190, $0x38;
	[tilespmem:$0x18920] =	vst v63  }
0x26: {  	_ =	swait.ge [sflag:s16], $0x190  }
0x27: {  	[sflag:s16] =	ssyncset.done $0x0  }
0x28: {  	[sflag:s16] =	ssyncadd.s32 $0xFFFFFE70  }
0x29: {  	[tilespmem:s20], [sflag:$0x1] =	stream.indirect.gather [hbm4b:s5+s19], $0x50, s4, s19, $0xb8;
	[tilespmem:$0x18920] =	vst v63  }
0x2a: {  	_ =	swait.ge [sflag:s21], $0x7D00  }
0x2b: {  	[sflag:s21] =	ssyncset.done $0x0  }
0x2c: {  	[sflag:s21] =	ssyncadd.s32 $0xFFFF8300  }
0x2d: {  	[spmem:s2] =	stream.indirect.scatter.add.f32 [tilespmem:s20], [sflag:$0x2], $0x50, s19, s19, $0xb8;
	[tilespmem:$0x18920] =	vst v63  }
0x2e: {  	_ =	swait.ge [sflag:s16], $0x7D00  }
0x2f: {  	[sflag:s16] =	ssyncset.done $0x0  }
0x30: {  	[sflag:s16] =	ssyncadd.s32 $0xFFFF8300  }
0x31: {  	[spmem:s3] =	stream.indirect.scatter.add.f32 [tilespmem:s18], [sflag:$0x2], $0x10, s19, s19, $0xb8;
	[tilespmem:$0x18920] =	vst v63  }
0x32: {  	_ =	swait.ge [sflag:s16], $0x1900  }
0x33: {  	s24 =	simm.s32 $0x64;
	s23 =	simm.s32 $0x32;
	[sflag:s16] =	ssyncset.done $0x0  }
.LBB2_2:
0x34: {  	s25 =	sadd.s32 s23, s14  }
0x35: {  	[sflag:s16] =	ssyncadd.s32 $0xFFFFE700;
	s26 =	smov.u32 s24;
	s28 =	sadd.s32 $0x32, s24  }
0x36: {  	[tilespmem:s4], [sflag:$0x2] =	stream.linear.gather [hbm4b:s25+s4], $0x190, $0x38;
	[tilespmem:$0x18920] =	vst v63  }
0x37: {  	p0 =	sne.s32 s24, $0x4B0;
	_ =	swait.ge [sflag:s16], $0x190  }
0x38: {  	[sflag:s16] =	ssyncset.done $0x0  }
0x39: {  	s24 =	sadd.s32 s23, s13;
	s23 =	smov.u32 s26;
	[sflag:s16] =	ssyncadd.s32 $0xFFFFFE70  }
0x3a: {  	[tilespmem:s19], [sflag:$0x2] =	stream.linear.gather [hbm4b:s24+s4], $0x190, $0x38;
	[tilespmem:$0x18920] =	vst v63  }
0x3b: {  	_ =	swait.ge [sflag:s16], $0x190  }
0x3c: {  	[sflag:s16] =	ssyncset.done $0x0  }
0x3d: {  	[sflag:s16] =	ssyncadd.s32 $0xFFFFFE70  }
0x3e: {  	[tilespmem:s20], [sflag:$0x1] =	stream.indirect.gather [hbm4b:s5+s19], $0x50, s4, s19, $0xb8;
	[tilespmem:$0x18920] =	vst v63  }
0x3f: {  	_ =	swait.ge [sflag:s21], $0x7D00  }
0x40: {  	[sflag:s21] =	ssyncset.done $0x0  }
0x41: {  	[sflag:s21] =	ssyncadd.s32 $0xFFFF8300  }
0x42: {  	[spmem:s2] =	stream.indirect.scatter.add.f32 [tilespmem:s20], [sflag:$0x2], $0x50, s19, s19, $0xb8;
	[tilespmem:$0x18920] =	vst v63  }
0x43: {  	_ =	swait.ge [sflag:s16], $0x7D00  }
.Ltmp0:
0x44: {  	[sflag:s16] =	ssyncset.done $0x0;
	(pc) =	sbr.rel @p0 .LBB2_2-.Ltmp0, $4  }
0x45: {  	[sflag:s16] =	ssyncadd.s32 $0xFFFF8300  }
0x46: {  	[spmem:s3] =	stream.indirect.scatter.add.f32 [tilespmem:s18], [sflag:$0x2], $0x10, s19, s19, $0xb8;
	[tilespmem:$0x18920] =	vst v63  }
0x47: {  	_ =	swait.ge [sflag:s16], $0x1900  }
0x48: {  	s24 =	smov.u32 s28;
	[sflag:s16] =	ssyncset.done $0x0  }
0x49: {  	s24 =	sadd.s32 s23, s14;
	[sflag:s16] =	ssyncadd.s32 $0xFFFFE700  }
0x4a: {  	[tilespmem:s4], [sflag:$0x2] =	stream.linear.gather [hbm4b:s24+s4], $0x190, $0x38;
	[tilespmem:$0x18920] =	vst v63  }
0x4b: {  	_ =	swait.ge [sflag:s16], $0x190  }
0x4c: {  	[sflag:s16] =	ssyncset.done $0x0  }
0x4d: {  	s31 =	sadd.s32 s23, s13;
	[sflag:s16] =	ssyncadd.s32 $0xFFFFFE70  }
0x4e: {  	[tilespmem:s19], [sflag:$0x2] =	stream.linear.gather [hbm4b:s31+s4], $0x190, $0x38;
	[tilespmem:$0x18920] =	vst v63  }
0x4f: {  	_ =	swait.ge [sflag:s16], $0x190  }
0x50: {  	[sflag:s16] =	ssyncset.done $0x0  }
0x51: {  	[sflag:s16] =	ssyncadd.s32 $0xFFFFFE70  }
0x52: {  	[tilespmem:s20], [sflag:$0x1] =	stream.indirect.gather [hbm4b:s5+s19], $0x50, s4, s19, $0xb8;
	[tilespmem:$0x18920] =	vst v63  }
0x53: {  	_ =	swait.ge [sflag:s21], $0x7D00  }
0x54: {  	[sflag:s21] =	ssyncset.done $0x0  }
0x55: {  	[sflag:s21] =	ssyncadd.s32 $0xFFFF8300  }
0x56: {  	[spmem:s2] =	stream.indirect.scatter.add.f32 [tilespmem:s20], [sflag:$0x2], $0x50, s19, s19, $0xb8;
	[tilespmem:$0x18920] =	vst v63  }
0x57: {  	_ =	swait.ge [sflag:s16], $0x7D00  }
0x58: {  	[sflag:s16] =	ssyncset.done $0x0  }
0x59: {  	[sflag:s16] =	ssyncadd.s32 $0xFFFF8300  }
0x5a: {  	[spmem:s3] =	stream.indirect.scatter.add.f32 [tilespmem:s18], [sflag:$0x2], $0x10, s19, s19, $0xb8;
	[tilespmem:$0x18920] =	vst v63  }
0x5b: {  	_ =	swait.ge [sflag:s16], $0x1900  }
0x5c: {  	[sflag:s16] =	ssyncset.done $0x0  }
0x5d: {  	[sflag:s16] =	ssyncadd.s32 $0xFFFFE700  }
0x5e: {  	[bflag:$0x0] =	sbarrier.arrive $0xFFFF  }
0x5f: {  	[hbm:s10], [sflag:s8] =	dma.local [spmem:s15], $0x1900  }
0x60: {  	s22 =	sadd.s32 $0x1, s22;
	_ =	swait.ge [sflag:s16], $0x1900  }
0x61: {  	p0 =	sne.s32 s22, s12;
	[sflag:s16] =	ssyncset.done $0x0  }
.Ltmp1:
0x62: {  	[sflag:s16] =	ssyncadd.s32 $0xFFFFE700;
	(pc) =	sbr.rel @p0 .LBB2_1-.Ltmp1, $4  }
0x63: {  	[hbm:s11], [sflag:s8] =	dma.local [spmem:s17], $0x500  }
0x64: {  	_ =	swait.ge [sflag:s16], $0x500  }
0x65: {  	[sflag:s16] =	ssyncset.done $0x0  }
0x66: {  	[sflag:s16] =	ssyncadd.s32 $0xFFFFFB00  }
0x67: {  	_ =	sfence.sel $0x180000  }
0x68: {  	[bflag:$0x0] =	sbarrier.arrive $0xFFFF  }
0x69: {  	p0 =	sne.s32 s0, $0x0;
	_ =	strace $0x90000047  }
0x6a: {  	s0 =	sadd.s32 @!p0 $0x100000, s1;
	[bflag:$0x2] =	sbarrier.arrive $0xFFFF  }
0x6b: {  	[sflag:s0] =	ssyncadd.tile.s32 @!p0 $0x1;
	_ =	shalt  }
.Lfunc_end2:
_tile_overlayer_lowered:
.L_overlay_start_2:
0x6c: {  	(tag) =	ssettag $0x2  }
0x6d: {  	s0 =	rddreg [dreg:$0x0];
	s2 =	stileid.u32  }
0x6e: {  	s1 =	rddreg [dreg:$0x1];
	p0 =	sne.s32 s2, $0x0  }
0x6f: {  	s3 =	rddreg [dreg:$0x2];
	[bflag:$0x3] =	sbarrier.arrive $0xFFFF;
	s2 =	simm.s32 @!p0 $0x1C02  }
0x70: {  	[timem:s3], [sflag:s2] =	dma.local @!p0 [hbm:s0], s1  }
0x71: {  	s0 =	simm.s32 @!p0 $0x2  }
0x72: {  	_ =	swait.ge @!p0 [sflag:s0], s1  }
0x73: {  	s1 =	ssub.s32 @!p0 $0x0, s1;
	[sflag:s0] =	ssyncset.done @!p0 $0x0  }
0x74: {  	[sflag:s0] =	ssyncadd.s32 @!p0 s1  }
0x75: {  	[bflag:$0x3] =	sbarrier.arrive $0xFFFF  }
0x76: {  	_ =	shalt  }

// kernel: kernel.19.cloned.1.call-start
scs
__scs_entry_jumppad:
0x0: {  	(pc) =	sbr.rel $0x88, $3  }
0x1: {  	(tag) =	ssettag $0x0;
	lr =	simm.s32 $0x1  }
0x2: {  	[smem:$0x3F7A] =	sst lr;
	_ =	strace $0xD0000000  }
0x3: {  	_ = 	snop  }
0x4: {  	_ = 	snop  }
0x5: {  	_ = 	snop  }
0x6: {  	_ = 	snop  }
0x7: {  	_ = 	snop  }
__scs_overlays_trampoline_lowered:
0x8: {  	[smem:$0x3F89] =	sst s0  }
0x9: {  	[smem:$0x3F8A] =	sst s1  }
0xa: {  	[smem:$0x3F8B] =	sst s2  }
0xb: {  	[smem:$0x3F8C] =	sst s3  }
0xc: {  	[smem:$0x3F8D] =	sst s4  }
0xd: {  	[smem:$0x3F8E] =	sst s5  }
0xe: {  	[smem:$0x3F8F] =	sst s6  }
0xf: {  	[smem:$0x3F90] =	sst s7  }
0x10: {  	[smem:$0x3F91] =	sst s8  }
0x11: {  	[smem:$0x3F92] =	sst s9;
	s0 =	simm.s32 @!p0 $0x0  }
0x12: {  	s1 =	sld [smem:$0x3F78];
	s0 =	simm.s32 @p0 $0x1  }
0x13: {  	[smem:$0x3F93] =	sst s0;
	s0 =	simm.s32 @!p1 $0x0  }
0x14: {  	s2 =	sld [smem:$0x3F77];
	s0 =	simm.s32 @p1 $0x1  }
0x15: {  	[smem:$0x3F94] =	sst s0;
	s0 =	simm.s32 @!p2 $0x0  }
0x16: {  	s3 =	sld [smem:$0x3FDB];
	s0 =	simm.s32 @p2 $0x1  }
0x17: {  	s4 =	simm.s32 $0x1BF5;
	[smem:$0x3F96] =	sst s0  }
0x18: {  	s0 =	sld [smem:$0x3F79];
	_ =	swait.ge [sflag:s4], $0x0  }
0x19: {  	s7 =	sld [smem:$0x3F7A]  }
0x1a: {  	s8 =	sadd.s32 $0xFFFFE003, lr  }
0x1b: {  	s9 =	sadd.s32 $0xFFFFFEF7, lr;
	s5 =	simm.s32 $0xFFFFFFFF;
	p2 =	slt.u32 s8, $0xFFFFF086  }
0x1c: {  	p1 =	slt.u32 s9, $0xF7A;
	s5 =	simm.s32 @!p2 $0x0  }
0x1d: {  	s5 =	simm.s32 @p1 $0x1;
	p0 =	seq.s32 s7, s2  }
0x1e: {  	s7 =	smul.u32 @!p0 $0xF7A, s2;
	p2 =	seq.s32 @!p0 s5, $0x0  }
0x1f: {  	s9 =	smul.u32 $0xF7A, s1;
	s8 =	simm.s32 @!p0 $0x1BF5;
	p2 =	por !p2, p0  }
0x20: {  	[sflag:s8] =	ssyncset.s32 @!p0 $0xFFFFF086;
	s6 =	sadd.s32 @!p0 s3, s7;
	s7 =	simm.s32 @!p0 $0x108  }
0x21: {  	s3 =	sadd.s32 s3, s9;
	s6 =	sadd.s32 @!p0 $0x88, s6;
	s7 =	simm.s32 @p2 $0x1082  }
0x22: {  	[simem:s7], [sflag:s8] =	dma.local @!p0 [hbm:s6], $0xF7A  }
0x23: {  	s9 =	sor.u32 $0xD0000000, s2;
	s6 =	simm.s32 $0x108;
	_ =	swait.ge @!p0 [sflag:s8], $0x0  }
0x24: {  	s3 =	sadd.s32 $0x88, s3;
	s6 =	simm.s32 @!p1 $0x1082;
	[sflag:s4] =	ssyncset.s32 $0xFFFFF086  }
0x25: {  	[simem:s6], [sflag:s4] =	dma.local [hbm:s3], $0xF7A  }
0x26: {  	[smem:$0x3F7A] =	sst s1;
	(tag) =	ssettag s2;
	_ =	strace s9  }
0x27: {  	s1 =	sld [smem:$0x3F8A]  }
0x28: {  	s2 =	sld [smem:$0x3F8B]  }
0x29: {  	s4 =	sld [smem:$0x3F8D]  }
0x2a: {  	p0 =	seq.s32 s5, $0x0;
	s5 =	sld [smem:$0x3F8E]  }
0x2b: {  	s6 =	sld [smem:$0x3F8F]  }
0x2c: {  	s7 =	sld [smem:$0x3F90]  }
0x2d: {  	s3 =	simm.s32 $0x108;
	s8 =	sld [smem:$0x3F91]  }
0x2e: {  	s3 =	simm.s32 @!p0 $0x1082;
	s9 =	sld [smem:$0x3F92]  }
0x2f: {  	lr =	sadd.s32 s0, s3;
	s0 =	sld [smem:$0x3F89]  }
0x30: {  	s3 =	sld [smem:$0x3F8C]  }
0x31: {  	[smem:$0x3F95] =	sst s10  }
0x32: {  	s10 =	sld [smem:$0x3F93];
	_ =	sdelay $0x3  }
0x33: {  	p0 =	seq.s32 s10, $0x1;
	s10 =	sld [smem:$0x3F95];
	_ =	sdelay $0x3  }
0x34: {  	[smem:$0x3F95] =	sst s10  }
0x35: {  	s10 =	sld [smem:$0x3F94];
	_ =	sdelay $0x3  }
0x36: {  	p1 =	seq.s32 s10, $0x1;
	s10 =	sld [smem:$0x3F95];
	_ =	sdelay $0x3  }
0x37: {  	[smem:$0x3F95] =	sst s10  }
0x38: {  	s10 =	sld [smem:$0x3F96]  }
0x39: {  	_ = 	snop;
	(pc) =	sbr.ind lr, $3  }
0x3a: {  	_ = 	snop  }
0x3b: {  	_ = 	snop  }
0x3c: {  	p2 =	seq.s32 s10, $0x1;
	s10 =	sld [smem:$0x3F95]  }
0x3d: {  	_ =	shalt  }
0x3e: {  	_ =	shalt  }
0x3f: {  	_ =	shalt  }
0x40: {  	_ =	shalt  }
0x41: {  	_ =	shalt  }
0x42: {  	_ =	shalt  }
0x43: {  	_ =	shalt  }
0x44: {  	_ =	shalt  }
0x45: {  	_ =	shalt  }
0x46: {  	_ =	shalt  }
0x47: {  	_ =	shalt  }
0x48: {  	_ =	shalt  }
0x49: {  	_ =	shalt  }
0x4a: {  	_ =	shalt  }
0x4b: {  	_ =	shalt  }
0x4c: {  	_ =	shalt  }
0x4d: {  	_ =	shalt  }
0x4e: {  	_ =	shalt  }
0x4f: {  	_ =	shalt  }
0x50: {  	_ =	shalt  }
0x51: {  	_ =	shalt  }
0x52: {  	_ =	shalt  }
0x53: {  	_ =	shalt  }
0x54: {  	_ =	shalt  }
0x55: {  	_ =	shalt  }
0x56: {  	_ =	shalt  }
0x57: {  	_ =	shalt  }
0x58: {  	_ =	shalt  }
0x59: {  	_ =	shalt  }
0x5a: {  	_ =	shalt  }
0x5b: {  	_ =	shalt  }
0x5c: {  	_ =	shalt  }
0x5d: {  	_ =	shalt  }
0x5e: {  	_ =	shalt  }
0x5f: {  	_ =	shalt  }
0x60: {  	_ =	shalt  }
0x61: {  	_ =	shalt  }
0x62: {  	_ =	shalt  }
0x63: {  	_ =	shalt  }
0x64: {  	_ =	shalt  }
0x65: {  	_ =	shalt  }
0x66: {  	_ =	shalt  }
0x67: {  	_ =	shalt  }
0x68: {  	_ =	shalt  }
0x69: {  	_ =	shalt  }
0x6a: {  	_ =	shalt  }
0x6b: {  	_ =	shalt  }
0x6c: {  	_ =	shalt  }
0x6d: {  	_ =	shalt  }
0x6e: {  	_ =	shalt  }
0x6f: {  	_ =	shalt  }
0x70: {  	_ =	shalt  }
0x71: {  	_ =	shalt  }
0x72: {  	_ =	shalt  }
0x73: {  	_ =	shalt  }
0x74: {  	_ =	shalt  }
0x75: {  	_ =	shalt  }
0x76: {  	_ =	shalt  }
0x77: {  	_ =	shalt  }
0x78: {  	_ =	shalt  }
0x79: {  	_ =	shalt  }
0x7a: {  	_ =	shalt  }
0x7b: {  	_ =	shalt  }
0x7c: {  	_ =	shalt  }
0x7d: {  	_ =	shalt  }
0x7e: {  	_ =	shalt  }
0x7f: {  	_ =	shalt  }
0x80: {  	_ =	shalt  }
0x81: {  	_ =	shalt  }
0x82: {  	_ =	shalt  }
0x83: {  	_ =	shalt  }
0x84: {  	_ =	shalt  }
0x85: {  	_ =	shalt  }
0x86: {  	_ =	shalt  }
0x87: {  	_ =	shalt  }
.Lfunc_end0:
.L_simem_size_0:
called_computation.1_lowered:
.L_overlay_start_0:
0x88: {  	s2 =	sld [smem:$0x3FD9]  }
0x89: {  	s3 =	sld [smem:$0x3FFE];
	_ =	sdelay $0x1  }
0x8a: {  	s1 =	srdreg.scid  }
0x8b: {  	s0 =	sand.u32 $0x1, s1  }
0x8c: {  	s17 =	sshll.u32 s0, $0xA;
	s2 =	sadd.s32 s3, s2  }
0x8d: {  	s2 =	sadd.s32 s2, s17  }
0x8e: {  	[smem:$0x3FA1] =	sst s2  }
0x8f: {  	_ = 	snop  }
0x90: {  	(tm) =	ssettm $0x1  }
0x91: {  	s18 =	sld [smem:$0x3FFB];
	_ =	sdelay $0x3  }
0x92: {  	_ =	strace s18  }
0x93: {  	s2 =	sld [smem:$0x3FFC];
	_ =	sdelay $0x3  }
0x94: {  	_ =	strace s2  }
0x95: {  	s2 =	sld [smem:$0x3FFD];
	_ =	sdelay $0x3  }
0x96: {  	_ =	strace s2  }
0x97: {  	_ =	strace $0x8FFFFFFF  }
0x98: {  	s19 =	sld [smem:$0x3FDB];
	_ =	sdelay $0x1  }
0x99: {  	s20 =	simm.s32 $_scs_section_size  }
0x9a: {  	s4 =	simm.s32 $_size__tile_overlayer_lowered;
	s5 =	simm.s32 $_tile_overlayer_lowered  }
0x9b: {  	s6 =	simm.s32 $0x1BFF;
	s21 =	sshll.u32 s5, $0x1;
	s3 =	sadd.s32 s20, s19  }
0x9c: {  	s22 =	simm.s32 $0x0;
	s4 =	sshll.u32 s4, $0x1;
	s5 =	sadd.s32 s21, s3  }
0x9d: {  	[timem:s22], [sflag:s6] =	dma.local [hbm:s5], s4  }
0x9e: {  	_ =	swait.ge [sflag:s6], s4  }
0x9f: {  	s4 =	ssub.s32 $0x0, s4;
	[sflag:s6] =	ssyncset.done $0x0  }
0xa0: {  	[sflag:s6] =	ssyncadd.s32 s4;
	_ =	sdelay $0x1  }
0xa1: {  	s23 =	simm.s32 $0x1B8B  }
0xa2: {  	_ =	swait.ge [sflag:s23], $0x1  }
0xa3: {  	[sflag:s23] =	ssyncset.done $0x0  }
0xa4: {  	[sflag:s23] =	ssyncadd.s32 $0xFFFFFFFF  }
0xa5: {  	s4 =	sld [smem:$0x0]  }
0xa6: {  	s5 =	sand.u32 $0xFFFFFFFE, s1  }
0xa7: {  	p0 =	sne.s32 s1, s5  }
0xa8: {  	s5 =	sshll.u32 @p0 s5, $0xE  }
0xa9: {  	s5 =	sadd.s32 @p0 $0x11B8D, s5;
	s6 =	sshll.u32 @p0 s4, $0x11  }
0xaa: {  	s5 =	sor.u32 @p0 s6, s5  }
0xab: {  	[sflag:s5] =	ssyncadd.remote.s32 @p0 $0x1;
	_ =	sdelay $0x1  }
0xac: {  	s5 =	simm.s32 @p0 $0x1B8D  }
0xad: {  	_ =	swait.eq @p0 [sflag:s5], $0x1  }
0xae: {  	[sflag:s5] =	ssyncadd.s32 @p0 $0xFFFFFFFF  }
0xaf: {  	s6 =	sshll.u32 @!p0 s1, $0xE  }
0xb0: {  	s6 =	sor.u32 @!p0 $0x4000, s6;
	s5 =	simm.s32 @!p0 $0x1B8D  }
0xb1: {  	s4 =	sshll.u32 @!p0 s4, $0x11;
	s6 =	sadd.s32 @!p0 $0x11B8D, s6;
	_ =	swait.eq @!p0 [sflag:s5], $0x1  }
0xb2: {  	s4 =	sor.u32 @!p0 s4, s6;
	[sflag:s5] =	ssyncadd.s32 @!p0 $0xFFFFFFFF  }
0xb3: {  	s25 =	simm.s32 $0x1B8E;
	s24 =	sld [smem:$0x3FFE];
	[sflag:s4] =	ssyncadd.remote.s32 @!p0 $0x1  }
0xb4: {  	s26 =	simm.s32 $execute0_lowered;
	[smem:$0x3FD2] =	sst s25  }
0xb5: {  	s5 =	sshll.u32 s26, $0x1;
	_ =	strace $0x80000049;
	[dreg:$0x1] =	wrdreg $0xFFFFFFFF  }
0xb6: {  	s28 =	simm.s32 $_size_execute0_lowered;
	s3 =	sadd.s32 s3, s5;
	[dreg:$0x0] =	wrdreg $0x0  }
0xb7: {  	s5 =	sshll.u32 s28, $0x1;
	[dreg:$0x2] =	wrdreg s3  }
0xb8: {  	[dreg:$0x3] =	wrdreg s5  }
0xb9: {  	[dreg:$0x4] =	wrdreg $0xC0  }
0xba: {  	_ =	task [dreg:s22], $0x5FFFF  }
0xbb: {  	[dreg:$0x1] =	wrdreg $0xFFFFFFFF  }
0xbc: {  	[dreg:$0x0] =	wrdreg $0x60  }
0xbd: {  	[dreg:$0x2] =	wrdreg s24  }
0xbe: {  	[dreg:$0x3] =	wrdreg $0x99200  }
0xbf: {  	[dreg:$0x4] =	wrdreg $0xA  }
0xc0: {  	_ =	task.clear_ibuf [dreg:s22], $0x5FFFF;
	_ =	strace $0x90000049  }
0xc1: {  	s29 =	simm.s32 $0xA;
	_ =	strace $0x8000004B  }
0xc2: {  	_ =	swait.ge [sflag:s29], $0x1  }
0xc3: {  	[sflag:s29] =	ssyncadd.s32 $0xFFFFFFFF  }
0xc4: {  	_ =	strace $0x9000004B  }
0xc5: {  	_ =	sfence  }
0xc6: {  	s30 =	sld [smem:$0x0];
	_ =	sdelay $0x2  }
0xc7: {  	s31 =	sshll.u32 s1, $0xD;
	s1 =	sshrl.u32 s1, $0x2  }
0xc8: {  	s4 =	sand.u32 $0x4000, s31;
	s1 =	sadd.s32 s1, s30  }
0xc9: {  	s0 =	sor.u32 s4, s0;
	s1 =	sshll.u32 s1, $0x11  }
0xca: {  	s0 =	sor.u32 s1, s0  }
0xcb: {  	s0 =	sadd.s32 $0x8F2B, s0  }
0xcc: {  	[sflag:s0] =	ssyncadd.remote.s32 $0x1  }
0xcd: {  	_ =	sfence.sel $0xFFFF  }
0xce: {  	[dreg:$0x0] =	wrdreg $0xFFFFFFFF;
	(pc) =	sbr.abs _section_cstart, $3  }
0xcf: {  	[dreg:$0x1] =	wrdreg $0xFFFFFFFF  }
0xd0: {  	_ =	task.clear_ibuf [dreg:s22], $0x2FFFF;
	_ =	strace $0x9FFFFFFF  }
0xd1: {  	(tm) =	ssettm $0x7FFFFFFF  }
tec
execute0_lowered:
.L_overlay_start_1:
0x0: {  	(tag) =	ssettag $0x1  }
0x1: {  	s0 =	srdreg.scid;
	s5 =	rddreg [dreg:$0x0]  }
0x2: {  	s2 =	rddreg [dreg:$0x1];
	s6 =	sand.u32 $0x1, s0  }
0x3: {  	s0 =	stileid.u32;
	s4 =	smul.u32 $0x27100, s6  }
0x4: {  	s1 =	rddreg [dreg:$0x2];
	s3 =	simm.s32 $0x0;
	s7 =	smul.u32 $0x2710, s0  }
0x5: {  	s13 =	simm.s32 $0x190;
	s14 =	simm.s32 $0x320;
	s8 =	smul.u32 $0xF000, s0  }
0x6: {  	s15 =	simm.s32 $0x1;
	s16 =	simm.s32 $0x0;
	s26 =	smul.u32 $0x1E00, s0  }
0x7: {  	[smem:$0x7FF] =	sst s3;
	s10 =	smul.u32 $0x1E000, s6;
	s6 =	ssub.s32 $0x2, s6  }
0x8: {  	_ =	strace $0x8000004A;
	s31 =	sshll.u32 s0, $0x6;
	s29 =	sshrl.u32 s6, $0x1  }
0x9: {  	s4 =	sadd.s32 s7, s4;
	s28 =	sshrl.u32 s8, $0x3;
	s7 =	sadd.s32 s26, s10  }
0xa: {  	s30 =	ssub.s32 s6, s29;
	s12 =	sadd.s32 s8, s2;
	s6 =	sor.u32 $0x1C02, s31  }
0xb: {  	s9 =	sshrl.u32 s4, $0x3;
	s4 =	sadd.s32 $0x8DC00, s5;
	s7 =	sadd.s32 s7, s5  }
0xc: {  	s8 =	smax.u32 s30, $0x1;
	s11 =	sadd.s32 s9, s5;
	s9 =	sadd.s32 s28, s5  }
0xd: {  	s7 =	sadd.s32 $0xC9C00, s7;
	s5 =	sadd.s32 $0xABC00, s9;
	s9 =	sadd.s32 $0x6C00, s11  }
0xe: {  	s10 =	sadd.s32 $0x10A00, s11;
	s11 =	sshrl.u32 s12, $0x3;
	s12 =	simm.s32 $0x2  }
.LBB2_1:
0xf: {  	[spmem:s11], [sflag:s6] =	dma.local [hbm:s5], $0x1E00  }
0x10: {  	_ =	swait.ge [sflag:s12], $0x1E00  }
0x11: {  	[sflag:s12] =	ssyncset.done $0x0  }
0x12: {  	[sflag:s12] =	ssyncadd.s32 $0xFFFFE200  }
0x13: {  	s17 =	sadd.s32 $0x0, s10;
	[bflag:$0x0] =	sbarrier.arrive $0xFFFF  }
0x14: {  	[tilespmem:s3], [sflag:$0x2] =	stream.linear.gather [hbm4b:s17+s3], $0x190, $0x38;
	[tilespmem:$0x18920] =	vst v63  }
0x15: {  	_ =	swait.ge [sflag:s12], $0x190  }
0x16: {  	[sflag:s12] =	ssyncset.done $0x0  }
0x17: {  	s31 =	sadd.s32 $0x0, s9;
	[sflag:s12] =	ssyncadd.s32 $0xFFFFFE70  }
0x18: {  	[tilespmem:s13], [sflag:$0x2] =	stream.linear.gather [hbm4b:s31+s3], $0x190, $0x38;
	[tilespmem:$0x18920] =	vst v63  }
0x19: {  	_ =	swait.ge [sflag:s12], $0x190  }
0x1a: {  	[sflag:s12] =	ssyncset.done $0x0  }
0x1b: {  	[sflag:s12] =	ssyncadd.s32 $0xFFFFFE70  }
0x1c: {  	[tilespmem:s14], [sflag:$0x1] =	stream.indirect.gather [hbm4b:s4+s13], $0x60, s3, s13, $0xb8;
	[tilespmem:$0x18920] =	vst v63  }
0x1d: {  	_ =	swait.ge [sflag:s15], $0x9600  }
0x1e: {  	[sflag:s15] =	ssyncset.done $0x0  }
0x1f: {  	[sflag:s15] =	ssyncadd.s32 $0xFFFF6A00  }
0x20: {  	[spmem:s2] =	stream.indirect.scatter.add.f32 [tilespmem:s14], [sflag:$0x2], $0x60, s13, s13, $0xb8;
	[tilespmem:$0x18920] =	vst v63  }
0x21: {  	_ =	swait.ge [sflag:s12], $0x9600  }
0x22: {  	s18 =	simm.s32 $0x64;
	s17 =	simm.s32 $0x32;
	[sflag:s12] =	ssyncset.done $0x0  }
.LBB2_2:
0x23: {  	s19 =	sadd.s32 s17, s10  }
0x24: {  	[sflag:s12] =	ssyncadd.s32 $0xFFFF6A00;
	s20 =	smov.u32 s18;
	s21 =	sadd.s32 $0x32, s18  }
0x25: {  	[tilespmem:s3], [sflag:$0x2] =	stream.linear.gather [hbm4b:s19+s3], $0x190, $0x38;
	[tilespmem:$0x18920] =	vst v63  }
0x26: {  	p0 =	sne.s32 s18, $0x4B0;
	_ =	swait.ge [sflag:s12], $0x190  }
0x27: {  	[sflag:s12] =	ssyncset.done $0x0  }
0x28: {  	s18 =	sadd.s32 s17, s9;
	s17 =	smov.u32 s20;
	[sflag:s12] =	ssyncadd.s32 $0xFFFFFE70  }
0x29: {  	[tilespmem:s13], [sflag:$0x2] =	stream.linear.gather [hbm4b:s18+s3], $0x190, $0x38;
	[tilespmem:$0x18920] =	vst v63  }
0x2a: {  	_ =	swait.ge [sflag:s12], $0x190  }
0x2b: {  	[sflag:s12] =	ssyncset.done $0x0  }
0x2c: {  	[sflag:s12] =	ssyncadd.s32 $0xFFFFFE70  }
0x2d: {  	[tilespmem:s14], [sflag:$0x1] =	stream.indirect.gather [hbm4b:s4+s13], $0x60, s3, s13, $0xb8;
	[tilespmem:$0x18920] =	vst v63  }
0x2e: {  	_ =	swait.ge [sflag:s15], $0x9600  }
.Ltmp0:
0x2f: {  	[sflag:s15] =	ssyncset.done $0x0;
	(pc) =	sbr.rel @p0 .LBB2_2-.Ltmp0, $4  }
0x30: {  	[sflag:s15] =	ssyncadd.s32 $0xFFFF6A00  }
0x31: {  	[spmem:s2] =	stream.indirect.scatter.add.f32 [tilespmem:s14], [sflag:$0x2], $0x60, s13, s13, $0xb8;
	[tilespmem:$0x18920] =	vst v63  }
0x32: {  	_ =	swait.ge [sflag:s12], $0x9600  }
0x33: {  	s18 =	smov.u32 s21;
	[sflag:s12] =	ssyncset.done $0x0  }
0x34: {  	s18 =	sadd.s32 s17, s10;
	[sflag:s12] =	ssyncadd.s32 $0xFFFF6A00  }
0x35: {  	[tilespmem:s3], [sflag:$0x2] =	stream.linear.gather [hbm4b:s18+s3], $0x190, $0x38;
	[tilespmem:$0x18920] =	vst v63  }
0x36: {  	_ =	swait.ge [sflag:s12], $0x190  }
0x37: {  	[sflag:s12] =	ssyncset.done $0x0  }
0x38: {  	s31 =	sadd.s32 s17, s9;
	[sflag:s12] =	ssyncadd.s32 $0xFFFFFE70  }
0x39: {  	[tilespmem:s13], [sflag:$0x2] =	stream.linear.gather [hbm4b:s31+s3], $0x190, $0x38;
	[tilespmem:$0x18920] =	vst v63  }
0x3a: {  	_ =	swait.ge [sflag:s12], $0x190  }
0x3b: {  	[sflag:s12] =	ssyncset.done $0x0  }
0x3c: {  	[sflag:s12] =	ssyncadd.s32 $0xFFFFFE70  }
0x3d: {  	[tilespmem:s14], [sflag:$0x1] =	stream.indirect.gather [hbm4b:s4+s13], $0x60, s3, s13, $0xb8;
	[tilespmem:$0x18920] =	vst v63  }
0x3e: {  	_ =	swait.ge [sflag:s15], $0x9600  }
0x3f: {  	[sflag:s15] =	ssyncset.done $0x0  }
0x40: {  	[sflag:s15] =	ssyncadd.s32 $0xFFFF6A00  }
0x41: {  	[spmem:s2] =	stream.indirect.scatter.add.f32 [tilespmem:s14], [sflag:$0x2], $0x60, s13, s13, $0xb8;
	[tilespmem:$0x18920] =	vst v63  }
0x42: {  	_ =	swait.ge [sflag:s12], $0x9600  }
0x43: {  	s16 =	sadd.s32 $0x1, s16;
	[sflag:s12] =	ssyncset.done $0x0  }
0x44: {  	p0 =	sne.s32 s16, s8;
	[sflag:s12] =	ssyncadd.s32 $0xFFFF6A00  }
.Ltmp1:
0x45: {  	[bflag:$0x0] =	sbarrier.arrive $0xFFFF;
	(pc) =	sbr.rel @p0 .LBB2_1-.Ltmp1, $4  }
0x46: {  	[hbm:s7], [sflag:s6] =	dma.local [spmem:s11], $0x1E00  }
0x47: {  	_ =	swait.ge [sflag:s12], $0x1E00  }
0x48: {  	[sflag:s12] =	ssyncset.done $0x0  }
0x49: {  	[sflag:s12] =	ssyncadd.s32 $0xFFFFE200  }
0x4a: {  	_ =	sfence.sel $0x180000  }
0x4b: {  	[bflag:$0x0] =	sbarrier.arrive $0xFFFF  }
0x4c: {  	p0 =	sne.s32 s0, $0x0;
	_ =	strace $0x9000004A  }
0x4d: {  	s0 =	sadd.s32 @!p0 $0x100000, s1;
	[bflag:$0x2] =	sbarrier.arrive $0xFFFF  }
0x4e: {  	[sflag:s0] =	ssyncadd.tile.s32 @!p0 $0x1;
	_ =	shalt  }
.Lfunc_end2:
_tile_overlayer_lowered:
.L_overlay_start_2:
0x4f: {  	(tag) =	ssettag $0x2  }
0x50: {  	s0 =	rddreg [dreg:$0x0];
	s2 =	stileid.u32  }
0x51: {  	s1 =	rddreg [dreg:$0x1];
	p0 =	sne.s32 s2, $0x0  }
0x52: {  	s3 =	rddreg [dreg:$0x2];
	[bflag:$0x3] =	sbarrier.arrive $0xFFFF;
	s2 =	simm.s32 @!p0 $0x1C02  }
0x53: {  	[timem:s3], [sflag:s2] =	dma.local @!p0 [hbm:s0], s1  }
0x54: {  	s0 =	simm.s32 @!p0 $0x2  }
0x55: {  	_ =	swait.ge @!p0 [sflag:s0], s1  }
0x56: {  	s1 =	ssub.s32 @!p0 $0x0, s1;
	[sflag:s0] =	ssyncset.done @!p0 $0x0  }
0x57: {  	[sflag:s0] =	ssyncadd.s32 @!p0 s1  }
0x58: {  	[bflag:$0x3] =	sbarrier.arrive $0xFFFF  }
0x59: {  	_ =	shalt  }

// kernel: kernel.22.cloned.1.call-start
scs
__scs_entry_jumppad:
0x0: {  	(pc) =	sbr.rel $0x88, $3  }
0x1: {  	(tag) =	ssettag $0x0;
	lr =	simm.s32 $0x1  }
0x2: {  	[smem:$0x3F7A] =	sst lr;
	_ =	strace $0xD0000000  }
0x3: {  	_ = 	snop  }
0x4: {  	_ = 	snop  }
0x5: {  	_ = 	snop  }
0x6: {  	_ = 	snop  }
0x7: {  	_ = 	snop  }
__scs_overlays_trampoline_lowered:
0x8: {  	[smem:$0x3F89] =	sst s0  }
0x9: {  	[smem:$0x3F8A] =	sst s1  }
0xa: {  	[smem:$0x3F8B] =	sst s2  }
0xb: {  	[smem:$0x3F8C] =	sst s3  }
0xc: {  	[smem:$0x3F8D] =	sst s4  }
0xd: {  	[smem:$0x3F8E] =	sst s5  }
0xe: {  	[smem:$0x3F8F] =	sst s6  }
0xf: {  	[smem:$0x3F90] =	sst s7  }
0x10: {  	[smem:$0x3F91] =	sst s8  }
0x11: {  	[smem:$0x3F92] =	sst s9;
	s0 =	simm.s32 @!p0 $0x0  }
0x12: {  	s1 =	sld [smem:$0x3F78];
	s0 =	simm.s32 @p0 $0x1  }
0x13: {  	[smem:$0x3F93] =	sst s0;
	s0 =	simm.s32 @!p1 $0x0  }
0x14: {  	s2 =	sld [smem:$0x3F77];
	s0 =	simm.s32 @p1 $0x1  }
0x15: {  	[smem:$0x3F94] =	sst s0;
	s0 =	simm.s32 @!p2 $0x0  }
0x16: {  	s3 =	sld [smem:$0x3FDB];
	s0 =	simm.s32 @p2 $0x1  }
0x17: {  	s4 =	simm.s32 $0x1BF5;
	[smem:$0x3F96] =	sst s0  }
0x18: {  	s0 =	sld [smem:$0x3F79];
	_ =	swait.ge [sflag:s4], $0x0  }
0x19: {  	s7 =	sld [smem:$0x3F7A]  }
0x1a: {  	s8 =	sadd.s32 $0xFFFFE003, lr  }
0x1b: {  	s9 =	sadd.s32 $0xFFFFFEF7, lr;
	s5 =	simm.s32 $0xFFFFFFFF;
	p2 =	slt.u32 s8, $0xFFFFF086  }
0x1c: {  	p1 =	slt.u32 s9, $0xF7A;
	s5 =	simm.s32 @!p2 $0x0  }
0x1d: {  	s5 =	simm.s32 @p1 $0x1;
	p0 =	seq.s32 s7, s2  }
0x1e: {  	s7 =	smul.u32 @!p0 $0xF7A, s2;
	p2 =	seq.s32 @!p0 s5, $0x0  }
0x1f: {  	s9 =	smul.u32 $0xF7A, s1;
	s8 =	simm.s32 @!p0 $0x1BF5;
	p2 =	por !p2, p0  }
0x20: {  	[sflag:s8] =	ssyncset.s32 @!p0 $0xFFFFF086;
	s6 =	sadd.s32 @!p0 s3, s7;
	s7 =	simm.s32 @!p0 $0x108  }
0x21: {  	s3 =	sadd.s32 s3, s9;
	s6 =	sadd.s32 @!p0 $0x88, s6;
	s7 =	simm.s32 @p2 $0x1082  }
0x22: {  	[simem:s7], [sflag:s8] =	dma.local @!p0 [hbm:s6], $0xF7A  }
0x23: {  	s9 =	sor.u32 $0xD0000000, s2;
	s6 =	simm.s32 $0x108;
	_ =	swait.ge @!p0 [sflag:s8], $0x0  }
0x24: {  	s3 =	sadd.s32 $0x88, s3;
	s6 =	simm.s32 @!p1 $0x1082;
	[sflag:s4] =	ssyncset.s32 $0xFFFFF086  }
0x25: {  	[simem:s6], [sflag:s4] =	dma.local [hbm:s3], $0xF7A  }
0x26: {  	[smem:$0x3F7A] =	sst s1;
	(tag) =	ssettag s2;
	_ =	strace s9  }
0x27: {  	s1 =	sld [smem:$0x3F8A]  }
0x28: {  	s2 =	sld [smem:$0x3F8B]  }
0x29: {  	s4 =	sld [smem:$0x3F8D]  }
0x2a: {  	p0 =	seq.s32 s5, $0x0;
	s5 =	sld [smem:$0x3F8E]  }
0x2b: {  	s6 =	sld [smem:$0x3F8F]  }
0x2c: {  	s7 =	sld [smem:$0x3F90]  }
0x2d: {  	s3 =	simm.s32 $0x108;
	s8 =	sld [smem:$0x3F91]  }
0x2e: {  	s3 =	simm.s32 @!p0 $0x1082;
	s9 =	sld [smem:$0x3F92]  }
0x2f: {  	lr =	sadd.s32 s0, s3;
	s0 =	sld [smem:$0x3F89]  }
0x30: {  	s3 =	sld [smem:$0x3F8C]  }
0x31: {  	[smem:$0x3F95] =	sst s10  }
0x32: {  	s10 =	sld [smem:$0x3F93];
	_ =	sdelay $0x3  }
0x33: {  	p0 =	seq.s32 s10, $0x1;
	s10 =	sld [smem:$0x3F95];
	_ =	sdelay $0x3  }
0x34: {  	[smem:$0x3F95] =	sst s10  }
0x35: {  	s10 =	sld [smem:$0x3F94];
	_ =	sdelay $0x3  }
0x36: {  	p1 =	seq.s32 s10, $0x1;
	s10 =	sld [smem:$0x3F95];
	_ =	sdelay $0x3  }
0x37: {  	[smem:$0x3F95] =	sst s10  }
0x38: {  	s10 =	sld [smem:$0x3F96]  }
0x39: {  	_ = 	snop;
	(pc) =	sbr.ind lr, $3  }
0x3a: {  	_ = 	snop  }
0x3b: {  	_ = 	snop  }
0x3c: {  	p2 =	seq.s32 s10, $0x1;
	s10 =	sld [smem:$0x3F95]  }
0x3d: {  	_ =	shalt  }
0x3e: {  	_ =	shalt  }
0x3f: {  	_ =	shalt  }
0x40: {  	_ =	shalt  }
0x41: {  	_ =	shalt  }
0x42: {  	_ =	shalt  }
0x43: {  	_ =	shalt  }
0x44: {  	_ =	shalt  }
0x45: {  	_ =	shalt  }
0x46: {  	_ =	shalt  }
0x47: {  	_ =	shalt  }
0x48: {  	_ =	shalt  }
0x49: {  	_ =	shalt  }
0x4a: {  	_ =	shalt  }
0x4b: {  	_ =	shalt  }
0x4c: {  	_ =	shalt  }
0x4d: {  	_ =	shalt  }
0x4e: {  	_ =	shalt  }
0x4f: {  	_ =	shalt  }
0x50: {  	_ =	shalt  }
0x51: {  	_ =	shalt  }
0x52: {  	_ =	shalt  }
0x53: {  	_ =	shalt  }
0x54: {  	_ =	shalt  }
0x55: {  	_ =	shalt  }
0x56: {  	_ =	shalt  }
0x57: {  	_ =	shalt  }
0x58: {  	_ =	shalt  }
0x59: {  	_ =	shalt  }
0x5a: {  	_ =	shalt  }
0x5b: {  	_ =	shalt  }
0x5c: {  	_ =	shalt  }
0x5d: {  	_ =	shalt  }
0x5e: {  	_ =	shalt  }
0x5f: {  	_ =	shalt  }
0x60: {  	_ =	shalt  }
0x61: {  	_ =	shalt  }
0x62: {  	_ =	shalt  }
0x63: {  	_ =	shalt  }
0x64: {  	_ =	shalt  }
0x65: {  	_ =	shalt  }
0x66: {  	_ =	shalt  }
0x67: {  	_ =	shalt  }
0x68: {  	_ =	shalt  }
0x69: {  	_ =	shalt  }
0x6a: {  	_ =	shalt  }
0x6b: {  	_ =	shalt  }
0x6c: {  	_ =	shalt  }
0x6d: {  	_ =	shalt  }
0x6e: {  	_ =	shalt  }
0x6f: {  	_ =	shalt  }
0x70: {  	_ =	shalt  }
0x71: {  	_ =	shalt  }
0x72: {  	_ =	shalt  }
0x73: {  	_ =	shalt  }
0x74: {  	_ =	shalt  }
0x75: {  	_ =	shalt  }
0x76: {  	_ =	shalt  }
0x77: {  	_ =	shalt  }
0x78: {  	_ =	shalt  }
0x79: {  	_ =	shalt  }
0x7a: {  	_ =	shalt  }
0x7b: {  	_ =	shalt  }
0x7c: {  	_ =	shalt  }
0x7d: {  	_ =	shalt  }
0x7e: {  	_ =	shalt  }
0x7f: {  	_ =	shalt  }
0x80: {  	_ =	shalt  }
0x81: {  	_ =	shalt  }
0x82: {  	_ =	shalt  }
0x83: {  	_ =	shalt  }
0x84: {  	_ =	shalt  }
0x85: {  	_ =	shalt  }
0x86: {  	_ =	shalt  }
0x87: {  	_ =	shalt  }
.Lfunc_end0:
.L_simem_size_0:
called_computation.2_lowered:
.L_overlay_start_0:
0x88: {  	s2 =	sld [smem:$0x3FD9]  }
0x89: {  	s3 =	sld [smem:$0x3FFE];
	_ =	sdelay $0x1  }
0x8a: {  	s1 =	srdreg.scid  }
0x8b: {  	s0 =	sand.u32 $0x1, s1  }
0x8c: {  	s16 =	sshll.u32 s0, $0xA;
	s2 =	sadd.s32 s3, s2  }
0x8d: {  	s2 =	sadd.s32 s2, s16  }
0x8e: {  	[smem:$0x3FA1] =	sst s2  }
0x8f: {  	_ = 	snop  }
0x90: {  	(tm) =	ssettm $0x1  }
0x91: {  	s17 =	sld [smem:$0x3FFB];
	_ =	sdelay $0x3  }
0x92: {  	_ =	strace s17  }
0x93: {  	s2 =	sld [smem:$0x3FFC];
	_ =	sdelay $0x3  }
0x94: {  	_ =	strace s2  }
0x95: {  	s2 =	sld [smem:$0x3FFD];
	_ =	sdelay $0x3  }
0x96: {  	_ =	strace s2  }
0x97: {  	_ =	strace $0x8FFFFFFF  }
0x98: {  	s18 =	sld [smem:$0x3FDB];
	_ =	sdelay $0x1  }
0x99: {  	s19 =	simm.s32 $_scs_section_size  }
0x9a: {  	s4 =	simm.s32 $_size__tile_overlayer_lowered;
	s5 =	simm.s32 $_tile_overlayer_lowered  }
0x9b: {  	s22 =	simm.s32 $0x1BFF;
	s21 =	sshll.u32 s5, $0x1;
	s2 =	sadd.s32 s19, s18  }
0x9c: {  	s6 =	simm.s32 $0x0;
	s20 =	sshll.u32 s4, $0x1;
	s4 =	sadd.s32 s21, s2  }
0x9d: {  	[timem:s6], [sflag:s22] =	dma.local [hbm:s4], s20  }
0x9e: {  	_ =	swait.ge [sflag:s22], s20  }
0x9f: {  	s3 =	ssub.s32 $0x0, s20;
	[sflag:s22] =	ssyncset.done $0x0  }
0xa0: {  	[sflag:s22] =	ssyncadd.s32 s3;
	_ =	sdelay $0x1  }
0xa1: {  	s23 =	simm.s32 $0x1B8B  }
0xa2: {  	_ =	swait.ge [sflag:s23], $0x1  }
0xa3: {  	[sflag:s23] =	ssyncset.done $0x0  }
0xa4: {  	s25 =	simm.s32 $0x1B8E;
	s24 =	sld [smem:$0x3FFE];
	[sflag:s23] =	ssyncadd.s32 $0xFFFFFFFF  }
0xa5: {  	s26 =	simm.s32 $execute0_lowered;
	[smem:$0x3FD2] =	sst s25  }
0xa6: {  	s4 =	sshll.u32 s26, $0x1;
	_ =	strace $0x8000004C;
	[dreg:$0x1] =	wrdreg $0xFFFFFFFF  }
0xa7: {  	s28 =	simm.s32 $_size_execute0_lowered;
	s2 =	sadd.s32 s2, s4;
	[dreg:$0x0] =	wrdreg $0x0  }
0xa8: {  	s4 =	sshll.u32 s28, $0x1;
	[dreg:$0x2] =	wrdreg s2  }
0xa9: {  	[dreg:$0x3] =	wrdreg s4  }
0xaa: {  	[dreg:$0x4] =	wrdreg $0xC0  }
0xab: {  	_ =	task [dreg:s6], $0x5FFFF  }
0xac: {  	[dreg:$0x1] =	wrdreg $0xFFFFFFFF  }
0xad: {  	[dreg:$0x0] =	wrdreg $0x60  }
0xae: {  	[dreg:$0x2] =	wrdreg s24  }
0xaf: {  	[dreg:$0x3] =	wrdreg $0x67200  }
0xb0: {  	[dreg:$0x4] =	wrdreg $0x9  }
0xb1: {  	_ =	task.clear_ibuf [dreg:s6], $0x5FFFF;
	_ =	strace $0x9000004C  }
0xb2: {  	s29 =	simm.s32 $0x9;
	_ =	strace $0x8000004E  }
0xb3: {  	_ =	swait.ge [sflag:s29], $0x1  }
0xb4: {  	[sflag:s29] =	ssyncadd.s32 $0xFFFFFFFF  }
0xb5: {  	_ =	strace $0x9000004E  }
0xb6: {  	_ =	sfence  }
0xb7: {  	s30 =	sld [smem:$0x0];
	_ =	sdelay $0x2  }
0xb8: {  	s31 =	sshll.u32 s1, $0xD;
	s1 =	sshrl.u32 s1, $0x2  }
0xb9: {  	s3 =	sand.u32 $0x4000, s31;
	s1 =	sadd.s32 s1, s30  }
0xba: {  	s0 =	sor.u32 s3, s0;
	s1 =	sshll.u32 s1, $0x11  }
0xbb: {  	s0 =	sor.u32 s1, s0  }
0xbc: {  	s0 =	sadd.s32 $0x8F2B, s0  }
0xbd: {  	[sflag:s0] =	ssyncadd.remote.s32 $0x1  }
0xbe: {  	_ =	sfence.sel $0xFFFF  }
0xbf: {  	[dreg:$0x0] =	wrdreg $0xFFFFFFFF;
	(pc) =	sbr.abs _section_cstart, $3  }
0xc0: {  	[dreg:$0x1] =	wrdreg $0xFFFFFFFF  }
0xc1: {  	_ =	task.clear_ibuf [dreg:s6], $0x2FFFF;
	_ =	strace $0x9FFFFFFF  }
0xc2: {  	(tm) =	ssettm $0x7FFFFFFF  }
0xc3: {  	_ =	shalt  }
tec
execute0_lowered:
.L_overlay_start_1:
0x0: {  	(tag) =	ssettag $0x1  }
0x1: {  	s0 =	srdreg.scid;
	s5 =	rddreg [dreg:$0x0]  }
0x2: {  	s2 =	rddreg [dreg:$0x1];
	s6 =	sand.u32 $0x1, s0  }
0x3: {  	s0 =	stileid.u32;
	s4 =	smul.u32 $0x27100, s6  }
0x4: {  	s1 =	rddreg [dreg:$0x2];
	s3 =	simm.s32 $0x0;
	s7 =	smul.u32 $0x2710, s0  }
0x5: {  	s13 =	simm.s32 $0x190;
	s14 =	simm.s32 $0x320;
	s8 =	smul.u32 $0xA000, s0  }
0x6: {  	s15 =	simm.s32 $0x1;
	s16 =	simm.s32 $0x0;
	s26 =	smul.u32 $0x1400, s0  }
0x7: {  	[smem:$0x7FF] =	sst s3;
	s10 =	smul.u32 $0x14000, s6;
	s6 =	ssub.s32 $0x2, s6  }
0x8: {  	_ =	strace $0x8000004D;
	s31 =	sshll.u32 s0, $0x6;
	s29 =	sshrl.u32 s6, $0x1  }
0x9: {  	s4 =	sadd.s32 s7, s4;
	s28 =	sshrl.u32 s8, $0x3;
	s7 =	sadd.s32 s26, s10  }
0xa: {  	s30 =	ssub.s32 s6, s29;
	s12 =	sadd.s32 s8, s2;
	s6 =	sor.u32 $0x1C02, s31  }
0xb: {  	s9 =	sshrl.u32 s4, $0x3;
	s4 =	sadd.s32 $0x1A800, s5;
	s7 =	sadd.s32 s7, s5  }
0xc: {  	s8 =	smax.u32 s30, $0x1;
	s11 =	sadd.s32 s9, s5;
	s9 =	sadd.s32 s28, s5  }
0xd: {  	s7 =	sadd.s32 $0x42800, s7;
	s5 =	sadd.s32 $0x2E800, s9;
	s9 =	sadd.s32 $0x6C00, s11  }
0xe: {  	s10 =	sadd.s32 $0x10A00, s11;
	s11 =	sshrl.u32 s12, $0x3;
	s12 =	simm.s32 $0x2  }
.LBB2_1:
0xf: {  	[spmem:s11], [sflag:s6] =	dma.local [hbm:s5], $0x1400  }
0x10: {  	_ =	swait.ge [sflag:s12], $0x1400  }
0x11: {  	[sflag:s12] =	ssyncset.done $0x0  }
0x12: {  	[sflag:s12] =	ssyncadd.s32 $0xFFFFEC00  }
0x13: {  	s17 =	sadd.s32 $0x0, s10;
	[bflag:$0x0] =	sbarrier.arrive $0xFFFF  }
0x14: {  	[tilespmem:s3], [sflag:$0x2] =	stream.linear.gather [hbm4b:s17+s3], $0x190, $0x38;
	[tilespmem:$0x10720] =	vst v63  }
0x15: {  	_ =	swait.ge [sflag:s12], $0x190  }
0x16: {  	[sflag:s12] =	ssyncset.done $0x0  }
0x17: {  	s31 =	sadd.s32 $0x0, s9;
	[sflag:s12] =	ssyncadd.s32 $0xFFFFFE70  }
0x18: {  	[tilespmem:s13], [sflag:$0x2] =	stream.linear.gather [hbm4b:s31+s3], $0x190, $0x38;
	[tilespmem:$0x10720] =	vst v63  }
0x19: {  	_ =	swait.ge [sflag:s12], $0x190  }
0x1a: {  	[sflag:s12] =	ssyncset.done $0x0  }
0x1b: {  	[sflag:s12] =	ssyncadd.s32 $0xFFFFFE70  }
0x1c: {  	[tilespmem:s14], [sflag:$0x1] =	stream.indirect.gather [hbm4b:s4+s13], $0x40, s3, s13, $0xb8;
	[tilespmem:$0x10720] =	vst v63  }
0x1d: {  	_ =	swait.ge [sflag:s15], $0x6400  }
0x1e: {  	[sflag:s15] =	ssyncset.done $0x0  }
0x1f: {  	[sflag:s15] =	ssyncadd.s32 $0xFFFF9C00  }
0x20: {  	[spmem:s2] =	stream.indirect.scatter.add.f32 [tilespmem:s14], [sflag:$0x2], $0x40, s13, s13, $0xb8;
	[tilespmem:$0x10720] =	vst v63  }
0x21: {  	_ =	swait.ge [sflag:s12], $0x6400  }
0x22: {  	s18 =	simm.s32 $0x64;
	s17 =	simm.s32 $0x32;
	[sflag:s12] =	ssyncset.done $0x0  }
.LBB2_2:
0x23: {  	s19 =	sadd.s32 s17, s10  }
0x24: {  	[sflag:s12] =	ssyncadd.s32 $0xFFFF9C00;
	s20 =	smov.u32 s18;
	s21 =	sadd.s32 $0x32, s18  }
0x25: {  	[tilespmem:s3], [sflag:$0x2] =	stream.linear.gather [hbm4b:s19+s3], $0x190, $0x38;
	[tilespmem:$0x10720] =	vst v63  }
0x26: {  	p0 =	sne.s32 s18, $0x4B0;
	_ =	swait.ge [sflag:s12], $0x190  }
0x27: {  	[sflag:s12] =	ssyncset.done $0x0  }
0x28: {  	s18 =	sadd.s32 s17, s9;
	s17 =	smov.u32 s20;
	[sflag:s12] =	ssyncadd.s32 $0xFFFFFE70  }
0x29: {  	[tilespmem:s13], [sflag:$0x2] =	stream.linear.gather [hbm4b:s18+s3], $0x190, $0x38;
	[tilespmem:$0x10720] =	vst v63  }
0x2a: {  	_ =	swait.ge [sflag:s12], $0x190  }
0x2b: {  	[sflag:s12] =	ssyncset.done $0x0  }
0x2c: {  	[sflag:s12] =	ssyncadd.s32 $0xFFFFFE70  }
0x2d: {  	[tilespmem:s14], [sflag:$0x1] =	stream.indirect.gather [hbm4b:s4+s13], $0x40, s3, s13, $0xb8;
	[tilespmem:$0x10720] =	vst v63  }
0x2e: {  	_ =	swait.ge [sflag:s15], $0x6400  }
.Ltmp0:
0x2f: {  	[sflag:s15] =	ssyncset.done $0x0;
	(pc) =	sbr.rel @p0 .LBB2_2-.Ltmp0, $4  }
0x30: {  	[sflag:s15] =	ssyncadd.s32 $0xFFFF9C00  }
0x31: {  	[spmem:s2] =	stream.indirect.scatter.add.f32 [tilespmem:s14], [sflag:$0x2], $0x40, s13, s13, $0xb8;
	[tilespmem:$0x10720] =	vst v63  }
0x32: {  	_ =	swait.ge [sflag:s12], $0x6400  }
0x33: {  	s18 =	smov.u32 s21;
	[sflag:s12] =	ssyncset.done $0x0  }
0x34: {  	s18 =	sadd.s32 s17, s10;
	[sflag:s12] =	ssyncadd.s32 $0xFFFF9C00  }
0x35: {  	[tilespmem:s3], [sflag:$0x2] =	stream.linear.gather [hbm4b:s18+s3], $0x190, $0x38;
	[tilespmem:$0x10720] =	vst v63  }
0x36: {  	_ =	swait.ge [sflag:s12], $0x190  }
0x37: {  	[sflag:s12] =	ssyncset.done $0x0  }
0x38: {  	s31 =	sadd.s32 s17, s9;
	[sflag:s12] =	ssyncadd.s32 $0xFFFFFE70  }
0x39: {  	[tilespmem:s13], [sflag:$0x2] =	stream.linear.gather [hbm4b:s31+s3], $0x190, $0x38;
	[tilespmem:$0x10720] =	vst v63  }
0x3a: {  	_ =	swait.ge [sflag:s12], $0x190  }
0x3b: {  	[sflag:s12] =	ssyncset.done $0x0  }
0x3c: {  	[sflag:s12] =	ssyncadd.s32 $0xFFFFFE70  }
0x3d: {  	[tilespmem:s14], [sflag:$0x1] =	stream.indirect.gather [hbm4b:s4+s13], $0x40, s3, s13, $0xb8;
	[tilespmem:$0x10720] =	vst v63  }
0x3e: {  	_ =	swait.ge [sflag:s15], $0x6400  }
0x3f: {  	[sflag:s15] =	ssyncset.done $0x0  }
0x40: {  	[sflag:s15] =	ssyncadd.s32 $0xFFFF9C00  }
0x41: {  	[spmem:s2] =	stream.indirect.scatter.add.f32 [tilespmem:s14], [sflag:$0x2], $0x40, s13, s13, $0xb8;
	[tilespmem:$0x10720] =	vst v63  }
0x42: {  	_ =	swait.ge [sflag:s12], $0x6400  }
0x43: {  	s16 =	sadd.s32 $0x1, s16;
	[sflag:s12] =	ssyncset.done $0x0  }
0x44: {  	p0 =	sne.s32 s16, s8;
	[sflag:s12] =	ssyncadd.s32 $0xFFFF9C00  }
.Ltmp1:
0x45: {  	[bflag:$0x0] =	sbarrier.arrive $0xFFFF;
	(pc) =	sbr.rel @p0 .LBB2_1-.Ltmp1, $4  }
0x46: {  	[hbm:s7], [sflag:s6] =	dma.local [spmem:s11], $0x1400  }
0x47: {  	_ =	swait.ge [sflag:s12], $0x1400  }
0x48: {  	[sflag:s12] =	ssyncset.done $0x0  }
0x49: {  	[sflag:s12] =	ssyncadd.s32 $0xFFFFEC00  }
0x4a: {  	_ =	sfence.sel $0x180000  }
0x4b: {  	[bflag:$0x0] =	sbarrier.arrive $0xFFFF  }
0x4c: {  	p0 =	sne.s32 s0, $0x0;
	_ =	strace $0x9000004D  }
0x4d: {  	s0 =	sadd.s32 @!p0 $0x100000, s1;
	[bflag:$0x2] =	sbarrier.arrive $0xFFFF  }
0x4e: {  	[sflag:s0] =	ssyncadd.tile.s32 @!p0 $0x1;
	_ =	shalt  }
.Lfunc_end2:
_tile_overlayer_lowered:
.L_overlay_start_2:
0x4f: {  	(tag) =	ssettag $0x2  }
0x50: {  	s0 =	rddreg [dreg:$0x0];
	s2 =	stileid.u32  }
0x51: {  	s1 =	rddreg [dreg:$0x1];
	p0 =	sne.s32 s2, $0x0  }
0x52: {  	s3 =	rddreg [dreg:$0x2];
	[bflag:$0x3] =	sbarrier.arrive $0xFFFF;
	s2 =	simm.s32 @!p0 $0x1C02  }
0x53: {  	[timem:s3], [sflag:s2] =	dma.local @!p0 [hbm:s0], s1  }
0x54: {  	s0 =	simm.s32 @!p0 $0x2  }
0x55: {  	_ =	swait.ge @!p0 [sflag:s0], s1  }
0x56: {  	s1 =	ssub.s32 @!p0 $0x0, s1;
	[sflag:s0] =	ssyncset.done @!p0 $0x0  }
0x57: {  	[sflag:s0] =	ssyncadd.s32 @!p0 s1  }
0x58: {  	[bflag:$0x3] =	sbarrier.arrive $0xFFFF  }
0x59: {  	_ =	shalt  }

// kernel: kernel.25.cloned.1.call-start
scs
__scs_entry_jumppad:
0x0: {  	(pc) =	sbr.rel $0x88, $3  }
0x1: {  	(tag) =	ssettag $0x0;
	lr =	simm.s32 $0x1  }
0x2: {  	[smem:$0x3F7A] =	sst lr;
	_ =	strace $0xD0000000  }
0x3: {  	_ = 	snop  }
0x4: {  	_ = 	snop  }
0x5: {  	_ = 	snop  }
0x6: {  	_ = 	snop  }
0x7: {  	_ = 	snop  }
__scs_overlays_trampoline_lowered:
0x8: {  	[smem:$0x3F89] =	sst s0  }
0x9: {  	[smem:$0x3F8A] =	sst s1  }
0xa: {  	[smem:$0x3F8B] =	sst s2  }
0xb: {  	[smem:$0x3F8C] =	sst s3  }
0xc: {  	[smem:$0x3F8D] =	sst s4  }
0xd: {  	[smem:$0x3F8E] =	sst s5  }
0xe: {  	[smem:$0x3F8F] =	sst s6  }
0xf: {  	[smem:$0x3F90] =	sst s7  }
0x10: {  	[smem:$0x3F91] =	sst s8  }
0x11: {  	[smem:$0x3F92] =	sst s9;
	s0 =	simm.s32 @!p0 $0x0  }
0x12: {  	s1 =	sld [smem:$0x3F78];
	s0 =	simm.s32 @p0 $0x1  }
0x13: {  	[smem:$0x3F93] =	sst s0;
	s0 =	simm.s32 @!p1 $0x0  }
0x14: {  	s2 =	sld [smem:$0x3F77];
	s0 =	simm.s32 @p1 $0x1  }
0x15: {  	[smem:$0x3F94] =	sst s0;
	s0 =	simm.s32 @!p2 $0x0  }
0x16: {  	s3 =	sld [smem:$0x3FDB];
	s0 =	simm.s32 @p2 $0x1  }
0x17: {  	s4 =	simm.s32 $0x1BF5;
	[smem:$0x3F96] =	sst s0  }
0x18: {  	s0 =	sld [smem:$0x3F79];
	_ =	swait.ge [sflag:s4], $0x0  }
0x19: {  	s7 =	sld [smem:$0x3F7A]  }
0x1a: {  	s8 =	sadd.s32 $0xFFFFE003, lr  }
0x1b: {  	s9 =	sadd.s32 $0xFFFFFEF7, lr;
	s5 =	simm.s32 $0xFFFFFFFF;
	p2 =	slt.u32 s8, $0xFFFFF086  }
0x1c: {  	p1 =	slt.u32 s9, $0xF7A;
	s5 =	simm.s32 @!p2 $0x0  }
0x1d: {  	s5 =	simm.s32 @p1 $0x1;
	p0 =	seq.s32 s7, s2  }
0x1e: {  	s7 =	smul.u32 @!p0 $0xF7A, s2;
	p2 =	seq.s32 @!p0 s5, $0x0  }
0x1f: {  	s9 =	smul.u32 $0xF7A, s1;
	s8 =	simm.s32 @!p0 $0x1BF5;
	p2 =	por !p2, p0  }
0x20: {  	[sflag:s8] =	ssyncset.s32 @!p0 $0xFFFFF086;
	s6 =	sadd.s32 @!p0 s3, s7;
	s7 =	simm.s32 @!p0 $0x108  }
0x21: {  	s3 =	sadd.s32 s3, s9;
	s6 =	sadd.s32 @!p0 $0x88, s6;
	s7 =	simm.s32 @p2 $0x1082  }
0x22: {  	[simem:s7], [sflag:s8] =	dma.local @!p0 [hbm:s6], $0xF7A  }
0x23: {  	s9 =	sor.u32 $0xD0000000, s2;
	s6 =	simm.s32 $0x108;
	_ =	swait.ge @!p0 [sflag:s8], $0x0  }
0x24: {  	s3 =	sadd.s32 $0x88, s3;
	s6 =	simm.s32 @!p1 $0x1082;
	[sflag:s4] =	ssyncset.s32 $0xFFFFF086  }
0x25: {  	[simem:s6], [sflag:s4] =	dma.local [hbm:s3], $0xF7A  }
0x26: {  	[smem:$0x3F7A] =	sst s1;
	(tag) =	ssettag s2;
	_ =	strace s9  }
0x27: {  	s1 =	sld [smem:$0x3F8A]  }
0x28: {  	s2 =	sld [smem:$0x3F8B]  }
0x29: {  	s4 =	sld [smem:$0x3F8D]  }
0x2a: {  	p0 =	seq.s32 s5, $0x0;
	s5 =	sld [smem:$0x3F8E]  }
0x2b: {  	s6 =	sld [smem:$0x3F8F]  }
0x2c: {  	s7 =	sld [smem:$0x3F90]  }
0x2d: {  	s3 =	simm.s32 $0x108;
	s8 =	sld [smem:$0x3F91]  }
0x2e: {  	s3 =	simm.s32 @!p0 $0x1082;
	s9 =	sld [smem:$0x3F92]  }
0x2f: {  	lr =	sadd.s32 s0, s3;
	s0 =	sld [smem:$0x3F89]  }
0x30: {  	s3 =	sld [smem:$0x3F8C]  }
0x31: {  	[smem:$0x3F95] =	sst s10  }
0x32: {  	s10 =	sld [smem:$0x3F93];
	_ =	sdelay $0x3  }
0x33: {  	p0 =	seq.s32 s10, $0x1;
	s10 =	sld [smem:$0x3F95];
	_ =	sdelay $0x3  }
0x34: {  	[smem:$0x3F95] =	sst s10  }
0x35: {  	s10 =	sld [smem:$0x3F94];
	_ =	sdelay $0x3  }
0x36: {  	p1 =	seq.s32 s10, $0x1;
	s10 =	sld [smem:$0x3F95];
	_ =	sdelay $0x3  }
0x37: {  	[smem:$0x3F95] =	sst s10  }
0x38: {  	s10 =	sld [smem:$0x3F96]  }
0x39: {  	_ = 	snop;
	(pc) =	sbr.ind lr, $3  }
0x3a: {  	_ = 	snop  }
0x3b: {  	_ = 	snop  }
0x3c: {  	p2 =	seq.s32 s10, $0x1;
	s10 =	sld [smem:$0x3F95]  }
0x3d: {  	_ =	shalt  }
0x3e: {  	_ =	shalt  }
0x3f: {  	_ =	shalt  }
0x40: {  	_ =	shalt  }
0x41: {  	_ =	shalt  }
0x42: {  	_ =	shalt  }
0x43: {  	_ =	shalt  }
0x44: {  	_ =	shalt  }
0x45: {  	_ =	shalt  }
0x46: {  	_ =	shalt  }
0x47: {  	_ =	shalt  }
0x48: {  	_ =	shalt  }
0x49: {  	_ =	shalt  }
0x4a: {  	_ =	shalt  }
0x4b: {  	_ =	shalt  }
0x4c: {  	_ =	shalt  }
0x4d: {  	_ =	shalt  }
0x4e: {  	_ =	shalt  }
0x4f: {  	_ =	shalt  }
0x50: {  	_ =	shalt  }
0x51: {  	_ =	shalt  }
0x52: {  	_ =	shalt  }
0x53: {  	_ =	shalt  }
0x54: {  	_ =	shalt  }
0x55: {  	_ =	shalt  }
0x56: {  	_ =	shalt  }
0x57: {  	_ =	shalt  }
0x58: {  	_ =	shalt  }
0x59: {  	_ =	shalt  }
0x5a: {  	_ =	shalt  }
0x5b: {  	_ =	shalt  }
0x5c: {  	_ =	shalt  }
0x5d: {  	_ =	shalt  }
0x5e: {  	_ =	shalt  }
0x5f: {  	_ =	shalt  }
0x60: {  	_ =	shalt  }
0x61: {  	_ =	shalt  }
0x62: {  	_ =	shalt  }
0x63: {  	_ =	shalt  }
0x64: {  	_ =	shalt  }
0x65: {  	_ =	shalt  }
0x66: {  	_ =	shalt  }
0x67: {  	_ =	shalt  }
0x68: {  	_ =	shalt  }
0x69: {  	_ =	shalt  }
0x6a: {  	_ =	shalt  }
0x6b: {  	_ =	shalt  }
0x6c: {  	_ =	shalt  }
0x6d: {  	_ =	shalt  }
0x6e: {  	_ =	shalt  }
0x6f: {  	_ =	shalt  }
0x70: {  	_ =	shalt  }
0x71: {  	_ =	shalt  }
0x72: {  	_ =	shalt  }
0x73: {  	_ =	shalt  }
0x74: {  	_ =	shalt  }
0x75: {  	_ =	shalt  }
0x76: {  	_ =	shalt  }
0x77: {  	_ =	shalt  }
0x78: {  	_ =	shalt  }
0x79: {  	_ =	shalt  }
0x7a: {  	_ =	shalt  }
0x7b: {  	_ =	shalt  }
0x7c: {  	_ =	shalt  }
0x7d: {  	_ =	shalt  }
0x7e: {  	_ =	shalt  }
0x7f: {  	_ =	shalt  }
0x80: {  	_ =	shalt  }
0x81: {  	_ =	shalt  }
0x82: {  	_ =	shalt  }
0x83: {  	_ =	shalt  }
0x84: {  	_ =	shalt  }
0x85: {  	_ =	shalt  }
0x86: {  	_ =	shalt  }
0x87: {  	_ =	shalt  }
.Lfunc_end0:
.L_simem_size_0:
called_computation.3_lowered:
.L_overlay_start_0:
0x88: {  	s2 =	sld [smem:$0x3FD9]  }
0x89: {  	s3 =	sld [smem:$0x3FFE];
	_ =	sdelay $0x1  }
0x8a: {  	s1 =	srdreg.scid  }
0x8b: {  	s0 =	sand.u32 $0x1, s1  }
0x8c: {  	s16 =	sshll.u32 s0, $0xA;
	s2 =	sadd.s32 s3, s2  }
0x8d: {  	s2 =	sadd.s32 s2, s16  }
0x8e: {  	[smem:$0x3FA1] =	sst s2  }
0x8f: {  	_ = 	snop  }
0x90: {  	(tm) =	ssettm $0x1  }
0x91: {  	s17 =	sld [smem:$0x3FFB];
	_ =	sdelay $0x3  }
0x92: {  	_ =	strace s17  }
0x93: {  	s2 =	sld [smem:$0x3FFC];
	_ =	sdelay $0x3  }
0x94: {  	_ =	strace s2  }
0x95: {  	s2 =	sld [smem:$0x3FFD];
	_ =	sdelay $0x3  }
0x96: {  	_ =	strace s2  }
0x97: {  	_ =	strace $0x8FFFFFFF  }
0x98: {  	s18 =	sld [smem:$0x3FDB];
	_ =	sdelay $0x1  }
0x99: {  	s19 =	simm.s32 $_scs_section_size  }
0x9a: {  	s4 =	simm.s32 $_size__tile_overlayer_lowered;
	s5 =	simm.s32 $_tile_overlayer_lowered  }
0x9b: {  	s22 =	simm.s32 $0x1BFF;
	s21 =	sshll.u32 s5, $0x1;
	s2 =	sadd.s32 s19, s18  }
0x9c: {  	s6 =	simm.s32 $0x0;
	s20 =	sshll.u32 s4, $0x1;
	s4 =	sadd.s32 s21, s2  }
0x9d: {  	[timem:s6], [sflag:s22] =	dma.local [hbm:s4], s20  }
0x9e: {  	_ =	swait.ge [sflag:s22], s20  }
0x9f: {  	s3 =	ssub.s32 $0x0, s20;
	[sflag:s22] =	ssyncset.done $0x0  }
0xa0: {  	[sflag:s22] =	ssyncadd.s32 s3;
	_ =	sdelay $0x1  }
0xa1: {  	s23 =	simm.s32 $0x1B8B  }
0xa2: {  	_ =	swait.ge [sflag:s23], $0x1  }
0xa3: {  	[sflag:s23] =	ssyncset.done $0x0  }
0xa4: {  	s25 =	simm.s32 $0x1B8E;
	s24 =	sld [smem:$0x3FFE];
	[sflag:s23] =	ssyncadd.s32 $0xFFFFFFFF  }
0xa5: {  	s26 =	simm.s32 $execute0_lowered;
	[smem:$0x3FD2] =	sst s25  }
0xa6: {  	s4 =	sshll.u32 s26, $0x1;
	_ =	strace $0x8000004F;
	[dreg:$0x1] =	wrdreg $0xFFFFFFFF  }
0xa7: {  	s28 =	simm.s32 $_size_execute0_lowered;
	s2 =	sadd.s32 s2, s4;
	[dreg:$0x0] =	wrdreg $0x0  }
0xa8: {  	s4 =	sshll.u32 s28, $0x1;
	[dreg:$0x2] =	wrdreg s2  }
0xa9: {  	[dreg:$0x3] =	wrdreg s4  }
0xaa: {  	[dreg:$0x4] =	wrdreg $0xC0  }
0xab: {  	_ =	task [dreg:s6], $0x5FFFF  }
0xac: {  	[dreg:$0x1] =	wrdreg $0xFFFFFFFF  }
0xad: {  	[dreg:$0x0] =	wrdreg $0x60  }
0xae: {  	[dreg:$0x2] =	wrdreg s24  }
0xaf: {  	[dreg:$0x3] =	wrdreg $0x67200  }
0xb0: {  	[dreg:$0x4] =	wrdreg $0x9  }
0xb1: {  	_ =	task.clear_ibuf [dreg:s6], $0x5FFFF;
	_ =	strace $0x9000004F  }
0xb2: {  	s29 =	simm.s32 $0x9;
	_ =	strace $0x80000051  }
0xb3: {  	_ =	swait.ge [sflag:s29], $0x1  }
0xb4: {  	[sflag:s29] =	ssyncadd.s32 $0xFFFFFFFF  }
0xb5: {  	_ =	strace $0x90000051  }
0xb6: {  	_ =	sfence  }
0xb7: {  	s30 =	sld [smem:$0x0];
	_ =	sdelay $0x2  }
0xb8: {  	s31 =	sshll.u32 s1, $0xD;
	s1 =	sshrl.u32 s1, $0x2  }
0xb9: {  	s3 =	sand.u32 $0x4000, s31;
	s1 =	sadd.s32 s1, s30  }
0xba: {  	s0 =	sor.u32 s3, s0;
	s1 =	sshll.u32 s1, $0x11  }
0xbb: {  	s0 =	sor.u32 s1, s0  }
0xbc: {  	s0 =	sadd.s32 $0x8F2B, s0  }
0xbd: {  	[sflag:s0] =	ssyncadd.remote.s32 $0x1  }
0xbe: {  	_ =	sfence.sel $0xFFFF  }
0xbf: {  	[dreg:$0x0] =	wrdreg $0xFFFFFFFF;
	(pc) =	sbr.abs _section_cstart, $3  }
0xc0: {  	[dreg:$0x1] =	wrdreg $0xFFFFFFFF  }
0xc1: {  	_ =	task.clear_ibuf [dreg:s6], $0x2FFFF;
	_ =	strace $0x9FFFFFFF  }
0xc2: {  	(tm) =	ssettm $0x7FFFFFFF  }
0xc3: {  	_ =	shalt  }
tec
execute0_lowered:
.L_overlay_start_1:
0x0: {  	(tag) =	ssettag $0x1  }
0x1: {  	s0 =	srdreg.scid;
	s5 =	rddreg [dreg:$0x0]  }
0x2: {  	s2 =	rddreg [dreg:$0x1];
	s6 =	sand.u32 $0x1, s0  }
0x3: {  	s0 =	stileid.u32;
	s4 =	smul.u32 $0x27100, s6  }
0x4: {  	s1 =	rddreg [dreg:$0x2];
	s3 =	simm.s32 $0x0;
	s7 =	smul.u32 $0x2710, s0  }
0x5: {  	s13 =	simm.s32 $0x190;
	s14 =	simm.s32 $0x320;
	s8 =	smul.u32 $0xA000, s0  }
0x6: {  	s15 =	simm.s32 $0x1;
	s16 =	simm.s32 $0x0;
	s26 =	smul.u32 $0x1400, s0  }
0x7: {  	[smem:$0x7FF] =	sst s3;
	s10 =	smul.u32 $0x14000, s6;
	s6 =	ssub.s32 $0x2, s6  }
0x8: {  	_ =	strace $0x80000050;
	s31 =	sshll.u32 s0, $0x6;
	s29 =	sshrl.u32 s6, $0x1  }
0x9: {  	s4 =	sadd.s32 s7, s4;
	s28 =	sshrl.u32 s8, $0x3;
	s7 =	sadd.s32 s26, s10  }
0xa: {  	s30 =	ssub.s32 s6, s29;
	s12 =	sadd.s32 s8, s2;
	s6 =	sor.u32 $0x1C02, s31  }
0xb: {  	s9 =	sshrl.u32 s4, $0x3;
	s4 =	sadd.s32 $0x1A800, s5;
	s7 =	sadd.s32 s7, s5  }
0xc: {  	s8 =	smax.u32 s30, $0x1;
	s11 =	sadd.s32 s9, s5;
	s9 =	sadd.s32 s28, s5  }
0xd: {  	s7 =	sadd.s32 $0x42800, s7;
	s5 =	sadd.s32 $0x2E800, s9;
	s9 =	sadd.s32 $0x6C00, s11  }
0xe: {  	s10 =	sadd.s32 $0x10A00, s11;
	s11 =	sshrl.u32 s12, $0x3;
	s12 =	simm.s32 $0x2  }
.LBB2_1:
0xf: {  	[spmem:s11], [sflag:s6] =	dma.local [hbm:s5], $0x1400  }
0x10: {  	_ =	swait.ge [sflag:s12], $0x1400  }
0x11: {  	[sflag:s12] =	ssyncset.done $0x0  }
0x12: {  	[sflag:s12] =	ssyncadd.s32 $0xFFFFEC00  }
0x13: {  	s17 =	sadd.s32 $0x0, s10;
	[bflag:$0x0] =	sbarrier.arrive $0xFFFF  }
0x14: {  	[tilespmem:s3], [sflag:$0x2] =	stream.linear.gather [hbm4b:s17+s3], $0x190, $0x38;
	[tilespmem:$0x10720] =	vst v63  }
0x15: {  	_ =	swait.ge [sflag:s12], $0x190  }
0x16: {  	[sflag:s12] =	ssyncset.done $0x0  }
0x17: {  	s31 =	sadd.s32 $0x0, s9;
	[sflag:s12] =	ssyncadd.s32 $0xFFFFFE70  }
0x18: {  	[tilespmem:s13], [sflag:$0x2] =	stream.linear.gather [hbm4b:s31+s3], $0x190, $0x38;
	[tilespmem:$0x10720] =	vst v63  }
0x19: {  	_ =	swait.ge [sflag:s12], $0x190  }
0x1a: {  	[sflag:s12] =	ssyncset.done $0x0  }
0x1b: {  	[sflag:s12] =	ssyncadd.s32 $0xFFFFFE70  }
0x1c: {  	[tilespmem:s14], [sflag:$0x1] =	stream.indirect.gather [hbm4b:s4+s13], $0x40, s3, s13, $0xb8;
	[tilespmem:$0x10720] =	vst v63  }
0x1d: {  	_ =	swait.ge [sflag:s15], $0x6400  }
0x1e: {  	[sflag:s15] =	ssyncset.done $0x0  }
0x1f: {  	[sflag:s15] =	ssyncadd.s32 $0xFFFF9C00  }
0x20: {  	[spmem:s2] =	stream.indirect.scatter.add.f32 [tilespmem:s14], [sflag:$0x2], $0x40, s13, s13, $0xb8;
	[tilespmem:$0x10720] =	vst v63  }
0x21: {  	_ =	swait.ge [sflag:s12], $0x6400  }
0x22: {  	s18 =	simm.s32 $0x64;
	s17 =	simm.s32 $0x32;
	[sflag:s12] =	ssyncset.done $0x0  }
.LBB2_2:
0x23: {  	s19 =	sadd.s32 s17, s10  }
0x24: {  	[sflag:s12] =	ssyncadd.s32 $0xFFFF9C00;
	s20 =	smov.u32 s18;
	s21 =	sadd.s32 $0x32, s18  }
0x25: {  	[tilespmem:s3], [sflag:$0x2] =	stream.linear.gather [hbm4b:s19+s3], $0x190, $0x38;
	[tilespmem:$0x10720] =	vst v63  }
0x26: {  	p0 =	sne.s32 s18, $0x4B0;
	_ =	swait.ge [sflag:s12], $0x190  }
0x27: {  	[sflag:s12] =	ssyncset.done $0x0  }
0x28: {  	s18 =	sadd.s32 s17, s9;
	s17 =	smov.u32 s20;
	[sflag:s12] =	ssyncadd.s32 $0xFFFFFE70  }
0x29: {  	[tilespmem:s13], [sflag:$0x2] =	stream.linear.gather [hbm4b:s18+s3], $0x190, $0x38;
	[tilespmem:$0x10720] =	vst v63  }
0x2a: {  	_ =	swait.ge [sflag:s12], $0x190  }
0x2b: {  	[sflag:s12] =	ssyncset.done $0x0  }
0x2c: {  	[sflag:s12] =	ssyncadd.s32 $0xFFFFFE70  }
0x2d: {  	[tilespmem:s14], [sflag:$0x1] =	stream.indirect.gather [hbm4b:s4+s13], $0x40, s3, s13, $0xb8;
	[tilespmem:$0x10720] =	vst v63  }
0x2e: {  	_ =	swait.ge [sflag:s15], $0x6400  }
.Ltmp0:
0x2f: {  	[sflag:s15] =	ssyncset.done $0x0;
	(pc) =	sbr.rel @p0 .LBB2_2-.Ltmp0, $4  }
0x30: {  	[sflag:s15] =	ssyncadd.s32 $0xFFFF9C00  }
0x31: {  	[spmem:s2] =	stream.indirect.scatter.add.f32 [tilespmem:s14], [sflag:$0x2], $0x40, s13, s13, $0xb8;
	[tilespmem:$0x10720] =	vst v63  }
0x32: {  	_ =	swait.ge [sflag:s12], $0x6400  }
0x33: {  	s18 =	smov.u32 s21;
	[sflag:s12] =	ssyncset.done $0x0  }
0x34: {  	s18 =	sadd.s32 s17, s10;
	[sflag:s12] =	ssyncadd.s32 $0xFFFF9C00  }
0x35: {  	[tilespmem:s3], [sflag:$0x2] =	stream.linear.gather [hbm4b:s18+s3], $0x190, $0x38;
	[tilespmem:$0x10720] =	vst v63  }
0x36: {  	_ =	swait.ge [sflag:s12], $0x190  }
0x37: {  	[sflag:s12] =	ssyncset.done $0x0  }
0x38: {  	s31 =	sadd.s32 s17, s9;
	[sflag:s12] =	ssyncadd.s32 $0xFFFFFE70  }
0x39: {  	[tilespmem:s13], [sflag:$0x2] =	stream.linear.gather [hbm4b:s31+s3], $0x190, $0x38;
	[tilespmem:$0x10720] =	vst v63  }
0x3a: {  	_ =	swait.ge [sflag:s12], $0x190  }
0x3b: {  	[sflag:s12] =	ssyncset.done $0x0  }
0x3c: {  	[sflag:s12] =	ssyncadd.s32 $0xFFFFFE70  }
0x3d: {  	[tilespmem:s14], [sflag:$0x1] =	stream.indirect.gather [hbm4b:s4+s13], $0x40, s3, s13, $0xb8;
	[tilespmem:$0x10720] =	vst v63  }
0x3e: {  	_ =	swait.ge [sflag:s15], $0x6400  }
0x3f: {  	[sflag:s15] =	ssyncset.done $0x0  }
0x40: {  	[sflag:s15] =	ssyncadd.s32 $0xFFFF9C00  }
0x41: {  	[spmem:s2] =	stream.indirect.scatter.add.f32 [tilespmem:s14], [sflag:$0x2], $0x40, s13, s13, $0xb8;
	[tilespmem:$0x10720] =	vst v63  }
0x42: {  	_ =	swait.ge [sflag:s12], $0x6400  }
0x43: {  	s16 =	sadd.s32 $0x1, s16;
	[sflag:s12] =	ssyncset.done $0x0  }
0x44: {  	p0 =	sne.s32 s16, s8;
	[sflag:s12] =	ssyncadd.s32 $0xFFFF9C00  }
.Ltmp1:
0x45: {  	[bflag:$0x0] =	sbarrier.arrive $0xFFFF;
	(pc) =	sbr.rel @p0 .LBB2_1-.Ltmp1, $4  }
0x46: {  	[hbm:s7], [sflag:s6] =	dma.local [spmem:s11], $0x1400  }
0x47: {  	_ =	swait.ge [sflag:s12], $0x1400  }
0x48: {  	[sflag:s12] =	ssyncset.done $0x0  }
0x49: {  	[sflag:s12] =	ssyncadd.s32 $0xFFFFEC00  }
0x4a: {  	_ =	sfence.sel $0x180000  }
0x4b: {  	[bflag:$0x0] =	sbarrier.arrive $0xFFFF  }
0x4c: {  	p0 =	sne.s32 s0, $0x0;
	_ =	strace $0x90000050  }
0x4d: {  	s0 =	sadd.s32 @!p0 $0x100000, s1;
	[bflag:$0x2] =	sbarrier.arrive $0xFFFF  }
0x4e: {  	[sflag:s0] =	ssyncadd.tile.s32 @!p0 $0x1;
	_ =	shalt  }
.Lfunc_end2:
_tile_overlayer_lowered:
.L_overlay_start_2:
0x4f: {  	(tag) =	ssettag $0x2  }
0x50: {  	s0 =	rddreg [dreg:$0x0];
	s2 =	stileid.u32  }
0x51: {  	s1 =	rddreg [dreg:$0x1];
	p0 =	sne.s32 s2, $0x0  }
0x52: {  	s3 =	rddreg [dreg:$0x2];
	[bflag:$0x3] =	sbarrier.arrive $0xFFFF;
	s2 =	simm.s32 @!p0 $0x1C02  }
0x53: {  	[timem:s3], [sflag:s2] =	dma.local @!p0 [hbm:s0], s1  }
0x54: {  	s0 =	simm.s32 @!p0 $0x2  }
0x55: {  	_ =	swait.ge @!p0 [sflag:s0], s1  }
0x56: {  	s1 =	ssub.s32 @!p0 $0x0, s1;
	[sflag:s0] =	ssyncset.done @!p0 $0x0  }
0x57: {  	[sflag:s0] =	ssyncadd.s32 @!p0 s1  }
0x58: {  	[bflag:$0x3] =	sbarrier.arrive $0xFFFF  }
0x59: {  	_ =	shalt  }

// kernel: kernel.28.cloned.1.call-start
scs
__scs_entry_jumppad:
0x0: {  	(pc) =	sbr.rel $0x88, $3  }
0x1: {  	(tag) =	ssettag $0x0;
	lr =	simm.s32 $0x1  }
0x2: {  	[smem:$0x3F7A] =	sst lr;
	_ =	strace $0xD0000000  }
0x3: {  	_ = 	snop  }
0x4: {  	_ = 	snop  }
0x5: {  	_ = 	snop  }
0x6: {  	_ = 	snop  }
0x7: {  	_ = 	snop  }
__scs_overlays_trampoline_lowered:
0x8: {  	[smem:$0x3F89] =	sst s0  }
0x9: {  	[smem:$0x3F8A] =	sst s1  }
0xa: {  	[smem:$0x3F8B] =	sst s2  }
0xb: {  	[smem:$0x3F8C] =	sst s3  }
0xc: {  	[smem:$0x3F8D] =	sst s4  }
0xd: {  	[smem:$0x3F8E] =	sst s5  }
0xe: {  	[smem:$0x3F8F] =	sst s6  }
0xf: {  	[smem:$0x3F90] =	sst s7  }
0x10: {  	[smem:$0x3F91] =	sst s8  }
0x11: {  	[smem:$0x3F92] =	sst s9;
	s0 =	simm.s32 @!p0 $0x0  }
0x12: {  	s1 =	sld [smem:$0x3F78];
	s0 =	simm.s32 @p0 $0x1  }
0x13: {  	[smem:$0x3F93] =	sst s0;
	s0 =	simm.s32 @!p1 $0x0  }
0x14: {  	s2 =	sld [smem:$0x3F77];
	s0 =	simm.s32 @p1 $0x1  }
0x15: {  	[smem:$0x3F94] =	sst s0;
	s0 =	simm.s32 @!p2 $0x0  }
0x16: {  	s3 =	sld [smem:$0x3FDB];
	s0 =	simm.s32 @p2 $0x1  }
0x17: {  	s4 =	simm.s32 $0x1BF5;
	[smem:$0x3F96] =	sst s0  }
0x18: {  	s0 =	sld [smem:$0x3F79];
	_ =	swait.ge [sflag:s4], $0x0  }
0x19: {  	s7 =	sld [smem:$0x3F7A]  }
0x1a: {  	s8 =	sadd.s32 $0xFFFFE003, lr  }
0x1b: {  	s9 =	sadd.s32 $0xFFFFFEF7, lr;
	s5 =	simm.s32 $0xFFFFFFFF;
	p2 =	slt.u32 s8, $0xFFFFF086  }
0x1c: {  	p1 =	slt.u32 s9, $0xF7A;
	s5 =	simm.s32 @!p2 $0x0  }
0x1d: {  	s5 =	simm.s32 @p1 $0x1;
	p0 =	seq.s32 s7, s2  }
0x1e: {  	s7 =	smul.u32 @!p0 $0xF7A, s2;
	p2 =	seq.s32 @!p0 s5, $0x0  }
0x1f: {  	s9 =	smul.u32 $0xF7A, s1;
	s8 =	simm.s32 @!p0 $0x1BF5;
	p2 =	por !p2, p0  }
0x20: {  	[sflag:s8] =	ssyncset.s32 @!p0 $0xFFFFF086;
	s6 =	sadd.s32 @!p0 s3, s7;
	s7 =	simm.s32 @!p0 $0x108  }
0x21: {  	s3 =	sadd.s32 s3, s9;
	s6 =	sadd.s32 @!p0 $0x88, s6;
	s7 =	simm.s32 @p2 $0x1082  }
0x22: {  	[simem:s7], [sflag:s8] =	dma.local @!p0 [hbm:s6], $0xF7A  }
0x23: {  	s9 =	sor.u32 $0xD0000000, s2;
	s6 =	simm.s32 $0x108;
	_ =	swait.ge @!p0 [sflag:s8], $0x0  }
0x24: {  	s3 =	sadd.s32 $0x88, s3;
	s6 =	simm.s32 @!p1 $0x1082;
	[sflag:s4] =	ssyncset.s32 $0xFFFFF086  }
0x25: {  	[simem:s6], [sflag:s4] =	dma.local [hbm:s3], $0xF7A  }
0x26: {  	[smem:$0x3F7A] =	sst s1;
	(tag) =	ssettag s2;
	_ =	strace s9  }
0x27: {  	s1 =	sld [smem:$0x3F8A]  }
0x28: {  	s2 =	sld [smem:$0x3F8B]  }
0x29: {  	s4 =	sld [smem:$0x3F8D]  }
0x2a: {  	p0 =	seq.s32 s5, $0x0;
	s5 =	sld [smem:$0x3F8E]  }
0x2b: {  	s6 =	sld [smem:$0x3F8F]  }
0x2c: {  	s7 =	sld [smem:$0x3F90]  }
0x2d: {  	s3 =	simm.s32 $0x108;
	s8 =	sld [smem:$0x3F91]  }
0x2e: {  	s3 =	simm.s32 @!p0 $0x1082;
	s9 =	sld [smem:$0x3F92]  }
0x2f: {  	lr =	sadd.s32 s0, s3;
	s0 =	sld [smem:$0x3F89]  }
0x30: {  	s3 =	sld [smem:$0x3F8C]  }
0x31: {  	[smem:$0x3F95] =	sst s10  }
0x32: {  	s10 =	sld [smem:$0x3F93];
	_ =	sdelay $0x3  }
0x33: {  	p0 =	seq.s32 s10, $0x1;
	s10 =	sld [smem:$0x3F95];
	_ =	sdelay $0x3  }
0x34: {  	[smem:$0x3F95] =	sst s10  }
0x35: {  	s10 =	sld [smem:$0x3F94];
	_ =	sdelay $0x3  }
0x36: {  	p1 =	seq.s32 s10, $0x1;
	s10 =	sld [smem:$0x3F95];
	_ =	sdelay $0x3  }
0x37: {  	[smem:$0x3F95] =	sst s10  }
0x38: {  	s10 =	sld [smem:$0x3F96]  }
0x39: {  	_ = 	snop;
	(pc) =	sbr.ind lr, $3  }
0x3a: {  	_ = 	snop  }
0x3b: {  	_ = 	snop  }
0x3c: {  	p2 =	seq.s32 s10, $0x1;
	s10 =	sld [smem:$0x3F95]  }
0x3d: {  	_ =	shalt  }
0x3e: {  	_ =	shalt  }
0x3f: {  	_ =	shalt  }
0x40: {  	_ =	shalt  }
0x41: {  	_ =	shalt  }
0x42: {  	_ =	shalt  }
0x43: {  	_ =	shalt  }
0x44: {  	_ =	shalt  }
0x45: {  	_ =	shalt  }
0x46: {  	_ =	shalt  }
0x47: {  	_ =	shalt  }
0x48: {  	_ =	shalt  }
0x49: {  	_ =	shalt  }
0x4a: {  	_ =	shalt  }
0x4b: {  	_ =	shalt  }
0x4c: {  	_ =	shalt  }
0x4d: {  	_ =	shalt  }
0x4e: {  	_ =	shalt  }
0x4f: {  	_ =	shalt  }
0x50: {  	_ =	shalt  }
0x51: {  	_ =	shalt  }
0x52: {  	_ =	shalt  }
0x53: {  	_ =	shalt  }
0x54: {  	_ =	shalt  }
0x55: {  	_ =	shalt  }
0x56: {  	_ =	shalt  }
0x57: {  	_ =	shalt  }
0x58: {  	_ =	shalt  }
0x59: {  	_ =	shalt  }
0x5a: {  	_ =	shalt  }
0x5b: {  	_ =	shalt  }
0x5c: {  	_ =	shalt  }
0x5d: {  	_ =	shalt  }
0x5e: {  	_ =	shalt  }
0x5f: {  	_ =	shalt  }
0x60: {  	_ =	shalt  }
0x61: {  	_ =	shalt  }
0x62: {  	_ =	shalt  }
0x63: {  	_ =	shalt  }
0x64: {  	_ =	shalt  }
0x65: {  	_ =	shalt  }
0x66: {  	_ =	shalt  }
0x67: {  	_ =	shalt  }
0x68: {  	_ =	shalt  }
0x69: {  	_ =	shalt  }
0x6a: {  	_ =	shalt  }
0x6b: {  	_ =	shalt  }
0x6c: {  	_ =	shalt  }
0x6d: {  	_ =	shalt  }
0x6e: {  	_ =	shalt  }
0x6f: {  	_ =	shalt  }
0x70: {  	_ =	shalt  }
0x71: {  	_ =	shalt  }
0x72: {  	_ =	shalt  }
0x73: {  	_ =	shalt  }
0x74: {  	_ =	shalt  }
0x75: {  	_ =	shalt  }
0x76: {  	_ =	shalt  }
0x77: {  	_ =	shalt  }
0x78: {  	_ =	shalt  }
0x79: {  	_ =	shalt  }
0x7a: {  	_ =	shalt  }
0x7b: {  	_ =	shalt  }
0x7c: {  	_ =	shalt  }
0x7d: {  	_ =	shalt  }
0x7e: {  	_ =	shalt  }
0x7f: {  	_ =	shalt  }
0x80: {  	_ =	shalt  }
0x81: {  	_ =	shalt  }
0x82: {  	_ =	shalt  }
0x83: {  	_ =	shalt  }
0x84: {  	_ =	shalt  }
0x85: {  	_ =	shalt  }
0x86: {  	_ =	shalt  }
0x87: {  	_ =	shalt  }
.Lfunc_end0:
.L_simem_size_0:
called_computation.4_lowered:
.L_overlay_start_0:
0x88: {  	s2 =	sld [smem:$0x3FD9]  }
0x89: {  	s3 =	sld [smem:$0x3FFE];
	_ =	sdelay $0x1  }
0x8a: {  	s1 =	srdreg.scid  }
0x8b: {  	s0 =	sand.u32 $0x1, s1  }
0x8c: {  	s16 =	sshll.u32 s0, $0xA;
	s2 =	sadd.s32 s3, s2  }
0x8d: {  	s2 =	sadd.s32 s2, s16  }
0x8e: {  	[smem:$0x3FA1] =	sst s2  }
0x8f: {  	_ = 	snop  }
0x90: {  	(tm) =	ssettm $0x1  }
0x91: {  	s17 =	sld [smem:$0x3FFB];
	_ =	sdelay $0x3  }
0x92: {  	_ =	strace s17  }
0x93: {  	s2 =	sld [smem:$0x3FFC];
	_ =	sdelay $0x3  }
0x94: {  	_ =	strace s2  }
0x95: {  	s2 =	sld [smem:$0x3FFD];
	_ =	sdelay $0x3  }
0x96: {  	_ =	strace s2  }
0x97: {  	_ =	strace $0x8FFFFFFF  }
0x98: {  	s18 =	sld [smem:$0x3FDB];
	_ =	sdelay $0x1  }
0x99: {  	s19 =	simm.s32 $_scs_section_size  }
0x9a: {  	s4 =	simm.s32 $_size__tile_overlayer_lowered;
	s5 =	simm.s32 $_tile_overlayer_lowered  }
0x9b: {  	s22 =	simm.s32 $0x1BFF;
	s21 =	sshll.u32 s5, $0x1;
	s2 =	sadd.s32 s19, s18  }
0x9c: {  	s6 =	simm.s32 $0x0;
	s20 =	sshll.u32 s4, $0x1;
	s4 =	sadd.s32 s21, s2  }
0x9d: {  	[timem:s6], [sflag:s22] =	dma.local [hbm:s4], s20  }
0x9e: {  	_ =	swait.ge [sflag:s22], s20  }
0x9f: {  	s3 =	ssub.s32 $0x0, s20;
	[sflag:s22] =	ssyncset.done $0x0  }
0xa0: {  	[sflag:s22] =	ssyncadd.s32 s3;
	_ =	sdelay $0x1  }
0xa1: {  	s23 =	simm.s32 $0x1B8B  }
0xa2: {  	_ =	swait.ge [sflag:s23], $0x1  }
0xa3: {  	[sflag:s23] =	ssyncset.done $0x0  }
0xa4: {  	s25 =	simm.s32 $0x1B8E;
	s24 =	sld [smem:$0x3FFE];
	[sflag:s23] =	ssyncadd.s32 $0xFFFFFFFF  }
0xa5: {  	s26 =	simm.s32 $execute0_lowered;
	[smem:$0x3FD2] =	sst s25  }
0xa6: {  	s4 =	sshll.u32 s26, $0x1;
	_ =	strace $0x80000052;
	[dreg:$0x1] =	wrdreg $0xFFFFFFFF  }
0xa7: {  	s28 =	simm.s32 $_size_execute0_lowered;
	s2 =	sadd.s32 s2, s4;
	[dreg:$0x0] =	wrdreg $0x0  }
0xa8: {  	s4 =	sshll.u32 s28, $0x1;
	[dreg:$0x2] =	wrdreg s2  }
0xa9: {  	[dreg:$0x3] =	wrdreg s4  }
0xaa: {  	[dreg:$0x4] =	wrdreg $0xC0  }
0xab: {  	_ =	task [dreg:s6], $0x5FFFF  }
0xac: {  	[dreg:$0x1] =	wrdreg $0xFFFFFFFF  }
0xad: {  	[dreg:$0x0] =	wrdreg $0x60  }
0xae: {  	[dreg:$0x2] =	wrdreg s24  }
0xaf: {  	[dreg:$0x3] =	wrdreg $0x67200  }
0xb0: {  	[dreg:$0x4] =	wrdreg $0x9  }
0xb1: {  	_ =	task.clear_ibuf [dreg:s6], $0x5FFFF;
	_ =	strace $0x90000052  }
0xb2: {  	s29 =	simm.s32 $0x9;
	_ =	strace $0x80000054  }
0xb3: {  	_ =	swait.ge [sflag:s29], $0x1  }
0xb4: {  	[sflag:s29] =	ssyncadd.s32 $0xFFFFFFFF  }
0xb5: {  	_ =	strace $0x90000054  }
0xb6: {  	_ =	sfence  }
0xb7: {  	s30 =	sld [smem:$0x0];
	_ =	sdelay $0x2  }
0xb8: {  	s31 =	sshll.u32 s1, $0xD;
	s1 =	sshrl.u32 s1, $0x2  }
0xb9: {  	s3 =	sand.u32 $0x4000, s31;
	s1 =	sadd.s32 s1, s30  }
0xba: {  	s0 =	sor.u32 s3, s0;
	s1 =	sshll.u32 s1, $0x11  }
0xbb: {  	s0 =	sor.u32 s1, s0  }
0xbc: {  	s0 =	sadd.s32 $0x8F2B, s0  }
0xbd: {  	[sflag:s0] =	ssyncadd.remote.s32 $0x1  }
0xbe: {  	_ =	sfence.sel $0xFFFF  }
0xbf: {  	[dreg:$0x0] =	wrdreg $0xFFFFFFFF;
	(pc) =	sbr.abs _section_cstart, $3  }
0xc0: {  	[dreg:$0x1] =	wrdreg $0xFFFFFFFF  }
0xc1: {  	_ =	task.clear_ibuf [dreg:s6], $0x2FFFF;
	_ =	strace $0x9FFFFFFF  }
0xc2: {  	(tm) =	ssettm $0x7FFFFFFF  }
0xc3: {  	_ =	shalt  }
tec
execute0_lowered:
.L_overlay_start_1:
0x0: {  	(tag) =	ssettag $0x1  }
0x1: {  	s0 =	srdreg.scid;
	s5 =	rddreg [dreg:$0x0]  }
0x2: {  	s2 =	rddreg [dreg:$0x1];
	s6 =	sand.u32 $0x1, s0  }
0x3: {  	s0 =	stileid.u32;
	s4 =	smul.u32 $0x27100, s6  }
0x4: {  	s1 =	rddreg [dreg:$0x2];
	s3 =	simm.s32 $0x0;
	s7 =	smul.u32 $0x2710, s0  }
0x5: {  	s13 =	simm.s32 $0x190;
	s14 =	simm.s32 $0x320;
	s8 =	smul.u32 $0xA000, s0  }
0x6: {  	s15 =	simm.s32 $0x1;
	s16 =	simm.s32 $0x0;
	s26 =	smul.u32 $0x1400, s0  }
0x7: {  	[smem:$0x7FF] =	sst s3;
	s10 =	smul.u32 $0x14000, s6;
	s6 =	ssub.s32 $0x2, s6  }
0x8: {  	_ =	strace $0x80000053;
	s31 =	sshll.u32 s0, $0x6;
	s29 =	sshrl.u32 s6, $0x1  }
0x9: {  	s4 =	sadd.s32 s7, s4;
	s28 =	sshrl.u32 s8, $0x3;
	s7 =	sadd.s32 s26, s10  }
0xa: {  	s30 =	ssub.s32 s6, s29;
	s12 =	sadd.s32 s8, s2;
	s6 =	sor.u32 $0x1C02, s31  }
0xb: {  	s9 =	sshrl.u32 s4, $0x3;
	s4 =	sadd.s32 $0x1A800, s5;
	s7 =	sadd.s32 s7, s5  }
0xc: {  	s8 =	smax.u32 s30, $0x1;
	s11 =	sadd.s32 s9, s5;
	s9 =	sadd.s32 s28, s5  }
0xd: {  	s7 =	sadd.s32 $0x42800, s7;
	s5 =	sadd.s32 $0x2E800, s9;
	s9 =	sadd.s32 $0x6C00, s11  }
0xe: {  	s10 =	sadd.s32 $0x10A00, s11;
	s11 =	sshrl.u32 s12, $0x3;
	s12 =	simm.s32 $0x2  }
.LBB2_1:
0xf: {  	[spmem:s11], [sflag:s6] =	dma.local [hbm:s5], $0x1400  }
0x10: {  	_ =	swait.ge [sflag:s12], $0x1400  }
0x11: {  	[sflag:s12] =	ssyncset.done $0x0  }
0x12: {  	[sflag:s12] =	ssyncadd.s32 $0xFFFFEC00  }
0x13: {  	s17 =	sadd.s32 $0x0, s10;
	[bflag:$0x0] =	sbarrier.arrive $0xFFFF  }
0x14: {  	[tilespmem:s3], [sflag:$0x2] =	stream.linear.gather [hbm4b:s17+s3], $0x190, $0x38;
	[tilespmem:$0x10720] =	vst v63  }
0x15: {  	_ =	swait.ge [sflag:s12], $0x190  }
0x16: {  	[sflag:s12] =	ssyncset.done $0x0  }
0x17: {  	s31 =	sadd.s32 $0x0, s9;
	[sflag:s12] =	ssyncadd.s32 $0xFFFFFE70  }
0x18: {  	[tilespmem:s13], [sflag:$0x2] =	stream.linear.gather [hbm4b:s31+s3], $0x190, $0x38;
	[tilespmem:$0x10720] =	vst v63  }
0x19: {  	_ =	swait.ge [sflag:s12], $0x190  }
0x1a: {  	[sflag:s12] =	ssyncset.done $0x0  }
0x1b: {  	[sflag:s12] =	ssyncadd.s32 $0xFFFFFE70  }
0x1c: {  	[tilespmem:s14], [sflag:$0x1] =	stream.indirect.gather [hbm4b:s4+s13], $0x40, s3, s13, $0xb8;
	[tilespmem:$0x10720] =	vst v63  }
0x1d: {  	_ =	swait.ge [sflag:s15], $0x6400  }
0x1e: {  	[sflag:s15] =	ssyncset.done $0x0  }
0x1f: {  	[sflag:s15] =	ssyncadd.s32 $0xFFFF9C00  }
0x20: {  	[spmem:s2] =	stream.indirect.scatter.add.f32 [tilespmem:s14], [sflag:$0x2], $0x40, s13, s13, $0xb8;
	[tilespmem:$0x10720] =	vst v63  }
0x21: {  	_ =	swait.ge [sflag:s12], $0x6400  }
0x22: {  	s18 =	simm.s32 $0x64;
	s17 =	simm.s32 $0x32;
	[sflag:s12] =	ssyncset.done $0x0  }
.LBB2_2:
0x23: {  	s19 =	sadd.s32 s17, s10  }
0x24: {  	[sflag:s12] =	ssyncadd.s32 $0xFFFF9C00;
	s20 =	smov.u32 s18;
	s21 =	sadd.s32 $0x32, s18  }
0x25: {  	[tilespmem:s3], [sflag:$0x2] =	stream.linear.gather [hbm4b:s19+s3], $0x190, $0x38;
	[tilespmem:$0x10720] =	vst v63  }
0x26: {  	p0 =	sne.s32 s18, $0x4B0;
	_ =	swait.ge [sflag:s12], $0x190  }
0x27: {  	[sflag:s12] =	ssyncset.done $0x0  }
0x28: {  	s18 =	sadd.s32 s17, s9;
	s17 =	smov.u32 s20;
	[sflag:s12] =	ssyncadd.s32 $0xFFFFFE70  }
0x29: {  	[tilespmem:s13], [sflag:$0x2] =	stream.linear.gather [hbm4b:s18+s3], $0x190, $0x38;
	[tilespmem:$0x10720] =	vst v63  }
0x2a: {  	_ =	swait.ge [sflag:s12], $0x190  }
0x2b: {  	[sflag:s12] =	ssyncset.done $0x0  }
0x2c: {  	[sflag:s12] =	ssyncadd.s32 $0xFFFFFE70  }
0x2d: {  	[tilespmem:s14], [sflag:$0x1] =	stream.indirect.gather [hbm4b:s4+s13], $0x40, s3, s13, $0xb8;
	[tilespmem:$0x10720] =	vst v63  }
0x2e: {  	_ =	swait.ge [sflag:s15], $0x6400  }
.Ltmp0:
0x2f: {  	[sflag:s15] =	ssyncset.done $0x0;
	(pc) =	sbr.rel @p0 .LBB2_2-.Ltmp0, $4  }
0x30: {  	[sflag:s15] =	ssyncadd.s32 $0xFFFF9C00  }
0x31: {  	[spmem:s2] =	stream.indirect.scatter.add.f32 [tilespmem:s14], [sflag:$0x2], $0x40, s13, s13, $0xb8;
	[tilespmem:$0x10720] =	vst v63  }
0x32: {  	_ =	swait.ge [sflag:s12], $0x6400  }
0x33: {  	s18 =	smov.u32 s21;
	[sflag:s12] =	ssyncset.done $0x0  }
0x34: {  	s18 =	sadd.s32 s17, s10;
	[sflag:s12] =	ssyncadd.s32 $0xFFFF9C00  }
0x35: {  	[tilespmem:s3], [sflag:$0x2] =	stream.linear.gather [hbm4b:s18+s3], $0x190, $0x38;
	[tilespmem:$0x10720] =	vst v63  }
0x36: {  	_ =	swait.ge [sflag:s12], $0x190  }
0x37: {  	[sflag:s12] =	ssyncset.done $0x0  }
0x38: {  	s31 =	sadd.s32 s17, s9;
	[sflag:s12] =	ssyncadd.s32 $0xFFFFFE70  }
0x39: {  	[tilespmem:s13], [sflag:$0x2] =	stream.linear.gather [hbm4b:s31+s3], $0x190, $0x38;
	[tilespmem:$0x10720] =	vst v63  }
0x3a: {  	_ =	swait.ge [sflag:s12], $0x190  }
0x3b: {  	[sflag:s12] =	ssyncset.done $0x0  }
0x3c: {  	[sflag:s12] =	ssyncadd.s32 $0xFFFFFE70  }
0x3d: {  	[tilespmem:s14], [sflag:$0x1] =	stream.indirect.gather [hbm4b:s4+s13], $0x40, s3, s13, $0xb8;
	[tilespmem:$0x10720] =	vst v63  }
0x3e: {  	_ =	swait.ge [sflag:s15], $0x6400  }
0x3f: {  	[sflag:s15] =	ssyncset.done $0x0  }
0x40: {  	[sflag:s15] =	ssyncadd.s32 $0xFFFF9C00  }
0x41: {  	[spmem:s2] =	stream.indirect.scatter.add.f32 [tilespmem:s14], [sflag:$0x2], $0x40, s13, s13, $0xb8;
	[tilespmem:$0x10720] =	vst v63  }
0x42: {  	_ =	swait.ge [sflag:s12], $0x6400  }
0x43: {  	s16 =	sadd.s32 $0x1, s16;
	[sflag:s12] =	ssyncset.done $0x0  }
0x44: {  	p0 =	sne.s32 s16, s8;
	[sflag:s12] =	ssyncadd.s32 $0xFFFF9C00  }
.Ltmp1:
0x45: {  	[bflag:$0x0] =	sbarrier.arrive $0xFFFF;
	(pc) =	sbr.rel @p0 .LBB2_1-.Ltmp1, $4  }
0x46: {  	[hbm:s7], [sflag:s6] =	dma.local [spmem:s11], $0x1400  }
0x47: {  	_ =	swait.ge [sflag:s12], $0x1400  }
0x48: {  	[sflag:s12] =	ssyncset.done $0x0  }
0x49: {  	[sflag:s12] =	ssyncadd.s32 $0xFFFFEC00  }
0x4a: {  	_ =	sfence.sel $0x180000  }
0x4b: {  	[bflag:$0x0] =	sbarrier.arrive $0xFFFF  }
0x4c: {  	p0 =	sne.s32 s0, $0x0;
	_ =	strace $0x90000053  }
0x4d: {  	s0 =	sadd.s32 @!p0 $0x100000, s1;
	[bflag:$0x2] =	sbarrier.arrive $0xFFFF  }
0x4e: {  	[sflag:s0] =	ssyncadd.tile.s32 @!p0 $0x1;
	_ =	shalt  }
.Lfunc_end2:
_tile_overlayer_lowered:
.L_overlay_start_2:
0x4f: {  	(tag) =	ssettag $0x2  }
0x50: {  	s0 =	rddreg [dreg:$0x0];
	s2 =	stileid.u32  }
0x51: {  	s1 =	rddreg [dreg:$0x1];
	p0 =	sne.s32 s2, $0x0  }
0x52: {  	s3 =	rddreg [dreg:$0x2];
	[bflag:$0x3] =	sbarrier.arrive $0xFFFF;
	s2 =	simm.s32 @!p0 $0x1C02  }
0x53: {  	[timem:s3], [sflag:s2] =	dma.local @!p0 [hbm:s0], s1  }
0x54: {  	s0 =	simm.s32 @!p0 $0x2  }
0x55: {  	_ =	swait.ge @!p0 [sflag:s0], s1  }
0x56: {  	s1 =	ssub.s32 @!p0 $0x0, s1;
	[sflag:s0] =	ssyncset.done @!p0 $0x0  }
0x57: {  	[sflag:s0] =	ssyncadd.s32 @!p0 s1  }
0x58: {  	[bflag:$0x3] =	sbarrier.arrive $0xFFFF  }
0x59: {  	_ =	shalt  }

// kernel: kernel.31.cloned.1.call-start
scs
__scs_entry_jumppad:
0x0: {  	(pc) =	sbr.rel $0x88, $3  }
0x1: {  	(tag) =	ssettag $0x0;
	lr =	simm.s32 $0x1  }
0x2: {  	[smem:$0x3F7A] =	sst lr;
	_ =	strace $0xD0000000  }
0x3: {  	_ = 	snop  }
0x4: {  	_ = 	snop  }
0x5: {  	_ = 	snop  }
0x6: {  	_ = 	snop  }
0x7: {  	_ = 	snop  }
__scs_overlays_trampoline_lowered:
0x8: {  	[smem:$0x3F89] =	sst s0  }
0x9: {  	[smem:$0x3F8A] =	sst s1  }
0xa: {  	[smem:$0x3F8B] =	sst s2  }
0xb: {  	[smem:$0x3F8C] =	sst s3  }
0xc: {  	[smem:$0x3F8D] =	sst s4  }
0xd: {  	[smem:$0x3F8E] =	sst s5  }
0xe: {  	[smem:$0x3F8F] =	sst s6  }
0xf: {  	[smem:$0x3F90] =	sst s7  }
0x10: {  	[smem:$0x3F91] =	sst s8  }
0x11: {  	[smem:$0x3F92] =	sst s9;
	s0 =	simm.s32 @!p0 $0x0  }
0x12: {  	s1 =	sld [smem:$0x3F78];
	s0 =	simm.s32 @p0 $0x1  }
0x13: {  	[smem:$0x3F93] =	sst s0;
	s0 =	simm.s32 @!p1 $0x0  }
0x14: {  	s2 =	sld [smem:$0x3F77];
	s0 =	simm.s32 @p1 $0x1  }
0x15: {  	[smem:$0x3F94] =	sst s0;
	s0 =	simm.s32 @!p2 $0x0  }
0x16: {  	s3 =	sld [smem:$0x3FDB];
	s0 =	simm.s32 @p2 $0x1  }
0x17: {  	s4 =	simm.s32 $0x1BF5;
	[smem:$0x3F96] =	sst s0  }
0x18: {  	s0 =	sld [smem:$0x3F79];
	_ =	swait.ge [sflag:s4], $0x0  }
0x19: {  	s7 =	sld [smem:$0x3F7A]  }
0x1a: {  	s8 =	sadd.s32 $0xFFFFE003, lr  }
0x1b: {  	s9 =	sadd.s32 $0xFFFFFEF7, lr;
	s5 =	simm.s32 $0xFFFFFFFF;
	p2 =	slt.u32 s8, $0xFFFFF086  }
0x1c: {  	p1 =	slt.u32 s9, $0xF7A;
	s5 =	simm.s32 @!p2 $0x0  }
0x1d: {  	s5 =	simm.s32 @p1 $0x1;
	p0 =	seq.s32 s7, s2  }
0x1e: {  	s7 =	smul.u32 @!p0 $0xF7A, s2;
	p2 =	seq.s32 @!p0 s5, $0x0  }
0x1f: {  	s9 =	smul.u32 $0xF7A, s1;
	s8 =	simm.s32 @!p0 $0x1BF5;
	p2 =	por !p2, p0  }
0x20: {  	[sflag:s8] =	ssyncset.s32 @!p0 $0xFFFFF086;
	s6 =	sadd.s32 @!p0 s3, s7;
	s7 =	simm.s32 @!p0 $0x108  }
0x21: {  	s3 =	sadd.s32 s3, s9;
	s6 =	sadd.s32 @!p0 $0x88, s6;
	s7 =	simm.s32 @p2 $0x1082  }
0x22: {  	[simem:s7], [sflag:s8] =	dma.local @!p0 [hbm:s6], $0xF7A  }
0x23: {  	s9 =	sor.u32 $0xD0000000, s2;
	s6 =	simm.s32 $0x108;
	_ =	swait.ge @!p0 [sflag:s8], $0x0  }
0x24: {  	s3 =	sadd.s32 $0x88, s3;
	s6 =	simm.s32 @!p1 $0x1082;
	[sflag:s4] =	ssyncset.s32 $0xFFFFF086  }
0x25: {  	[simem:s6], [sflag:s4] =	dma.local [hbm:s3], $0xF7A  }
0x26: {  	[smem:$0x3F7A] =	sst s1;
	(tag) =	ssettag s2;
	_ =	strace s9  }
0x27: {  	s1 =	sld [smem:$0x3F8A]  }
0x28: {  	s2 =	sld [smem:$0x3F8B]  }
0x29: {  	s4 =	sld [smem:$0x3F8D]  }
0x2a: {  	p0 =	seq.s32 s5, $0x0;
	s5 =	sld [smem:$0x3F8E]  }
0x2b: {  	s6 =	sld [smem:$0x3F8F]  }
0x2c: {  	s7 =	sld [smem:$0x3F90]  }
0x2d: {  	s3 =	simm.s32 $0x108;
	s8 =	sld [smem:$0x3F91]  }
0x2e: {  	s3 =	simm.s32 @!p0 $0x1082;
	s9 =	sld [smem:$0x3F92]  }
0x2f: {  	lr =	sadd.s32 s0, s3;
	s0 =	sld [smem:$0x3F89]  }
0x30: {  	s3 =	sld [smem:$0x3F8C]  }
0x31: {  	[smem:$0x3F95] =	sst s10  }
0x32: {  	s10 =	sld [smem:$0x3F93];
	_ =	sdelay $0x3  }
0x33: {  	p0 =	seq.s32 s10, $0x1;
	s10 =	sld [smem:$0x3F95];
	_ =	sdelay $0x3  }
0x34: {  	[smem:$0x3F95] =	sst s10  }
0x35: {  	s10 =	sld [smem:$0x3F94];
	_ =	sdelay $0x3  }
0x36: {  	p1 =	seq.s32 s10, $0x1;
	s10 =	sld [smem:$0x3F95];
	_ =	sdelay $0x3  }
0x37: {  	[smem:$0x3F95] =	sst s10  }
0x38: {  	s10 =	sld [smem:$0x3F96]  }
0x39: {  	_ = 	snop;
	(pc) =	sbr.ind lr, $3  }
0x3a: {  	_ = 	snop  }
0x3b: {  	_ = 	snop  }
0x3c: {  	p2 =	seq.s32 s10, $0x1;
	s10 =	sld [smem:$0x3F95]  }
0x3d: {  	_ =	shalt  }
0x3e: {  	_ =	shalt  }
0x3f: {  	_ =	shalt  }
0x40: {  	_ =	shalt  }
0x41: {  	_ =	shalt  }
0x42: {  	_ =	shalt  }
0x43: {  	_ =	shalt  }
0x44: {  	_ =	shalt  }
0x45: {  	_ =	shalt  }
0x46: {  	_ =	shalt  }
0x47: {  	_ =	shalt  }
0x48: {  	_ =	shalt  }
0x49: {  	_ =	shalt  }
0x4a: {  	_ =	shalt  }
0x4b: {  	_ =	shalt  }
0x4c: {  	_ =	shalt  }
0x4d: {  	_ =	shalt  }
0x4e: {  	_ =	shalt  }
0x4f: {  	_ =	shalt  }
0x50: {  	_ =	shalt  }
0x51: {  	_ =	shalt  }
0x52: {  	_ =	shalt  }
0x53: {  	_ =	shalt  }
0x54: {  	_ =	shalt  }
0x55: {  	_ =	shalt  }
0x56: {  	_ =	shalt  }
0x57: {  	_ =	shalt  }
0x58: {  	_ =	shalt  }
0x59: {  	_ =	shalt  }
0x5a: {  	_ =	shalt  }
0x5b: {  	_ =	shalt  }
0x5c: {  	_ =	shalt  }
0x5d: {  	_ =	shalt  }
0x5e: {  	_ =	shalt  }
0x5f: {  	_ =	shalt  }
0x60: {  	_ =	shalt  }
0x61: {  	_ =	shalt  }
0x62: {  	_ =	shalt  }
0x63: {  	_ =	shalt  }
0x64: {  	_ =	shalt  }
0x65: {  	_ =	shalt  }
0x66: {  	_ =	shalt  }
0x67: {  	_ =	shalt  }
0x68: {  	_ =	shalt  }
0x69: {  	_ =	shalt  }
0x6a: {  	_ =	shalt  }
0x6b: {  	_ =	shalt  }
0x6c: {  	_ =	shalt  }
0x6d: {  	_ =	shalt  }
0x6e: {  	_ =	shalt  }
0x6f: {  	_ =	shalt  }
0x70: {  	_ =	shalt  }
0x71: {  	_ =	shalt  }
0x72: {  	_ =	shalt  }
0x73: {  	_ =	shalt  }
0x74: {  	_ =	shalt  }
0x75: {  	_ =	shalt  }
0x76: {  	_ =	shalt  }
0x77: {  	_ =	shalt  }
0x78: {  	_ =	shalt  }
0x79: {  	_ =	shalt  }
0x7a: {  	_ =	shalt  }
0x7b: {  	_ =	shalt  }
0x7c: {  	_ =	shalt  }
0x7d: {  	_ =	shalt  }
0x7e: {  	_ =	shalt  }
0x7f: {  	_ =	shalt  }
0x80: {  	_ =	shalt  }
0x81: {  	_ =	shalt  }
0x82: {  	_ =	shalt  }
0x83: {  	_ =	shalt  }
0x84: {  	_ =	shalt  }
0x85: {  	_ =	shalt  }
0x86: {  	_ =	shalt  }
0x87: {  	_ =	shalt  }
.Lfunc_end0:
.L_simem_size_0:
called_computation.5_lowered:
.L_overlay_start_0:
0x88: {  	s2 =	sld [smem:$0x3FD9]  }
0x89: {  	s3 =	sld [smem:$0x3FFE];
	_ =	sdelay $0x1  }
0x8a: {  	s1 =	srdreg.scid  }
0x8b: {  	s0 =	sand.u32 $0x1, s1  }
0x8c: {  	s16 =	sshll.u32 s0, $0xA;
	s2 =	sadd.s32 s3, s2  }
0x8d: {  	s2 =	sadd.s32 s2, s16  }
0x8e: {  	[smem:$0x3FA1] =	sst s2  }
0x8f: {  	_ = 	snop  }
0x90: {  	(tm) =	ssettm $0x1  }
0x91: {  	s17 =	sld [smem:$0x3FFB];
	_ =	sdelay $0x3  }
0x92: {  	_ =	strace s17  }
0x93: {  	s2 =	sld [smem:$0x3FFC];
	_ =	sdelay $0x3  }
0x94: {  	_ =	strace s2  }
0x95: {  	s2 =	sld [smem:$0x3FFD];
	_ =	sdelay $0x3  }
0x96: {  	_ =	strace s2  }
0x97: {  	_ =	strace $0x8FFFFFFF  }
0x98: {  	s18 =	sld [smem:$0x3FDB];
	_ =	sdelay $0x1  }
0x99: {  	s19 =	simm.s32 $_scs_section_size  }
0x9a: {  	s4 =	simm.s32 $_size__tile_overlayer_lowered;
	s5 =	simm.s32 $_tile_overlayer_lowered  }
0x9b: {  	s22 =	simm.s32 $0x1BFF;
	s21 =	sshll.u32 s5, $0x1;
	s2 =	sadd.s32 s19, s18  }
0x9c: {  	s6 =	simm.s32 $0x0;
	s20 =	sshll.u32 s4, $0x1;
	s4 =	sadd.s32 s21, s2  }
0x9d: {  	[timem:s6], [sflag:s22] =	dma.local [hbm:s4], s20  }
0x9e: {  	_ =	swait.ge [sflag:s22], s20  }
0x9f: {  	s3 =	ssub.s32 $0x0, s20;
	[sflag:s22] =	ssyncset.done $0x0  }
0xa0: {  	[sflag:s22] =	ssyncadd.s32 s3;
	_ =	sdelay $0x1  }
0xa1: {  	s23 =	simm.s32 $0x1B8B  }
0xa2: {  	_ =	swait.ge [sflag:s23], $0x1  }
0xa3: {  	[sflag:s23] =	ssyncset.done $0x0  }
0xa4: {  	s25 =	simm.s32 $0x1B8E;
	s24 =	sld [smem:$0x3FFE];
	[sflag:s23] =	ssyncadd.s32 $0xFFFFFFFF  }
0xa5: {  	s26 =	simm.s32 $execute0_lowered;
	[smem:$0x3FD2] =	sst s25  }
0xa6: {  	s4 =	sshll.u32 s26, $0x1;
	_ =	strace $0x80000055;
	[dreg:$0x1] =	wrdreg $0xFFFFFFFF  }
0xa7: {  	s28 =	simm.s32 $_size_execute0_lowered;
	s2 =	sadd.s32 s2, s4;
	[dreg:$0x0] =	wrdreg $0x0  }
0xa8: {  	s4 =	sshll.u32 s28, $0x1;
	[dreg:$0x2] =	wrdreg s2  }
0xa9: {  	[dreg:$0x3] =	wrdreg s4  }
0xaa: {  	[dreg:$0x4] =	wrdreg $0xC0  }
0xab: {  	_ =	task [dreg:s6], $0x5FFFF  }
0xac: {  	[dreg:$0x1] =	wrdreg $0xFFFFFFFF  }
0xad: {  	[dreg:$0x0] =	wrdreg $0x60  }
0xae: {  	[dreg:$0x2] =	wrdreg s24  }
0xaf: {  	[dreg:$0x3] =	wrdreg $0x8200  }
0xb0: {  	[dreg:$0x4] =	wrdreg $0x9  }
0xb1: {  	_ =	task.clear_ibuf [dreg:s6], $0x5FFFF;
	_ =	strace $0x90000055  }
0xb2: {  	s29 =	simm.s32 $0x9;
	_ =	strace $0x80000057  }
0xb3: {  	_ =	swait.ge [sflag:s29], $0x1  }
0xb4: {  	[sflag:s29] =	ssyncadd.s32 $0xFFFFFFFF  }
0xb5: {  	_ =	strace $0x90000057  }
0xb6: {  	_ =	sfence  }
0xb7: {  	s30 =	sld [smem:$0x0];
	_ =	sdelay $0x2  }
0xb8: {  	s31 =	sshll.u32 s1, $0xD;
	s1 =	sshrl.u32 s1, $0x2  }
0xb9: {  	s3 =	sand.u32 $0x4000, s31;
	s1 =	sadd.s32 s1, s30  }
0xba: {  	s0 =	sor.u32 s3, s0;
	s1 =	sshll.u32 s1, $0x11  }
0xbb: {  	s0 =	sor.u32 s1, s0  }
0xbc: {  	s0 =	sadd.s32 $0x8F2B, s0  }
0xbd: {  	[sflag:s0] =	ssyncadd.remote.s32 $0x1  }
0xbe: {  	_ =	sfence.sel $0xFFFF  }
0xbf: {  	[dreg:$0x0] =	wrdreg $0xFFFFFFFF;
	(pc) =	sbr.abs _section_cstart, $3  }
0xc0: {  	[dreg:$0x1] =	wrdreg $0xFFFFFFFF  }
0xc1: {  	_ =	task.clear_ibuf [dreg:s6], $0x2FFFF;
	_ =	strace $0x9FFFFFFF  }
0xc2: {  	(tm) =	ssettm $0x7FFFFFFF  }
0xc3: {  	_ =	shalt  }
tec
execute0_lowered:
.L_overlay_start_1:
0x0: {  	(tag) =	ssettag $0x1  }
0x1: {  	s1 =	srdreg.scid  }
0x2: {  	s11 =	rddreg [dreg:$0x0];
	s0 =	stileid.u32;
	s13 =	sand.u32 $0x1, s1  }
0x3: {  	s2 =	rddreg [dreg:$0x1];
	s5 =	sshll.u32 s0, $0x5;
	s4 =	sshll.u32 s13, $0x9  }
0x4: {  	s3 =	simm.s32 $0x0;
	s1 =	rddreg [dreg:$0x2];
	s12 =	sor.u32 s5, s4  }
0x5: {  	[smem:$0x7FF] =	sst s3;
	s4 =	sshrl.u32 s12, $0x3  }
0x6: {  	s6 =	smul.u32 $0xA000, s0;
	s30 =	sshll.u32 s0, $0x6;
	s4 =	sadd.s32 s4, s11  }
0x7: {  	_ =	strace $0x80000056;
	s5 =	sadd.s32 $0x6A800, s4;
	s4 =	simm.s32 $0x2  }
0x8: {  	[tilespmem:s3], [sflag:$0x2] =	stream.linear.gather [hbm4b:s5+s3], $0x20, $0x38;
	[tilespmem:$0xA820] =	vst v63  }
0x9: {  	s7 =	sshrl.u32 s6, $0x3;
	s8 =	sadd.s32 s6, s2;
	_ =	swait.ge [sflag:s4], $0x20  }
0xa: {  	s14 =	sadd.s32 s7, s11;
	s7 =	sor.u32 $0x1C02, s30;
	[sflag:s4] =	ssyncset.done $0x0  }
0xb: {  	s8 =	sshrl.u32 s8, $0x3;
	s6 =	sadd.s32 $0x1A800, s14;
	[sflag:s4] =	ssyncadd.s32 $0xFFFFFFE0  }
0xc: {  	[spmem:s8], [sflag:s7] =	dma.local [hbm:s6], $0x1400  }
0xd: {  	_ =	swait.ge [sflag:s4], $0x1400  }
0xe: {  	[sflag:s4] =	ssyncset.done $0x0  }
0xf: {  	[sflag:s4] =	ssyncadd.s32 $0xFFFFEC00  }
0x10: {  	s9 =	simm.s32 $0x20;
	s10 =	simm.s32 $0x1;
	[bflag:$0x0] =	sbarrier.arrive $0xFFFF  }
0x11: {  	[tilespmem:s9], [sflag:$0x1] =	stream.indirect.gather [spmem:s2], $0x40, s3, s9, $0xb8;
	[tilespmem:$0xA820] =	vst v63  }
0x12: {  	s12 =	sshll.u32 s12, $0x3;
	_ =	swait.ge [sflag:s10], $0x800  }
0x13: {  	s15 =	sadd.s32 s12, s11;
	[sflag:s10] =	ssyncset.done $0x0  }
0x14: {  	s11 =	sadd.s32 $0x8C00, s15;
	[sflag:s10] =	ssyncadd.s32 $0xFFFFF800  }
0x15: {  	[hbm4b:s11+s3] =	stream.linear.scatter [tilespmem:s9], [sflag:$0x2], $0x800, $0x38;
	[tilespmem:$0xA820] =	vst v63  }
0x16: {  	_ =	swait.ge [sflag:s4], $0x800  }
0x17: {  	[sflag:s4] =	ssyncset.done $0x0  }
0x18: {  	[sflag:s4] =	ssyncadd.s32 $0xFFFFF800  }
0x19: {  	s12 =	sadd.s32 $0x2E800, s14;
	[bflag:$0x0] =	sbarrier.arrive $0xFFFF  }
0x1a: {  	[spmem:s8], [sflag:s7] =	dma.local [hbm:s12], $0x1400  }
0x1b: {  	s13 =	ssub.s32 $0x2, s13;
	_ =	swait.ge [sflag:s4], $0x1400  }
0x1c: {  	s31 =	sshrl.u32 s13, $0x1;
	[sflag:s4] =	ssyncset.done $0x0  }
0x1d: {  	s14 =	ssub.s32 s13, s31;
	[sflag:s4] =	ssyncadd.s32 $0xFFFFEC00  }
0x1e: {  	s14 =	smax.u32 s14, $0x1;
	[bflag:$0x0] =	sbarrier.arrive $0xFFFF  }
0x1f: {  	[tilespmem:s9], [sflag:$0x1] =	stream.indirect.gather [spmem:s2], $0x40, s3, s9, $0xb8;
	[tilespmem:$0xA820] =	vst v63  }
0x20: {  	p0 =	sne.s32 s14, $0x1;
	_ =	swait.ge [sflag:s10], $0x800  }
.Ltmp0:
0x21: {  	[sflag:s10] =	ssyncset.done $0x0;
	(pc) =	sbr.rel @!p0 .LBB2_2-.Ltmp0, $4  }
0x22: {  	s13 =	sadd.s32 $0x6C00, s15;
	[sflag:s10] =	ssyncadd.s32 $0xFFFFF800  }
0x23: {  	[hbm4b:s13+s3] =	stream.linear.scatter [tilespmem:s9], [sflag:$0x2], $0x800, $0x38;
	[tilespmem:$0xA820] =	vst v63  }
0x24: {  	_ =	swait.ge [sflag:s4], $0x800  }
0x25: {  	s14 =	sadd.s32 $0xFFFFFFFF, s14;
	[sflag:s4] =	ssyncset.done $0x0  }
.LBB2_1:
0x26: {  	p0 =	sne.s32 s14, $0x1;
	s14 =	sadd.s32 $0xFFFFFFFF, s14;
	[sflag:s4] =	ssyncadd.s32 $0xFFFFF800  }
0x27: {  	[tilespmem:s3], [sflag:$0x2] =	stream.linear.gather [hbm4b:s5+s3], $0x20, $0x38;
	[tilespmem:$0xA820] =	vst v63  }
0x28: {  	_ =	swait.ge [sflag:s4], $0x20  }
0x29: {  	[sflag:s4] =	ssyncset.done $0x0  }
0x2a: {  	[sflag:s4] =	ssyncadd.s32 $0xFFFFFFE0  }
0x2b: {  	[spmem:s8], [sflag:s7] =	dma.local [hbm:s6], $0x1400  }
0x2c: {  	_ =	swait.ge [sflag:s4], $0x1400  }
0x2d: {  	[sflag:s4] =	ssyncset.done $0x0  }
0x2e: {  	[sflag:s4] =	ssyncadd.s32 $0xFFFFEC00  }
0x2f: {  	[bflag:$0x0] =	sbarrier.arrive $0xFFFF  }
0x30: {  	[tilespmem:s9], [sflag:$0x1] =	stream.indirect.gather [spmem:s2], $0x40, s3, s9, $0xb8;
	[tilespmem:$0xA820] =	vst v63  }
0x31: {  	_ =	swait.ge [sflag:s10], $0x800  }
0x32: {  	[sflag:s10] =	ssyncset.done $0x0  }
0x33: {  	[sflag:s10] =	ssyncadd.s32 $0xFFFFF800  }
0x34: {  	[hbm4b:s11+s3] =	stream.linear.scatter [tilespmem:s9], [sflag:$0x2], $0x800, $0x38;
	[tilespmem:$0xA820] =	vst v63  }
0x35: {  	_ =	swait.ge [sflag:s4], $0x800  }
0x36: {  	[sflag:s4] =	ssyncset.done $0x0  }
0x37: {  	[sflag:s4] =	ssyncadd.s32 $0xFFFFF800  }
0x38: {  	[bflag:$0x0] =	sbarrier.arrive $0xFFFF  }
0x39: {  	[spmem:s8], [sflag:s7] =	dma.local [hbm:s12], $0x1400  }
0x3a: {  	_ =	swait.ge [sflag:s4], $0x1400  }
0x3b: {  	[sflag:s4] =	ssyncset.done $0x0  }
0x3c: {  	[sflag:s4] =	ssyncadd.s32 $0xFFFFEC00  }
0x3d: {  	[bflag:$0x0] =	sbarrier.arrive $0xFFFF  }
0x3e: {  	[tilespmem:s9], [sflag:$0x1] =	stream.indirect.gather [spmem:s2], $0x40, s3, s9, $0xb8;
	[tilespmem:$0xA820] =	vst v63  }
0x3f: {  	_ =	swait.ge [sflag:s10], $0x800  }
.Ltmp1:
0x40: {  	[sflag:s10] =	ssyncset.done $0x0;
	(pc) =	sbr.rel @p0 .LBB2_1-.Ltmp1, $4  }
0x41: {  	[sflag:s10] =	ssyncadd.s32 $0xFFFFF800  }
0x42: {  	[hbm4b:s13+s3] =	stream.linear.scatter [tilespmem:s9], [sflag:$0x2], $0x800, $0x38;
	[tilespmem:$0xA820] =	vst v63  }
0x43: {  	_ =	swait.ge [sflag:s4], $0x800  }
0x44: {  	[sflag:s4] =	ssyncset.done $0x0  }
.LBB2_2:
0x45: {  	[sflag:s4] =	ssyncadd.s32 $0xFFFFF800  }
0x46: {  	_ =	sfence.sel $0x180000  }
0x47: {  	[bflag:$0x0] =	sbarrier.arrive $0xFFFF  }
0x48: {  	p0 =	sne.s32 s0, $0x0;
	_ =	strace $0x90000056  }
0x49: {  	s0 =	sadd.s32 @!p0 $0x100000, s1;
	[bflag:$0x2] =	sbarrier.arrive $0xFFFF  }
0x4a: {  	[sflag:s0] =	ssyncadd.tile.s32 @!p0 $0x1;
	_ =	shalt  }
.Lfunc_end2:
_tile_overlayer_lowered:
.L_overlay_start_2:
0x4b: {  	(tag) =	ssettag $0x2  }
0x4c: {  	s0 =	rddreg [dreg:$0x0];
	s2 =	stileid.u32  }
0x4d: {  	s1 =	rddreg [dreg:$0x1];
	p0 =	sne.s32 s2, $0x0  }
0x4e: {  	s3 =	rddreg [dreg:$0x2];
	[bflag:$0x3] =	sbarrier.arrive $0xFFFF;
	s2 =	simm.s32 @!p0 $0x1C02  }
0x4f: {  	[timem:s3], [sflag:s2] =	dma.local @!p0 [hbm:s0], s1  }
0x50: {  	s0 =	simm.s32 @!p0 $0x2  }
0x51: {  	_ =	swait.ge @!p0 [sflag:s0], s1  }
0x52: {  	s1 =	ssub.s32 @!p0 $0x0, s1;
	[sflag:s0] =	ssyncset.done @!p0 $0x0  }
0x53: {  	[sflag:s0] =	ssyncadd.s32 @!p0 s1  }
0x54: {  	[bflag:$0x3] =	sbarrier.arrive $0xFFFF  }
0x55: {  	_ =	shalt  }

</sc_bundles>
